<compile_context>
chip_gen: v7x
topology: tpu7x:2x2x1
jax: 0.10.2.dev20260603
libtpu: 0.0.44.dev20260713+nightly
codegen_flags: <defaults>
</compile_context>

<pallas_src>
import functools

import jax
import jax.numpy as jnp
from jax import lax
from jax.experimental import pallas as pl
from jax.experimental.pallas import tpu as pltpu
from jax.experimental.pallas import tpu_sc as plsc

N, E, D, H, G = 10000, 320000, 128, 128, 16
NP = 10240
NC, NS = 2, 16
TILES = NC * NS
CH = 128
CPT = 80
EPT = CPT * CH
ZR = NP // NS
NB = 2
NQ = 4
RB = 512
NBLK = NP // RB

_mesh = plsc.VectorSubcoreMesh(core_axis_name="c", subcore_axis_name="s")



NR = NP // D


def _sc_deg(dst3, zero_rows):

    @functools.partial(
        pl.kernel,
        out_type=jax.ShapeDtypeStruct((NC, NR, D), jnp.float32),
        mesh=_mesh,
        compiler_params=pltpu.CompilerParams(needs_layout_passes=False),
        scratch_types=[
            pltpu.VMEM((CPT, CH), jnp.int32),
            pltpu.VMEM((NR, D), jnp.float32),
            pltpu.VMEM((NR,), jnp.int32),
            pltpu.VMEM_SHARED((NR, D), jnp.float32),
        ],
    )
    def k(dst_hbm, zz_hbm, out_hbm, didx, hist, rowidx, deg_sh):
        cid = lax.axis_index("c")
        sid = lax.axis_index("s")
        wid = cid * NS + sid
        nch = jnp.minimum(CPT, (E - wid * EPT) // CH)
        zr = 8
        pltpu.sync_copy(dst_hbm.at[wid], didx)

        @pl.when(sid < NR // zr)
        def _():
            pltpu.sync_copy(zz_hbm.at[pl.ds(0, zr)],
                            deg_sh.at[pl.ds(sid * zr, zr)])
        for j in range(NR // 16):
            rowidx[pl.ds(j * 16, 16)] = lax.iota(jnp.int32, 16) + j * 16

        def zbody(i, carry):
            for j in range(D // 16):
                hist[i, pl.ds(j * 16, 16)] = jnp.zeros((16,), jnp.float32)
            return carry

        lax.fori_loop(0, NR, zbody, 0)
        plsc.subcore_barrier()

        ones16 = jnp.ones((16,), jnp.float32)

        def body(ch, carry):
            for j in range(CH // 16):
                v = didx[ch, pl.ds(j * 16, 16)]
                row = jnp.right_shift(v, 7)
                col = jnp.bitwise_and(v, 127)
                plsc.addupdate_scatter(hist, [row, col], ones16)
            return carry

        lax.fori_loop(0, nch, body, 0)
        pltpu.sync_copy(hist, deg_sh.at[rowidx], add=True)
        plsc.subcore_barrier()

        @pl.when(sid < NR // zr)
        def _():
            pltpu.sync_copy(deg_sh.at[pl.ds(sid * zr, zr)],
                            out_hbm.at[cid, pl.ds(sid * zr, zr)])

    return k(dst3, zero_rows)


def _sc_scatter(mt, src3, dst3, zero_rows):

    @functools.partial(
        pl.kernel,
        out_type=jax.ShapeDtypeStruct((NC, NP, D), jnp.float32),
        mesh=_mesh,
        scratch_types=[
            pltpu.VMEM((NQ, CH), jnp.int32),
            pltpu.VMEM((NQ, CH), jnp.int32),
            pltpu.VMEM((NB, CH, D), jnp.float32),
            pltpu.VMEM_SHARED((NP, D), jnp.float32),
            pltpu.SemaphoreType.DMA,
            pltpu.SemaphoreType.DMA,
        ],
    )
    def k(mt_hbm, src_hbm, dst_hbm, zz_hbm, out_hbm,
          sidx, didx, rows, agg_sh, gsem, isem):
        cid = lax.axis_index("c")
        sid = lax.axis_index("s")
        wid = cid * NS + sid
        nch = jnp.minimum(CPT, (E - wid * EPT) // CH)
        pltpu.sync_copy(zz_hbm, agg_sh.at[pl.ds(sid * ZR, ZR)])

        def fetch_idx(ch):
            q = lax.rem(ch, NQ)
            pltpu.async_copy(src_hbm.at[wid, ch], sidx.at[q], isem)
            pltpu.async_copy(dst_hbm.at[wid, ch], didx.at[q], isem)

        def wait_idx():
            pltpu.make_async_copy(src_hbm.at[0, 0], sidx.at[0], isem).wait()
            pltpu.make_async_copy(src_hbm.at[0, 0], didx.at[0], isem).wait()

        def start_gather(ch, b):
            q = lax.rem(ch, NQ)
            pltpu.async_copy(mt_hbm.at[sidx.at[q]], rows.at[b], gsem)

        plsc.subcore_barrier()

        for ch in range(NQ):
            fetch_idx(ch)
        for ch in range(NB):
            wait_idx()
            start_gather(ch, ch)

        def body(ch, carry):
            b = lax.rem(ch, NB)
            q = lax.rem(ch, NQ)
            pltpu.make_async_copy(mt_hbm.at[pl.ds(0, CH)],
                                  rows.at[b], gsem).wait()
            pltpu.sync_copy(rows.at[b], agg_sh.at[didx.at[q]], add=True)

            @pl.when(ch + NQ < nch)
            def _():
                fetch_idx(ch + NQ)

            @pl.when(ch + NB < nch)
            def _():
                wait_idx()
                start_gather(ch + NB, b)

            return carry

        lax.fori_loop(0, nch, body, 0)
        plsc.subcore_barrier()
        pltpu.sync_copy(agg_sh.at[pl.ds(sid * ZR, ZR)],
                        out_hbm.at[cid, pl.ds(sid * ZR, ZR)])

    return k(mt, src3, dst3, zero_rows)



def _mm2_body(x_ref, w0_ref, b0_ref, w1_ref, b1_ref, d0_ref, d1_ref,
              h_ref, mt_ref):
    h = jnp.dot(x_ref[...], w0_ref[...],
                preferred_element_type=jnp.float32) + b0_ref[...]
    h_ref[...] = h
    dinv = lax.rsqrt(d0_ref[...] + d1_ref[...] + 1.0)
    mt_ref[...] = (jnp.dot(h, w1_ref[...],
                           preferred_element_type=jnp.float32)
                   + b1_ref[...]) * dinv


def _mm2(x, W0, b0, W1, b1, d0, d1):
    return pl.pallas_call(
        _mm2_body,
        grid=(NBLK,),
        in_specs=[
            pl.BlockSpec((RB, D), lambda i: (i, 0)),
            pl.BlockSpec((D, H), lambda i: (0, 0)),
            pl.BlockSpec((1, H), lambda i: (0, 0)),
            pl.BlockSpec((H, H), lambda i: (0, 0)),
            pl.BlockSpec((1, H), lambda i: (0, 0)),
            pl.BlockSpec((RB, 1), lambda i: (i, 0)),
            pl.BlockSpec((RB, 1), lambda i: (i, 0)),
        ],
        out_specs=[
            pl.BlockSpec((RB, H), lambda i: (i, 0)),
            pl.BlockSpec((RB, H), lambda i: (i, 0)),
        ],
        out_shape=[
            jax.ShapeDtypeStruct((NP, H), jnp.float32),
            jax.ShapeDtypeStruct((NP, H), jnp.float32),
        ],
    )(x, W0, b0.reshape(1, H), W1, b1.reshape(1, H), d0, d1)


def _combine_body(s0_ref, s1_ref, mt_ref, hp_ref, d0_ref, d1_ref,
                  w_ref, b_ref, h_ref, mt2_ref):
    dinv = lax.rsqrt(d0_ref[...] + d1_ref[...] + 1.0)
    agg = (s0_ref[...] + s1_ref[...] + mt_ref[...]) * dinv
    h = jnp.maximum(agg, 0.0) + hp_ref[...]
    h_ref[...] = h
    mt2_ref[...] = (jnp.dot(h, w_ref[...],
                            preferred_element_type=jnp.float32)
                    + b_ref[...]) * dinv


def _combine(s0, s1, mt, hprev, d0, d1, W, b):
    return pl.pallas_call(
        _combine_body,
        grid=(NBLK,),
        in_specs=[
            pl.BlockSpec((RB, H), lambda i: (i, 0)),
            pl.BlockSpec((RB, H), lambda i: (i, 0)),
            pl.BlockSpec((RB, H), lambda i: (i, 0)),
            pl.BlockSpec((RB, H), lambda i: (i, 0)),
            pl.BlockSpec((RB, 1), lambda i: (i, 0)),
            pl.BlockSpec((RB, 1), lambda i: (i, 0)),
            pl.BlockSpec((H, H), lambda i: (0, 0)),
            pl.BlockSpec((1, H), lambda i: (0, 0)),
        ],
        out_specs=[
            pl.BlockSpec((RB, H), lambda i: (i, 0)),
            pl.BlockSpec((RB, H), lambda i: (i, 0)),
        ],
        out_shape=[
            jax.ShapeDtypeStruct((NP, H), jnp.float32),
            jax.ShapeDtypeStruct((NP, H), jnp.float32),
        ],
    )(s0, s1, mt, hprev, d0, d1, W, b.reshape(1, H))


def _final_body(s0_ref, s1_ref, mt_ref, hp_ref, d0_ref, d1_ref, bc_ref,
                m1_ref, mb1_ref, m2_ref, mb2_ref, out_ref, sums, cnts):
    i = pl.program_id(0)

    @pl.when(i == 0)
    def _():
        sums[...] = jnp.zeros_like(sums)
        cnts[...] = jnp.zeros_like(cnts)

    dinv = lax.rsqrt(d0_ref[...] + d1_ref[...] + 1.0)
    agg = (s0_ref[...] + s1_ref[...] + mt_ref[...]) * dinv
    h2 = jnp.maximum(agg, 0.0) + hp_ref[...]
    gids = lax.broadcasted_iota(jnp.int32, (G, RB), 0)
    oh = jnp.where(bc_ref[0] == gids, 1.0, 0.0)
    sums[...] += jnp.dot(oh, h2, preferred_element_type=jnp.float32)
    cnts[...] += jnp.dot(oh, jnp.ones((RB, H), jnp.float32),
                         preferred_element_type=jnp.float32)

    @pl.when(i == NBLK - 1)
    def _():
        pooled = sums[...] / jnp.maximum(cnts[...], 1.0)
        hid = jnp.maximum(
            jnp.dot(pooled, m1_ref[...],
                    preferred_element_type=jnp.float32) + mb1_ref[...], 0.0)
        out_ref[...] = jnp.dot(hid, m2_ref[...],
                               preferred_element_type=jnp.float32) + mb2_ref[...]


def _final(s0, s1, mt, hprev, d0, d1, batch2, M1, mb1, M2, mb2):
    return pl.pallas_call(
        _final_body,
        grid=(NBLK,),
        in_specs=[
            pl.BlockSpec((RB, H), lambda i: (i, 0)),
            pl.BlockSpec((RB, H), lambda i: (i, 0)),
            pl.BlockSpec((RB, H), lambda i: (i, 0)),
            pl.BlockSpec((RB, H), lambda i: (i, 0)),
            pl.BlockSpec((RB, 1), lambda i: (i, 0)),
            pl.BlockSpec((RB, 1), lambda i: (i, 0)),
            pl.BlockSpec((1, 1, RB), lambda i: (i, 0, 0)),
            pl.BlockSpec((H, 256), lambda i: (0, 0)),
            pl.BlockSpec((1, 256), lambda i: (0, 0)),
            pl.BlockSpec((256, 1), lambda i: (0, 0)),
            pl.BlockSpec((1, 1), lambda i: (0, 0)),
        ],
        out_specs=pl.BlockSpec((G, 1), lambda i: (0, 0)),
        out_shape=jax.ShapeDtypeStruct((G, 1), jnp.float32),
        scratch_shapes=[
            pltpu.VMEM((G, H), jnp.float32),
            pltpu.VMEM((G, H), jnp.float32),
        ],
    )(s0, s1, mt, hprev, d0, d1, batch2, M1, mb1.reshape(1, 256), M2,
      mb2.reshape(1, 1))



def kernel(x, edge_index, batch, W0, b0, W1, b1, W2, b2, M1, mb1, M2, mb2):
    ep = TILES * EPT - E
    src3 = jnp.concatenate(
        [edge_index[0], jnp.zeros((ep,), jnp.int32)]).reshape(TILES, CPT, CH)
    dst3 = jnp.concatenate(
        [edge_index[1], jnp.full((ep,), N, jnp.int32)]).reshape(TILES, CPT, CH)
    x_p = jnp.pad(x, ((0, NP - N), (0, 0)))
    batch2 = jnp.concatenate(
        [batch, jnp.full((NP - N,), G, jnp.int32)]).reshape(NBLK, 1, RB)

    zro = jnp.zeros((ZR, D), jnp.float32)

    degp = _sc_deg(dst3, zro)
    d0 = degp[0].reshape(NP, 1)
    d1 = degp[1].reshape(NP, 1)

    h0, mt1 = _mm2(x_p, W0, b0, W1, b1, d0, d1)
    s1 = _sc_scatter(mt1, src3, dst3, zro)
    h1, mt2 = _combine(s1[0], s1[1], mt1, h0, d0, d1, W2, b2)
    s2 = _sc_scatter(mt2, src3, dst3, zro)
    return _final(s2[0], s2[1], mt2, h1, d0, d1, batch2, M1, mb1, M2, mb2)

# --- scband reference (transcript-rebuilt; emitter-appended) ---
"""Pipeline reference for scband-value-gcn-55224689492699 (READ-ONLY COPY).

The authoritative reference and input builder live on the scoring server;
editing this copy changes nothing except your own understanding.
"""

import jax, jax.numpy as jnp
import numpy as np

N, E, D, H, G = 10000, 320000, 128, 128, 16

def setup_inputs(seed: int = 0) -> dict:
    key = jax.random.key(seed)
    ks = jax.random.split(key, 13)
    x = jax.random.normal(ks[0], (N, D), dtype=jnp.float32)
    edge_index = jax.random.randint(ks[1], (2, E), 0, N, dtype=jnp.int32)
    batch = jnp.sort(jax.random.randint(ks[2], (N,), 0, G, dtype=jnp.int32))
    W0 = jax.random.normal(ks[3], (D, H), dtype=jnp.float32) * 0.05
    b0 = jnp.zeros((H,), dtype=jnp.float32)
    W1 = jax.random.normal(ks[4], (H, H), dtype=jnp.float32) * 0.05
    b1 = jnp.zeros((H,), dtype=jnp.float32)
    W2 = jax.random.normal(ks[5], (H, H), dtype=jnp.float32) * 0.05
    b2 = jnp.zeros((H,), dtype=jnp.float32)
    M1 = jax.random.normal(ks[6], (H, 256), dtype=jnp.float32) * 0.05
    mb1 = jnp.zeros((256,), dtype=jnp.float32)
    M2 = jax.random.normal(ks[7], (256, 1), dtype=jnp.float32) * 0.05
    mb2 = jnp.zeros((1,), dtype=jnp.float32)
    return {"x": x, "edge_index": edge_index, "batch": batch, "W0": W0, "b0": b0,
            "W1": W1, "b1": b1, "W2": W2, "b2": b2, "M1": M1, "mb1": mb1, "M2": M2, "mb2": mb2}

def reference(x, edge_index, batch, W0, b0, W1, b1, W2, b2, M1, mb1, M2, mb2):
    n = x.shape[0]
    loop = jnp.arange(n, dtype=edge_index.dtype)
    src = jnp.concatenate([edge_index[0], loop])
    dst = jnp.concatenate([edge_index[1], loop])
    deg = jnp.zeros((n,), x.dtype).at[dst].add(1.0)
    dinv = 1.0 / jnp.sqrt(jnp.maximum(deg, 1.0))
    norm = dinv[src] * dinv[dst]
    h = x @ W0 + b0
    def gcn_layer(h, W, b):
        m = h @ W + b
        msg = m[src] * norm[:, None]
        agg = jnp.zeros_like(m).at[dst].add(msg)
        out = jax.nn.relu(agg)
        if out.shape == h.shape:
            out = out + h  # residual
        return out
    h = gcn_layer(h, W1, b1)
    h = gcn_layer(h, W2, b2)
    # global mean pool over batch (graph ids)
    sums = jax.ops.segment_sum(h, batch, num_segments=G)
    cnt = jax.ops.segment_sum(jnp.ones((n, 1), h.dtype), batch, num_segments=G)
    pooled = sums / jnp.maximum(cnt, 1.0)
    hid = jax.nn.relu(pooled @ M1 + mb1)
    out = hid @ M2 + mb2
    return out

if __name__ == "__main__":
    import jax
    _d = setup_inputs()
    print(jax.jit(kernel)(*tuple(_d.values())))

</pallas_src>

<mosaic_0001>
#map = affine_map<(d0, d1) -> (0, 0, 0)>
#map1 = affine_map<(d0, d1) -> (0, 0)>
module attributes {stable_mosaic.version = 14 : i64} {
  func.func @k(%arg0: i32, %arg1: i32, %arg2: memref<32x80x128xi32, #tpu.memory_space<hbm>>, %arg3: memref<640x128xf32, #tpu.memory_space<hbm>>, %arg4: memref<2x80x128xf32, #tpu.memory_space<hbm>>, %arg5: memref<80x128xi32, #tpu.memory_space<vmem>>, %arg6: memref<80x128xf32, #tpu.memory_space<vmem>>, %arg7: memref<80xi32, #tpu.memory_space<vmem>>, %arg8: memref<80x128xf32, #tpu.memory_space<vmem_shared>>) attributes {dimension_semantics = [#tpu.dimension_semantics<core_parallel>, #tpu.dimension_semantics<subcore_parallel>], iteration_bounds = array<i64: 2, 16>, scalar_prefetch = 0 : i64, scratch_operands = 4 : i64, tpu.core_type = #tpu.core_type<sc_vector_subcore>, window_params = [{transform_indices = #map}, {transform_indices = #map1}, {transform_indices = #map}]} {
    %mul3A = arith.constant 16 : i32
    %mul3A_0 = arith.muli %arg0, %mul3A : i32
    %add3A = arith.addi %mul3A_0, %arg1 : i32
    %mul3A_1 = arith.constant 10240 : i32
    %mul3A_2 = arith.muli %add3A, %mul3A_1 : i32
    %sub3A = arith.constant 320000 : i32
    %sub3A_3 = arith.subi %sub3A, %mul3A_2 : i32
    %jit3A = arith.constant 128 : i32
    %div3A = arith.divsi %sub3A_3, %jit3A : i32
    %sign3A = arith.constant 0 : i32
    %sign3A_4 = arith.cmpi sgt, %sub3A_3, %sign3A : i32
    %sign3A_5 = arith.extui %sign3A_4 : i1 to i32
    %sign3A_6 = arith.constant 0 : i32
    %sign3A_7 = arith.cmpi slt, %sub3A_3, %sign3A_6 : i32
    %sign3A_8 = arith.extui %sign3A_7 : i1 to i32
    %sign3A_9 = arith.subi %sign3A_5, %sign3A_8 : i32
    %sign3A_10 = arith.constant 0 : i32
    %sign3A_11 = arith.cmpi sgt, %jit3A, %sign3A_10 : i32
    %sign3A_12 = arith.extui %sign3A_11 : i1 to i32
    %sign3A_13 = arith.constant 0 : i32
    %sign3A_14 = arith.cmpi slt, %jit3A, %sign3A_13 : i32
    %sign3A_15 = arith.extui %sign3A_14 : i1 to i32
    %sign3A_16 = arith.subi %sign3A_12, %sign3A_15 : i32
    %ne3A = arith.cmpi ne, %sign3A_9, %sign3A_16 : i32
    %rem3A = arith.remsi %sub3A_3, %jit3A : i32
    %ne3A_17 = arith.constant 0 : i32
    %ne3A_18 = arith.cmpi ne, %rem3A, %ne3A_17 : i32
    %and3A = arith.andi %ne3A, %ne3A_18 : i1
    %sub3A_19 = arith.constant 1 : i32
    %sub3A_20 = arith.subi %div3A, %sub3A_19 : i32
    %select_n3A = arith.select %and3A, %sub3A_20, %div3A : i32
    %min3A = arith.constant 80 : i32
    %min3A_21 = arith.minsi %min3A, %select_n3A : i32
    "tpu.region"() ({
      %run_scoped3A = tpu.sem_alloc : memref<!tpu.dma_semaphore, #tpu.memory_space<semaphore_mem>>
      %dma_start3A = arith.constant 0 : i32
      %dma_start3A_73 = arith.constant 0 : i32
      %dma_start3A_74 = tpu.memref_slice %arg2[%add3A, %dma_start3A, %dma_start3A_73] : memref<32x80x128xi32, #tpu.memory_space<hbm>> -> memref<1x80x128xi32, #tpu.memory_space<hbm>>
      %dma_start3A_75 = tpu.memref_squeeze %dma_start3A_74 : memref<1x80x128xi32, #tpu.memory_space<hbm>> -> memref<80x128xi32, #tpu.memory_space<hbm>>
      %dma_start3A_76 = arith.constant 0 : i32
      %dma_start3A_77 = arith.constant 0 : i32
      %dma_start3A_78 = tpu.memref_slice %arg2[%add3A, %dma_start3A_76, %dma_start3A_77] : memref<32x80x128xi32, #tpu.memory_space<hbm>> -> memref<1x80x128xi32, #tpu.memory_space<hbm>>
      %dma_start3A_79 = tpu.memref_squeeze %dma_start3A_78 : memref<1x80x128xi32, #tpu.memory_space<hbm>> -> memref<80x128xi32, #tpu.memory_space<hbm>>
      tpu.enqueue_dma source(%dma_start3A_79 : memref<80x128xi32, #tpu.memory_space<hbm>>) target(%arg5 : memref<80x128xi32, #tpu.memory_space<vmem>>) target_semaphore(%run_scoped3A : memref<!tpu.dma_semaphore, #tpu.memory_space<semaphore_mem>>)
      %dma_wait3A = arith.constant 0 : i32
      %dma_wait3A_80 = arith.constant 0 : i32
      %dma_wait3A_81 = tpu.memref_slice %arg2[%add3A, %dma_wait3A, %dma_wait3A_80] : memref<32x80x128xi32, #tpu.memory_space<hbm>> -> memref<1x80x128xi32, #tpu.memory_space<hbm>>
      %dma_wait3A_82 = tpu.memref_squeeze %dma_wait3A_81 : memref<1x80x128xi32, #tpu.memory_space<hbm>> -> memref<80x128xi32, #tpu.memory_space<hbm>>
      %dma_wait3A_83 = arith.constant 0 : i32
      %dma_wait3A_84 = arith.constant 0 : i32
      %dma_wait3A_85 = tpu.memref_slice %arg2[%add3A, %dma_wait3A_83, %dma_wait3A_84] : memref<32x80x128xi32, #tpu.memory_space<hbm>> -> memref<1x80x128xi32, #tpu.memory_space<hbm>>
      %dma_wait3A_86 = tpu.memref_squeeze %dma_wait3A_85 : memref<1x80x128xi32, #tpu.memory_space<hbm>> -> memref<80x128xi32, #tpu.memory_space<hbm>>
      tpu.wait_dma2 semaphore(%run_scoped3A : memref<!tpu.dma_semaphore, #tpu.memory_space<semaphore_mem>>) src(%dma_wait3A_86 : memref<80x128xi32, #tpu.memory_space<hbm>>) dst(%arg5 : memref<80x128xi32, #tpu.memory_space<vmem>>)
      tpu.yield
    }) : () -> ()
    %lt3A = arith.constant 10 : i32
    %lt3A_22 = arith.cmpi slt, %arg1, %lt3A : i32
    %convert_element_type3A = arith.extui %lt3A_22 : i1 to i32
    %cond3A = arith.constant 0 : i32
    %cond3A_23 = arith.cmpi ne, %convert_element_type3A, %cond3A : i32
    scf.if %cond3A_23 {
      %mul3A_73 = arith.constant 8 : i32
      %mul3A_74 = arith.muli %arg1, %mul3A_73 : i32
      "tpu.region"() ({
        %run_scoped3A = tpu.sem_alloc : memref<!tpu.dma_semaphore, #tpu.memory_space<semaphore_mem>>
        %dma_start3A = arith.constant 0 : i32
        %dma_start3A_75 = tpu.memref_slice %arg8[%mul3A_74, %dma_start3A] : memref<80x128xf32, #tpu.memory_space<vmem_shared>> -> memref<8x128xf32, #tpu.memory_space<vmem_shared>>
        %dma_start3A_76 = arith.constant 0 : i32
        %dma_start3A_77 = arith.constant 0 : i32
        %dma_start3A_78 = tpu.memref_slice %arg3[%dma_start3A_76, %dma_start3A_77] : memref<640x128xf32, #tpu.memory_space<hbm>> -> memref<8x128xf32, #tpu.memory_space<hbm>>
        tpu.enqueue_dma source(%dma_start3A_78 : memref<8x128xf32, #tpu.memory_space<hbm>>) target(%dma_start3A_75 : memref<8x128xf32, #tpu.memory_space<vmem_shared>>) target_semaphore(%run_scoped3A : memref<!tpu.dma_semaphore, #tpu.memory_space<semaphore_mem>>)
        %dma_wait3A = arith.constant 0 : i32
        %dma_wait3A_79 = tpu.memref_slice %arg8[%mul3A_74, %dma_wait3A] : memref<80x128xf32, #tpu.memory_space<vmem_shared>> -> memref<8x128xf32, #tpu.memory_space<vmem_shared>>
        %dma_wait3A_80 = arith.constant 0 : i32
        %dma_wait3A_81 = arith.constant 0 : i32
        %dma_wait3A_82 = tpu.memref_slice %arg3[%dma_wait3A_80, %dma_wait3A_81] : memref<640x128xf32, #tpu.memory_space<hbm>> -> memref<8x128xf32, #tpu.memory_space<hbm>>
        tpu.wait_dma2 semaphore(%run_scoped3A : memref<!tpu.dma_semaphore, #tpu.memory_space<semaphore_mem>>) src(%dma_wait3A_82 : memref<8x128xf32, #tpu.memory_space<hbm>>) dst(%dma_wait3A_79 : memref<8x128xf32, #tpu.memory_space<vmem_shared>>)
        tpu.yield
      }) : () -> ()
    } else {
    }
    %iota3A = tpu.iota {dimensions = array<i32: 0>} : vector<16xi32>
    %add3A_24 = arith.constant 0 : i32
    %add3A_25 = vector.broadcast %add3A_24 : i32 to vector<16xi32>
    %add3A_26 = arith.addi %iota3A, %add3A_25 : vector<16xi32>
    %swap3A = arith.constant 0 : index
    %swap3A_27 = tpu.vector_load %arg7[%swap3A] {strides = array<i32>} : memref<80xi32, #tpu.memory_space<vmem>>, vector<16xi32>,
    tpu.vector_store %arg7[%swap3A], %add3A_26 {strides = array<i32>} : memref<80xi32, #tpu.memory_space<vmem>>, vector<16xi32>,
    %iota3A_28 = tpu.iota {dimensions = array<i32: 0>} : vector<16xi32>
    %add3A_29 = arith.constant 16 : i32
    %add3A_30 = vector.broadcast %add3A_29 : i32 to vector<16xi32>
    %add3A_31 = arith.addi %iota3A_28, %add3A_30 : vector<16xi32>
    %swap3A_32 = arith.constant 16 : index
    %swap3A_33 = tpu.vector_load %arg7[%swap3A_32] {strides = array<i32>} : memref<80xi32, #tpu.memory_space<vmem>>, vector<16xi32>,
    tpu.vector_store %arg7[%swap3A_32], %add3A_31 {strides = array<i32>} : memref<80xi32, #tpu.memory_space<vmem>>, vector<16xi32>,
    %iota3A_34 = tpu.iota {dimensions = array<i32: 0>} : vector<16xi32>
    %add3A_35 = arith.constant 32 : i32
    %add3A_36 = vector.broadcast %add3A_35 : i32 to vector<16xi32>
    %add3A_37 = arith.addi %iota3A_34, %add3A_36 : vector<16xi32>
    %swap3A_38 = arith.constant 32 : index
    %swap3A_39 = tpu.vector_load %arg7[%swap3A_38] {strides = array<i32>} : memref<80xi32, #tpu.memory_space<vmem>>, vector<16xi32>,
    tpu.vector_store %arg7[%swap3A_38], %add3A_37 {strides = array<i32>} : memref<80xi32, #tpu.memory_space<vmem>>, vector<16xi32>,
    %iota3A_40 = tpu.iota {dimensions = array<i32: 0>} : vector<16xi32>
    %add3A_41 = arith.constant 48 : i32
    %add3A_42 = vector.broadcast %add3A_41 : i32 to vector<16xi32>
    %add3A_43 = arith.addi %iota3A_40, %add3A_42 : vector<16xi32>
    %swap3A_44 = arith.constant 48 : index
    %swap3A_45 = tpu.vector_load %arg7[%swap3A_44] {strides = array<i32>} : memref<80xi32, #tpu.memory_space<vmem>>, vector<16xi32>,
    tpu.vector_store %arg7[%swap3A_44], %add3A_43 {strides = array<i32>} : memref<80xi32, #tpu.memory_space<vmem>>, vector<16xi32>,
    %iota3A_46 = tpu.iota {dimensions = array<i32: 0>} : vector<16xi32>
    %add3A_47 = arith.constant 64 : i32
    %add3A_48 = vector.broadcast %add3A_47 : i32 to vector<16xi32>
    %add3A_49 = arith.addi %iota3A_46, %add3A_48 : vector<16xi32>
    %swap3A_50 = arith.constant 64 : index
    %swap3A_51 = tpu.vector_load %arg7[%swap3A_50] {strides = array<i32>} : memref<80xi32, #tpu.memory_space<vmem>>, vector<16xi32>,
    tpu.vector_store %arg7[%swap3A_50], %add3A_49 {strides = array<i32>} : memref<80xi32, #tpu.memory_space<vmem>>, vector<16xi32>,
    %scan3A = arith.constant 0 : i32
    %scan3A_52 = arith.constant 0 : i32
    %scan3A_53 = arith.constant 80 : i32
    %scan3A_54 = arith.addi %scan3A_52, %scan3A_53 : i32
    %scan3A_55 = arith.constant 1 : i32
    scf.for %scan3A_73 = %scan3A_52 to %scan3A_54 step %scan3A_55  : i32 {
      %broadcast_in_dim3A_74 = arith.constant 0.000000e+00 : f32
      %broadcast_in_dim3A_75 = vector.broadcast %broadcast_in_dim3A_74 : f32 to vector<16xf32>
      %swap3A_76 = arith.index_cast %scan3A_73 : i32 to index
      %swap3A_77 = arith.constant 0 : index
      %swap3A_78 = tpu.vector_load %arg6[%swap3A_76, %swap3A_77] {strides = array<i32>} : memref<80x128xf32, #tpu.memory_space<vmem>>, vector<16xf32>,
      tpu.vector_store %arg6[%swap3A_76, %swap3A_77], %broadcast_in_dim3A_75 {strides = array<i32>} : memref<80x128xf32, #tpu.memory_space<vmem>>, vector<16xf32>,
      %broadcast_in_dim3A_79 = arith.constant 0.000000e+00 : f32
      %broadcast_in_dim3A_80 = vector.broadcast %broadcast_in_dim3A_79 : f32 to vector<16xf32>
      %swap3A_81 = arith.index_cast %scan3A_73 : i32 to index
      %swap3A_82 = arith.constant 16 : index
      %swap3A_83 = tpu.vector_load %arg6[%swap3A_81, %swap3A_82] {strides = array<i32>} : memref<80x128xf32, #tpu.memory_space<vmem>>, vector<16xf32>,
      tpu.vector_store %arg6[%swap3A_81, %swap3A_82], %broadcast_in_dim3A_80 {strides = array<i32>} : memref<80x128xf32, #tpu.memory_space<vmem>>, vector<16xf32>,
      %broadcast_in_dim3A_84 = arith.constant 0.000000e+00 : f32
      %broadcast_in_dim3A_85 = vector.broadcast %broadcast_in_dim3A_84 : f32 to vector<16xf32>
      %swap3A_86 = arith.index_cast %scan3A_73 : i32 to index
      %swap3A_87 = arith.constant 32 : index
      %swap3A_88 = tpu.vector_load %arg6[%swap3A_86, %swap3A_87] {strides = array<i32>} : memref<80x128xf32, #tpu.memory_space<vmem>>, vector<16xf32>,
      tpu.vector_store %arg6[%swap3A_86, %swap3A_87], %broadcast_in_dim3A_85 {strides = array<i32>} : memref<80x128xf32, #tpu.memory_space<vmem>>, vector<16xf32>,
      %broadcast_in_dim3A_89 = arith.constant 0.000000e+00 : f32
      %broadcast_in_dim3A_90 = vector.broadcast %broadcast_in_dim3A_89 : f32 to vector<16xf32>
      %swap3A_91 = arith.index_cast %scan3A_73 : i32 to index
      %swap3A_92 = arith.constant 48 : index
      %swap3A_93 = tpu.vector_load %arg6[%swap3A_91, %swap3A_92] {strides = array<i32>} : memref<80x128xf32, #tpu.memory_space<vmem>>, vector<16xf32>,
      tpu.vector_store %arg6[%swap3A_91, %swap3A_92], %broadcast_in_dim3A_90 {strides = array<i32>} : memref<80x128xf32, #tpu.memory_space<vmem>>, vector<16xf32>,
      %broadcast_in_dim3A_94 = arith.constant 0.000000e+00 : f32
      %broadcast_in_dim3A_95 = vector.broadcast %broadcast_in_dim3A_94 : f32 to vector<16xf32>
      %swap3A_96 = arith.index_cast %scan3A_73 : i32 to index
      %swap3A_97 = arith.constant 64 : index
      %swap3A_98 = tpu.vector_load %arg6[%swap3A_96, %swap3A_97] {strides = array<i32>} : memref<80x128xf32, #tpu.memory_space<vmem>>, vector<16xf32>,
      tpu.vector_store %arg6[%swap3A_96, %swap3A_97], %broadcast_in_dim3A_95 {strides = array<i32>} : memref<80x128xf32, #tpu.memory_space<vmem>>, vector<16xf32>,
      %broadcast_in_dim3A_99 = arith.constant 0.000000e+00 : f32
      %broadcast_in_dim3A_100 = vector.broadcast %broadcast_in_dim3A_99 : f32 to vector<16xf32>
      %swap3A_101 = arith.index_cast %scan3A_73 : i32 to index
      %swap3A_102 = arith.constant 80 : index
      %swap3A_103 = tpu.vector_load %arg6[%swap3A_101, %swap3A_102] {strides = array<i32>} : memref<80x128xf32, #tpu.memory_space<vmem>>, vector<16xf32>,
      tpu.vector_store %arg6[%swap3A_101, %swap3A_102], %broadcast_in_dim3A_100 {strides = array<i32>} : memref<80x128xf32, #tpu.memory_space<vmem>>, vector<16xf32>,
      %broadcast_in_dim3A_104 = arith.constant 0.000000e+00 : f32
      %broadcast_in_dim3A_105 = vector.broadcast %broadcast_in_dim3A_104 : f32 to vector<16xf32>
      %swap3A_106 = arith.index_cast %scan3A_73 : i32 to index
      %swap3A_107 = arith.constant 96 : index
      %swap3A_108 = tpu.vector_load %arg6[%swap3A_106, %swap3A_107] {strides = array<i32>} : memref<80x128xf32, #tpu.memory_space<vmem>>, vector<16xf32>,
      tpu.vector_store %arg6[%swap3A_106, %swap3A_107], %broadcast_in_dim3A_105 {strides = array<i32>} : memref<80x128xf32, #tpu.memory_space<vmem>>, vector<16xf32>,
      %broadcast_in_dim3A_109 = arith.constant 0.000000e+00 : f32
      %broadcast_in_dim3A_110 = vector.broadcast %broadcast_in_dim3A_109 : f32 to vector<16xf32>
      %swap3A_111 = arith.index_cast %scan3A_73 : i32 to index
      %swap3A_112 = arith.constant 112 : index
      %swap3A_113 = tpu.vector_load %arg6[%swap3A_111, %swap3A_112] {strides = array<i32>} : memref<80x128xf32, #tpu.memory_space<vmem>>, vector<16xf32>,
      tpu.vector_store %arg6[%swap3A_111, %swap3A_112], %broadcast_in_dim3A_110 {strides = array<i32>} : memref<80x128xf32, #tpu.memory_space<vmem>>, vector<16xf32>,
    }
    %scan3A_56 = arith.constant 80 : i32
    %barrier3A = arith.constant 0 : index
    tpu.barrier barrier_id(%barrier3A)
    %broadcast_in_dim3A = arith.constant 1.000000e+00 : f32
    %broadcast_in_dim3A_57 = vector.broadcast %broadcast_in_dim3A : f32 to vector<16xf32>
    %while3A = arith.constant 0 : i32
    %while3A_58 = arith.constant 0 : i32
    %while3A_59 = arith.subi %min3A_21, %while3A_58 : i32
    %while3A_60 = arith.addi %while3A_58, %while3A_59 : i32
    %while3A_61 = arith.constant 1 : i32
    %while3A_62 = arith.divsi %while3A_59, %while3A_61 : i32
    %while3A_63 = arith.muli %while3A_62, %while3A_61 : i32
    %while3A_64 = arith.addi %while3A_58, %while3A_63 : i32
    %while3A_65 = arith.constant 1 : i32
    scf.for %while3A_73 = %while3A_58 to %while3A_64 step %while3A_65  : i32 {
      %get3A = arith.index_cast %while3A_73 : i32 to index
      %get3A_74 = arith.constant 0 : index
      %get3A_75 = tpu.vector_load %arg5[%get3A, %get3A_74] {strides = array<i32>} : memref<80x128xi32, #tpu.memory_space<vmem>>, vector<16xi32>,
      %shift_right_arithmetic3A = arith.constant 7 : i32
      %shift_right_arithmetic3A_76 = vector.broadcast %shift_right_arithmetic3A : i32 to vector<16xi32>
      %shift_right_arithmetic3A_77 = arith.shrsi %get3A_75, %shift_right_arithmetic3A_76 : vector<16xi32>
      %and3A_78 = arith.constant 127 : i32
      %and3A_79 = vector.broadcast %and3A_78 : i32 to vector<16xi32>
      %and3A_80 = arith.andi %get3A_75, %and3A_79 : vector<16xi32>
      tpu.vector_store_idx %arg6[%shift_right_arithmetic3A_77, %and3A_80], %broadcast_in_dim3A_57 {add = true} : memref<80x128xf32, #tpu.memory_space<vmem>>[vector<16xi32>, vector<16xi32>], vector<16xf32>,
      %get3A_81 = arith.index_cast %while3A_73 : i32 to index
      %get3A_82 = arith.constant 16 : index
      %get3A_83 = tpu.vector_load %arg5[%get3A_81, %get3A_82] {strides = array<i32>} : memref<80x128xi32, #tpu.memory_space<vmem>>, vector<16xi32>,
      %shift_right_arithmetic3A_84 = arith.constant 7 : i32
      %shift_right_arithmetic3A_85 = vector.broadcast %shift_right_arithmetic3A_84 : i32 to vector<16xi32>
      %shift_right_arithmetic3A_86 = arith.shrsi %get3A_83, %shift_right_arithmetic3A_85 : vector<16xi32>
      %and3A_87 = arith.constant 127 : i32
      %and3A_88 = vector.broadcast %and3A_87 : i32 to vector<16xi32>
      %and3A_89 = arith.andi %get3A_83, %and3A_88 : vector<16xi32>
      tpu.vector_store_idx %arg6[%shift_right_arithmetic3A_86, %and3A_89], %broadcast_in_dim3A_57 {add = true} : memref<80x128xf32, #tpu.memory_space<vmem>>[vector<16xi32>, vector<16xi32>], vector<16xf32>,
      %get3A_90 = arith.index_cast %while3A_73 : i32 to index
      %get3A_91 = arith.constant 32 : index
      %get3A_92 = tpu.vector_load %arg5[%get3A_90, %get3A_91] {strides = array<i32>} : memref<80x128xi32, #tpu.memory_space<vmem>>, vector<16xi32>,
      %shift_right_arithmetic3A_93 = arith.constant 7 : i32
      %shift_right_arithmetic3A_94 = vector.broadcast %shift_right_arithmetic3A_93 : i32 to vector<16xi32>
      %shift_right_arithmetic3A_95 = arith.shrsi %get3A_92, %shift_right_arithmetic3A_94 : vector<16xi32>
      %and3A_96 = arith.constant 127 : i32
      %and3A_97 = vector.broadcast %and3A_96 : i32 to vector<16xi32>
      %and3A_98 = arith.andi %get3A_92, %and3A_97 : vector<16xi32>
      tpu.vector_store_idx %arg6[%shift_right_arithmetic3A_95, %and3A_98], %broadcast_in_dim3A_57 {add = true} : memref<80x128xf32, #tpu.memory_space<vmem>>[vector<16xi32>, vector<16xi32>], vector<16xf32>,
      %get3A_99 = arith.index_cast %while3A_73 : i32 to index
      %get3A_100 = arith.constant 48 : index
      %get3A_101 = tpu.vector_load %arg5[%get3A_99, %get3A_100] {strides = array<i32>} : memref<80x128xi32, #tpu.memory_space<vmem>>, vector<16xi32>,
      %shift_right_arithmetic3A_102 = arith.constant 7 : i32
      %shift_right_arithmetic3A_103 = vector.broadcast %shift_right_arithmetic3A_102 : i32 to vector<16xi32>
      %shift_right_arithmetic3A_104 = arith.shrsi %get3A_101, %shift_right_arithmetic3A_103 : vector<16xi32>
      %and3A_105 = arith.constant 127 : i32
      %and3A_106 = vector.broadcast %and3A_105 : i32 to vector<16xi32>
      %and3A_107 = arith.andi %get3A_101, %and3A_106 : vector<16xi32>
      tpu.vector_store_idx %arg6[%shift_right_arithmetic3A_104, %and3A_107], %broadcast_in_dim3A_57 {add = true} : memref<80x128xf32, #tpu.memory_space<vmem>>[vector<16xi32>, vector<16xi32>], vector<16xf32>,
      %get3A_108 = arith.index_cast %while3A_73 : i32 to index
      %get3A_109 = arith.constant 64 : index
      %get3A_110 = tpu.vector_load %arg5[%get3A_108, %get3A_109] {strides = array<i32>} : memref<80x128xi32, #tpu.memory_space<vmem>>, vector<16xi32>,
      %shift_right_arithmetic3A_111 = arith.constant 7 : i32
      %shift_right_arithmetic3A_112 = vector.broadcast %shift_right_arithmetic3A_111 : i32 to vector<16xi32>
      %shift_right_arithmetic3A_113 = arith.shrsi %get3A_110, %shift_right_arithmetic3A_112 : vector<16xi32>
      %and3A_114 = arith.constant 127 : i32
      %and3A_115 = vector.broadcast %and3A_114 : i32 to vector<16xi32>
      %and3A_116 = arith.andi %get3A_110, %and3A_115 : vector<16xi32>
      tpu.vector_store_idx %arg6[%shift_right_arithmetic3A_113, %and3A_116], %broadcast_in_dim3A_57 {add = true} : memref<80x128xf32, #tpu.memory_space<vmem>>[vector<16xi32>, vector<16xi32>], vector<16xf32>,
      %get3A_117 = arith.index_cast %while3A_73 : i32 to index
      %get3A_118 = arith.constant 80 : index
      %get3A_119 = tpu.vector_load %arg5[%get3A_117, %get3A_118] {strides = array<i32>} : memref<80x128xi32, #tpu.memory_space<vmem>>, vector<16xi32>,
      %shift_right_arithmetic3A_120 = arith.constant 7 : i32
      %shift_right_arithmetic3A_121 = vector.broadcast %shift_right_arithmetic3A_120 : i32 to vector<16xi32>
      %shift_right_arithmetic3A_122 = arith.shrsi %get3A_119, %shift_right_arithmetic3A_121 : vector<16xi32>
      %and3A_123 = arith.constant 127 : i32
      %and3A_124 = vector.broadcast %and3A_123 : i32 to vector<16xi32>
      %and3A_125 = arith.andi %get3A_119, %and3A_124 : vector<16xi32>
      tpu.vector_store_idx %arg6[%shift_right_arithmetic3A_122, %and3A_125], %broadcast_in_dim3A_57 {add = true} : memref<80x128xf32, #tpu.memory_space<vmem>>[vector<16xi32>, vector<16xi32>], vector<16xf32>,
      %get3A_126 = arith.index_cast %while3A_73 : i32 to index
      %get3A_127 = arith.constant 96 : index
      %get3A_128 = tpu.vector_load %arg5[%get3A_126, %get3A_127] {strides = array<i32>} : memref<80x128xi32, #tpu.memory_space<vmem>>, vector<16xi32>,
      %shift_right_arithmetic3A_129 = arith.constant 7 : i32
      %shift_right_arithmetic3A_130 = vector.broadcast %shift_right_arithmetic3A_129 : i32 to vector<16xi32>
      %shift_right_arithmetic3A_131 = arith.shrsi %get3A_128, %shift_right_arithmetic3A_130 : vector<16xi32>
      %and3A_132 = arith.constant 127 : i32
      %and3A_133 = vector.broadcast %and3A_132 : i32 to vector<16xi32>
      %and3A_134 = arith.andi %get3A_128, %and3A_133 : vector<16xi32>
      tpu.vector_store_idx %arg6[%shift_right_arithmetic3A_131, %and3A_134], %broadcast_in_dim3A_57 {add = true} : memref<80x128xf32, #tpu.memory_space<vmem>>[vector<16xi32>, vector<16xi32>], vector<16xf32>,
      %get3A_135 = arith.index_cast %while3A_73 : i32 to index
      %get3A_136 = arith.constant 112 : index
      %get3A_137 = tpu.vector_load %arg5[%get3A_135, %get3A_136] {strides = array<i32>} : memref<80x128xi32, #tpu.memory_space<vmem>>, vector<16xi32>,
      %shift_right_arithmetic3A_138 = arith.constant 7 : i32
      %shift_right_arithmetic3A_139 = vector.broadcast %shift_right_arithmetic3A_138 : i32 to vector<16xi32>
      %shift_right_arithmetic3A_140 = arith.shrsi %get3A_137, %shift_right_arithmetic3A_139 : vector<16xi32>
      %and3A_141 = arith.constant 127 : i32
      %and3A_142 = vector.broadcast %and3A_141 : i32 to vector<16xi32>
      %and3A_143 = arith.andi %get3A_137, %and3A_142 : vector<16xi32>
      tpu.vector_store_idx %arg6[%shift_right_arithmetic3A_140, %and3A_143], %broadcast_in_dim3A_57 {add = true} : memref<80x128xf32, #tpu.memory_space<vmem>>[vector<16xi32>, vector<16xi32>], vector<16xf32>,
    }
    %while3A_66 = arith.constant 1 : i32
    scf.for %while3A_73 = %while3A_64 to %while3A_60 step %while3A_66  : i32 {
      %get3A = arith.index_cast %while3A_73 : i32 to index
      %get3A_74 = arith.constant 0 : index
      %get3A_75 = tpu.vector_load %arg5[%get3A, %get3A_74] {strides = array<i32>} : memref<80x128xi32, #tpu.memory_space<vmem>>, vector<16xi32>,
      %shift_right_arithmetic3A = arith.constant 7 : i32
      %shift_right_arithmetic3A_76 = vector.broadcast %shift_right_arithmetic3A : i32 to vector<16xi32>
      %shift_right_arithmetic3A_77 = arith.shrsi %get3A_75, %shift_right_arithmetic3A_76 : vector<16xi32>
      %and3A_78 = arith.constant 127 : i32
      %and3A_79 = vector.broadcast %and3A_78 : i32 to vector<16xi32>
      %and3A_80 = arith.andi %get3A_75, %and3A_79 : vector<16xi32>
      tpu.vector_store_idx %arg6[%shift_right_arithmetic3A_77, %and3A_80], %broadcast_in_dim3A_57 {add = true} : memref<80x128xf32, #tpu.memory_space<vmem>>[vector<16xi32>, vector<16xi32>], vector<16xf32>,
      %get3A_81 = arith.index_cast %while3A_73 : i32 to index
      %get3A_82 = arith.constant 16 : index
      %get3A_83 = tpu.vector_load %arg5[%get3A_81, %get3A_82] {strides = array<i32>} : memref<80x128xi32, #tpu.memory_space<vmem>>, vector<16xi32>,
      %shift_right_arithmetic3A_84 = arith.constant 7 : i32
      %shift_right_arithmetic3A_85 = vector.broadcast %shift_right_arithmetic3A_84 : i32 to vector<16xi32>
      %shift_right_arithmetic3A_86 = arith.shrsi %get3A_83, %shift_right_arithmetic3A_85 : vector<16xi32>
      %and3A_87 = arith.constant 127 : i32
      %and3A_88 = vector.broadcast %and3A_87 : i32 to vector<16xi32>
      %and3A_89 = arith.andi %get3A_83, %and3A_88 : vector<16xi32>
      tpu.vector_store_idx %arg6[%shift_right_arithmetic3A_86, %and3A_89], %broadcast_in_dim3A_57 {add = true} : memref<80x128xf32, #tpu.memory_space<vmem>>[vector<16xi32>, vector<16xi32>], vector<16xf32>,
      %get3A_90 = arith.index_cast %while3A_73 : i32 to index
      %get3A_91 = arith.constant 32 : index
      %get3A_92 = tpu.vector_load %arg5[%get3A_90, %get3A_91] {strides = array<i32>} : memref<80x128xi32, #tpu.memory_space<vmem>>, vector<16xi32>,
      %shift_right_arithmetic3A_93 = arith.constant 7 : i32
      %shift_right_arithmetic3A_94 = vector.broadcast %shift_right_arithmetic3A_93 : i32 to vector<16xi32>
      %shift_right_arithmetic3A_95 = arith.shrsi %get3A_92, %shift_right_arithmetic3A_94 : vector<16xi32>
      %and3A_96 = arith.constant 127 : i32
      %and3A_97 = vector.broadcast %and3A_96 : i32 to vector<16xi32>
      %and3A_98 = arith.andi %get3A_92, %and3A_97 : vector<16xi32>
      tpu.vector_store_idx %arg6[%shift_right_arithmetic3A_95, %and3A_98], %broadcast_in_dim3A_57 {add = true} : memref<80x128xf32, #tpu.memory_space<vmem>>[vector<16xi32>, vector<16xi32>], vector<16xf32>,
      %get3A_99 = arith.index_cast %while3A_73 : i32 to index
      %get3A_100 = arith.constant 48 : index
      %get3A_101 = tpu.vector_load %arg5[%get3A_99, %get3A_100] {strides = array<i32>} : memref<80x128xi32, #tpu.memory_space<vmem>>, vector<16xi32>,
      %shift_right_arithmetic3A_102 = arith.constant 7 : i32
      %shift_right_arithmetic3A_103 = vector.broadcast %shift_right_arithmetic3A_102 : i32 to vector<16xi32>
      %shift_right_arithmetic3A_104 = arith.shrsi %get3A_101, %shift_right_arithmetic3A_103 : vector<16xi32>
      %and3A_105 = arith.constant 127 : i32
      %and3A_106 = vector.broadcast %and3A_105 : i32 to vector<16xi32>
      %and3A_107 = arith.andi %get3A_101, %and3A_106 : vector<16xi32>
      tpu.vector_store_idx %arg6[%shift_right_arithmetic3A_104, %and3A_107], %broadcast_in_dim3A_57 {add = true} : memref<80x128xf32, #tpu.memory_space<vmem>>[vector<16xi32>, vector<16xi32>], vector<16xf32>,
      %get3A_108 = arith.index_cast %while3A_73 : i32 to index
      %get3A_109 = arith.constant 64 : index
      %get3A_110 = tpu.vector_load %arg5[%get3A_108, %get3A_109] {strides = array<i32>} : memref<80x128xi32, #tpu.memory_space<vmem>>, vector<16xi32>,
      %shift_right_arithmetic3A_111 = arith.constant 7 : i32
      %shift_right_arithmetic3A_112 = vector.broadcast %shift_right_arithmetic3A_111 : i32 to vector<16xi32>
      %shift_right_arithmetic3A_113 = arith.shrsi %get3A_110, %shift_right_arithmetic3A_112 : vector<16xi32>
      %and3A_114 = arith.constant 127 : i32
      %and3A_115 = vector.broadcast %and3A_114 : i32 to vector<16xi32>
      %and3A_116 = arith.andi %get3A_110, %and3A_115 : vector<16xi32>
      tpu.vector_store_idx %arg6[%shift_right_arithmetic3A_113, %and3A_116], %broadcast_in_dim3A_57 {add = true} : memref<80x128xf32, #tpu.memory_space<vmem>>[vector<16xi32>, vector<16xi32>], vector<16xf32>,
      %get3A_117 = arith.index_cast %while3A_73 : i32 to index
      %get3A_118 = arith.constant 80 : index
      %get3A_119 = tpu.vector_load %arg5[%get3A_117, %get3A_118] {strides = array<i32>} : memref<80x128xi32, #tpu.memory_space<vmem>>, vector<16xi32>,
      %shift_right_arithmetic3A_120 = arith.constant 7 : i32
      %shift_right_arithmetic3A_121 = vector.broadcast %shift_right_arithmetic3A_120 : i32 to vector<16xi32>
      %shift_right_arithmetic3A_122 = arith.shrsi %get3A_119, %shift_right_arithmetic3A_121 : vector<16xi32>
      %and3A_123 = arith.constant 127 : i32
      %and3A_124 = vector.broadcast %and3A_123 : i32 to vector<16xi32>
      %and3A_125 = arith.andi %get3A_119, %and3A_124 : vector<16xi32>
      tpu.vector_store_idx %arg6[%shift_right_arithmetic3A_122, %and3A_125], %broadcast_in_dim3A_57 {add = true} : memref<80x128xf32, #tpu.memory_space<vmem>>[vector<16xi32>, vector<16xi32>], vector<16xf32>,
      %get3A_126 = arith.index_cast %while3A_73 : i32 to index
      %get3A_127 = arith.constant 96 : index
      %get3A_128 = tpu.vector_load %arg5[%get3A_126, %get3A_127] {strides = array<i32>} : memref<80x128xi32, #tpu.memory_space<vmem>>, vector<16xi32>,
      %shift_right_arithmetic3A_129 = arith.constant 7 : i32
      %shift_right_arithmetic3A_130 = vector.broadcast %shift_right_arithmetic3A_129 : i32 to vector<16xi32>
      %shift_right_arithmetic3A_131 = arith.shrsi %get3A_128, %shift_right_arithmetic3A_130 : vector<16xi32>
      %and3A_132 = arith.constant 127 : i32
      %and3A_133 = vector.broadcast %and3A_132 : i32 to vector<16xi32>
      %and3A_134 = arith.andi %get3A_128, %and3A_133 : vector<16xi32>
      tpu.vector_store_idx %arg6[%shift_right_arithmetic3A_131, %and3A_134], %broadcast_in_dim3A_57 {add = true} : memref<80x128xf32, #tpu.memory_space<vmem>>[vector<16xi32>, vector<16xi32>], vector<16xf32>,
      %get3A_135 = arith.index_cast %while3A_73 : i32 to index
      %get3A_136 = arith.constant 112 : index
      %get3A_137 = tpu.vector_load %arg5[%get3A_135, %get3A_136] {strides = array<i32>} : memref<80x128xi32, #tpu.memory_space<vmem>>, vector<16xi32>,
      %shift_right_arithmetic3A_138 = arith.constant 7 : i32
      %shift_right_arithmetic3A_139 = vector.broadcast %shift_right_arithmetic3A_138 : i32 to vector<16xi32>
      %shift_right_arithmetic3A_140 = arith.shrsi %get3A_137, %shift_right_arithmetic3A_139 : vector<16xi32>
      %and3A_141 = arith.constant 127 : i32
      %and3A_142 = vector.broadcast %and3A_141 : i32 to vector<16xi32>
      %and3A_143 = arith.andi %get3A_137, %and3A_142 : vector<16xi32>
      tpu.vector_store_idx %arg6[%shift_right_arithmetic3A_140, %and3A_143], %broadcast_in_dim3A_57 {add = true} : memref<80x128xf32, #tpu.memory_space<vmem>>[vector<16xi32>, vector<16xi32>], vector<16xf32>,
    }
    "tpu.region"() ({
      %run_scoped3A = tpu.sem_alloc : memref<!tpu.dma_semaphore, #tpu.memory_space<semaphore_mem>>
      %dma_start3A = arith.constant 0 : i32
      %dma_start3A_73 = arith.constant 0 : i32
      %dma_start3A_74 = tpu.memref_slice %arg8[%dma_start3A, %dma_start3A_73] : memref<80x128xf32, #tpu.memory_space<vmem_shared>> -> memref<80x128xf32, #tpu.memory_space<vmem_shared>>
      tpu.enqueue_indirect_dma source(%arg6 : memref<80x128xf32, #tpu.memory_space<vmem>>) target(%dma_start3A_74 : memref<80x128xf32, #tpu.memory_space<vmem_shared>>) offsets(%arg7 : memref<80xi32, #tpu.memory_space<vmem>>) semaphore(%run_scoped3A : memref<!tpu.dma_semaphore, #tpu.memory_space<semaphore_mem>>) {add = true}
      %dma_wait3A = arith.constant 0 : i32
      %dma_wait3A_75 = arith.constant 0 : i32
      %dma_wait3A_76 = tpu.memref_slice %arg8[%dma_wait3A, %dma_wait3A_75] : memref<80x128xf32, #tpu.memory_space<vmem_shared>> -> memref<80x128xf32, #tpu.memory_space<vmem_shared>>
      tpu.wait_indirect_dma semaphore(%run_scoped3A : memref<!tpu.dma_semaphore, #tpu.memory_space<semaphore_mem>>) src(%arg6 : memref<80x128xf32, #tpu.memory_space<vmem>>) dst(%dma_wait3A_76 : memref<80x128xf32, #tpu.memory_space<vmem_shared>>)
      tpu.yield
    }) : () -> ()
    %barrier3A_67 = arith.constant 0 : index
    tpu.barrier barrier_id(%barrier3A_67)
    %lt3A_68 = arith.constant 10 : i32
    %lt3A_69 = arith.cmpi slt, %arg1, %lt3A_68 : i32
    %convert_element_type3A_70 = arith.extui %lt3A_69 : i1 to i32
    %cond3A_71 = arith.constant 0 : i32
    %cond3A_72 = arith.cmpi ne, %convert_element_type3A_70, %cond3A_71 : i32
    scf.if %cond3A_72 {
      %mul3A_73 = arith.constant 8 : i32
      %mul3A_74 = arith.muli %arg1, %mul3A_73 : i32
      %mul3A_75 = arith.constant 8 : i32
      %mul3A_76 = arith.muli %arg1, %mul3A_75 : i32
      "tpu.region"() ({
        %run_scoped3A = tpu.sem_alloc : memref<!tpu.dma_semaphore, #tpu.memory_space<semaphore_mem>>
        %dma_start3A = arith.constant 0 : i32
        %dma_start3A_77 = tpu.memref_slice %arg4[%arg0, %mul3A_76, %dma_start3A] : memref<2x80x128xf32, #tpu.memory_space<hbm>> -> memref<1x8x128xf32, #tpu.memory_space<hbm>>
        %dma_start3A_78 = tpu.memref_squeeze %dma_start3A_77 : memref<1x8x128xf32, #tpu.memory_space<hbm>> -> memref<8x128xf32, #tpu.memory_space<hbm>>
        %dma_start3A_79 = arith.constant 0 : i32
        %dma_start3A_80 = tpu.memref_slice %arg8[%mul3A_74, %dma_start3A_79] : memref<80x128xf32, #tpu.memory_space<vmem_shared>> -> memref<8x128xf32, #tpu.memory_space<vmem_shared>>
        tpu.enqueue_dma source(%dma_start3A_80 : memref<8x128xf32, #tpu.memory_space<vmem_shared>>) target(%dma_start3A_78 : memref<8x128xf32, #tpu.memory_space<hbm>>) target_semaphore(%run_scoped3A : memref<!tpu.dma_semaphore, #tpu.memory_space<semaphore_mem>>)
        %dma_wait3A = arith.constant 0 : i32
        %dma_wait3A_81 = tpu.memref_slice %arg4[%arg0, %mul3A_76, %dma_wait3A] : memref<2x80x128xf32, #tpu.memory_space<hbm>> -> memref<1x8x128xf32, #tpu.memory_space<hbm>>
        %dma_wait3A_82 = tpu.memref_squeeze %dma_wait3A_81 : memref<1x8x128xf32, #tpu.memory_space<hbm>> -> memref<8x128xf32, #tpu.memory_space<hbm>>
        %dma_wait3A_83 = arith.constant 0 : i32
        %dma_wait3A_84 = tpu.memref_slice %arg8[%mul3A_74, %dma_wait3A_83] : memref<80x128xf32, #tpu.memory_space<vmem_shared>> -> memref<8x128xf32, #tpu.memory_space<vmem_shared>>
        tpu.wait_dma2 semaphore(%run_scoped3A : memref<!tpu.dma_semaphore, #tpu.memory_space<semaphore_mem>>) src(%dma_wait3A_84 : memref<8x128xf32, #tpu.memory_space<vmem_shared>>) dst(%dma_wait3A_82 : memref<8x128xf32, #tpu.memory_space<hbm>>)
        tpu.yield
      }) : () -> ()
    } else {
    }
    return
  }
}

#map = affine_map<(d0, d1) -> (0, 0)>
#map1 = affine_map<(d0, d1) -> (0, 0, 0)>
module attributes {stable_mosaic.version = 14 : i64} {
  func.func @k(%arg0: i32, %arg1: i32, %arg2: memref<10240x128xf32, #tpu.memory_space<hbm>>, %arg3: memref<32x80x128xi32, #tpu.memory_space<hbm>>, %arg4: memref<32x80x128xi32, #tpu.memory_space<hbm>>, %arg5: memref<640x128xf32, #tpu.memory_space<hbm>>, %arg6: memref<2x10240x128xf32, #tpu.memory_space<hbm>>, %arg7: memref<4x128xi32, #tpu.memory_space<vmem>>, %arg8: memref<4x128xi32, #tpu.memory_space<vmem>>, %arg9: memref<2x128x128xf32, #tpu.memory_space<vmem>>, %arg10: memref<10240x128xf32, #tpu.memory_space<vmem_shared>>, %arg11: memref<!tpu.dma_semaphore, #tpu.memory_space<semaphore_mem>>, %arg12: memref<!tpu.dma_semaphore, #tpu.memory_space<semaphore_mem>>) attributes {dimension_semantics = [#tpu.dimension_semantics<core_parallel>, #tpu.dimension_semantics<subcore_parallel>], iteration_bounds = array<i64: 2, 16>, scalar_prefetch = 0 : i64, scratch_operands = 6 : i64, tpu.core_type = #tpu.core_type<sc_vector_subcore>, window_params = [{transform_indices = #map}, {transform_indices = #map1}, {transform_indices = #map1}, {transform_indices = #map}, {transform_indices = #map1}]} {
    %mul3A = arith.constant 16 : i32
    %mul3A_0 = arith.muli %arg0, %mul3A : i32
    %add3A = arith.addi %mul3A_0, %arg1 : i32
    %mul3A_1 = arith.constant 10240 : i32
    %mul3A_2 = arith.muli %add3A, %mul3A_1 : i32
    %sub3A = arith.constant 320000 : i32
    %sub3A_3 = arith.subi %sub3A, %mul3A_2 : i32
    %jit3A = arith.constant 128 : i32
    %div3A = arith.divsi %sub3A_3, %jit3A : i32
    %sign3A = arith.constant 0 : i32
    %sign3A_4 = arith.cmpi sgt, %sub3A_3, %sign3A : i32
    %sign3A_5 = arith.extui %sign3A_4 : i1 to i32
    %sign3A_6 = arith.constant 0 : i32
    %sign3A_7 = arith.cmpi slt, %sub3A_3, %sign3A_6 : i32
    %sign3A_8 = arith.extui %sign3A_7 : i1 to i32
    %sign3A_9 = arith.subi %sign3A_5, %sign3A_8 : i32
    %sign3A_10 = arith.constant 0 : i32
    %sign3A_11 = arith.cmpi sgt, %jit3A, %sign3A_10 : i32
    %sign3A_12 = arith.extui %sign3A_11 : i1 to i32
    %sign3A_13 = arith.constant 0 : i32
    %sign3A_14 = arith.cmpi slt, %jit3A, %sign3A_13 : i32
    %sign3A_15 = arith.extui %sign3A_14 : i1 to i32
    %sign3A_16 = arith.subi %sign3A_12, %sign3A_15 : i32
    %ne3A = arith.cmpi ne, %sign3A_9, %sign3A_16 : i32
    %rem3A = arith.remsi %sub3A_3, %jit3A : i32
    %ne3A_17 = arith.constant 0 : i32
    %ne3A_18 = arith.cmpi ne, %rem3A, %ne3A_17 : i32
    %and3A = arith.andi %ne3A, %ne3A_18 : i1
    %sub3A_19 = arith.constant 1 : i32
    %sub3A_20 = arith.subi %div3A, %sub3A_19 : i32
    %select_n3A = arith.select %and3A, %sub3A_20, %div3A : i32
    %min3A = arith.constant 80 : i32
    %min3A_21 = arith.minsi %min3A, %select_n3A : i32
    %mul3A_22 = arith.constant 640 : i32
    %mul3A_23 = arith.muli %arg1, %mul3A_22 : i32
    "tpu.region"() ({
      %run_scoped3A = tpu.sem_alloc : memref<!tpu.dma_semaphore, #tpu.memory_space<semaphore_mem>>
      %dma_start3A_240 = arith.constant 0 : i32
      %dma_start3A_241 = tpu.memref_slice %arg10[%mul3A_23, %dma_start3A_240] : memref<10240x128xf32, #tpu.memory_space<vmem_shared>> -> memref<640x128xf32, #tpu.memory_space<vmem_shared>>
      tpu.enqueue_dma source(%arg5 : memref<640x128xf32, #tpu.memory_space<hbm>>) target(%dma_start3A_241 : memref<640x128xf32, #tpu.memory_space<vmem_shared>>) target_semaphore(%run_scoped3A : memref<!tpu.dma_semaphore, #tpu.memory_space<semaphore_mem>>)
      %dma_wait3A_242 = arith.constant 0 : i32
      %dma_wait3A_243 = tpu.memref_slice %arg10[%mul3A_23, %dma_wait3A_242] : memref<10240x128xf32, #tpu.memory_space<vmem_shared>> -> memref<640x128xf32, #tpu.memory_space<vmem_shared>>
      tpu.wait_dma2 semaphore(%run_scoped3A : memref<!tpu.dma_semaphore, #tpu.memory_space<semaphore_mem>>) src(%arg5 : memref<640x128xf32, #tpu.memory_space<hbm>>) dst(%dma_wait3A_243 : memref<640x128xf32, #tpu.memory_space<vmem_shared>>)
      tpu.yield
    }) : () -> ()
    %barrier3A = arith.constant 0 : index
    tpu.barrier barrier_id(%barrier3A)
    %rem3A_24 = arith.constant 0 : i32
    %rem3A_25 = arith.constant 4 : i32
    %rem3A_26 = arith.remsi %rem3A_24, %rem3A_25 : i32
    %dma_start3A = arith.constant 0 : i32
    %dma_start3A_27 = arith.constant 0 : i32
    %dma_start3A_28 = tpu.memref_slice %arg7[%rem3A_26, %dma_start3A_27] : memref<4x128xi32, #tpu.memory_space<vmem>> -> memref<1x128xi32, #tpu.memory_space<vmem>>
    %dma_start3A_29 = tpu.memref_squeeze %dma_start3A_28 : memref<1x128xi32, #tpu.memory_space<vmem>> -> memref<128xi32, #tpu.memory_space<vmem>>
    %dma_start3A_30 = arith.constant 0 : i32
    %dma_start3A_31 = tpu.memref_slice %arg3[%add3A, %dma_start3A, %dma_start3A_30] : memref<32x80x128xi32, #tpu.memory_space<hbm>> -> memref<1x1x128xi32, #tpu.memory_space<hbm>>
    %dma_start3A_32 = tpu.memref_squeeze %dma_start3A_31 : memref<1x1x128xi32, #tpu.memory_space<hbm>> -> memref<128xi32, #tpu.memory_space<hbm>>
    %dma_start3A_33 = arith.constant 0 : i32
    %dma_start3A_34 = tpu.memref_slice %arg7[%rem3A_26, %dma_start3A_33] : memref<4x128xi32, #tpu.memory_space<vmem>> -> memref<1x128xi32, #tpu.memory_space<vmem>>
    %dma_start3A_35 = tpu.memref_squeeze %dma_start3A_34 : memref<1x128xi32, #tpu.memory_space<vmem>> -> memref<128xi32, #tpu.memory_space<vmem>>
    %dma_start3A_36 = arith.constant 0 : i32
    %dma_start3A_37 = tpu.memref_slice %arg3[%add3A, %dma_start3A, %dma_start3A_36] : memref<32x80x128xi32, #tpu.memory_space<hbm>> -> memref<1x1x128xi32, #tpu.memory_space<hbm>>
    %dma_start3A_38 = tpu.memref_squeeze %dma_start3A_37 : memref<1x1x128xi32, #tpu.memory_space<hbm>> -> memref<128xi32, #tpu.memory_space<hbm>>
    tpu.enqueue_dma source(%dma_start3A_38 : memref<128xi32, #tpu.memory_space<hbm>>) target(%dma_start3A_35 : memref<128xi32, #tpu.memory_space<vmem>>) target_semaphore(%arg12 : memref<!tpu.dma_semaphore, #tpu.memory_space<semaphore_mem>>)
    %dma_start3A_39 = arith.constant 0 : i32
    %dma_start3A_40 = arith.constant 0 : i32
    %dma_start3A_41 = tpu.memref_slice %arg8[%rem3A_26, %dma_start3A_40] : memref<4x128xi32, #tpu.memory_space<vmem>> -> memref<1x128xi32, #tpu.memory_space<vmem>>
    %dma_start3A_42 = tpu.memref_squeeze %dma_start3A_41 : memref<1x128xi32, #tpu.memory_space<vmem>> -> memref<128xi32, #tpu.memory_space<vmem>>
    %dma_start3A_43 = arith.constant 0 : i32
    %dma_start3A_44 = tpu.memref_slice %arg4[%add3A, %dma_start3A_39, %dma_start3A_43] : memref<32x80x128xi32, #tpu.memory_space<hbm>> -> memref<1x1x128xi32, #tpu.memory_space<hbm>>
    %dma_start3A_45 = tpu.memref_squeeze %dma_start3A_44 : memref<1x1x128xi32, #tpu.memory_space<hbm>> -> memref<128xi32, #tpu.memory_space<hbm>>
    %dma_start3A_46 = arith.constant 0 : i32
    %dma_start3A_47 = tpu.memref_slice %arg8[%rem3A_26, %dma_start3A_46] : memref<4x128xi32, #tpu.memory_space<vmem>> -> memref<1x128xi32, #tpu.memory_space<vmem>>
    %dma_start3A_48 = tpu.memref_squeeze %dma_start3A_47 : memref<1x128xi32, #tpu.memory_space<vmem>> -> memref<128xi32, #tpu.memory_space<vmem>>
    %dma_start3A_49 = arith.constant 0 : i32
    %dma_start3A_50 = tpu.memref_slice %arg4[%add3A, %dma_start3A_39, %dma_start3A_49] : memref<32x80x128xi32, #tpu.memory_space<hbm>> -> memref<1x1x128xi32, #tpu.memory_space<hbm>>
    %dma_start3A_51 = tpu.memref_squeeze %dma_start3A_50 : memref<1x1x128xi32, #tpu.memory_space<hbm>> -> memref<128xi32, #tpu.memory_space<hbm>>
    tpu.enqueue_dma source(%dma_start3A_51 : memref<128xi32, #tpu.memory_space<hbm>>) target(%dma_start3A_48 : memref<128xi32, #tpu.memory_space<vmem>>) target_semaphore(%arg12 : memref<!tpu.dma_semaphore, #tpu.memory_space<semaphore_mem>>)
    %rem3A_52 = arith.constant 1 : i32
    %rem3A_53 = arith.constant 4 : i32
    %rem3A_54 = arith.remsi %rem3A_52, %rem3A_53 : i32
    %dma_start3A_55 = arith.constant 1 : i32
    %dma_start3A_56 = arith.constant 0 : i32
    %dma_start3A_57 = tpu.memref_slice %arg7[%rem3A_54, %dma_start3A_56] : memref<4x128xi32, #tpu.memory_space<vmem>> -> memref<1x128xi32, #tpu.memory_space<vmem>>
    %dma_start3A_58 = tpu.memref_squeeze %dma_start3A_57 : memref<1x128xi32, #tpu.memory_space<vmem>> -> memref<128xi32, #tpu.memory_space<vmem>>
    %dma_start3A_59 = arith.constant 0 : i32
    %dma_start3A_60 = tpu.memref_slice %arg3[%add3A, %dma_start3A_55, %dma_start3A_59] : memref<32x80x128xi32, #tpu.memory_space<hbm>> -> memref<1x1x128xi32, #tpu.memory_space<hbm>>
    %dma_start3A_61 = tpu.memref_squeeze %dma_start3A_60 : memref<1x1x128xi32, #tpu.memory_space<hbm>> -> memref<128xi32, #tpu.memory_space<hbm>>
    %dma_start3A_62 = arith.constant 0 : i32
    %dma_start3A_63 = tpu.memref_slice %arg7[%rem3A_54, %dma_start3A_62] : memref<4x128xi32, #tpu.memory_space<vmem>> -> memref<1x128xi32, #tpu.memory_space<vmem>>
    %dma_start3A_64 = tpu.memref_squeeze %dma_start3A_63 : memref<1x128xi32, #tpu.memory_space<vmem>> -> memref<128xi32, #tpu.memory_space<vmem>>
    %dma_start3A_65 = arith.constant 0 : i32
    %dma_start3A_66 = tpu.memref_slice %arg3[%add3A, %dma_start3A_55, %dma_start3A_65] : memref<32x80x128xi32, #tpu.memory_space<hbm>> -> memref<1x1x128xi32, #tpu.memory_space<hbm>>
    %dma_start3A_67 = tpu.memref_squeeze %dma_start3A_66 : memref<1x1x128xi32, #tpu.memory_space<hbm>> -> memref<128xi32, #tpu.memory_space<hbm>>
    tpu.enqueue_dma source(%dma_start3A_67 : memref<128xi32, #tpu.memory_space<hbm>>) target(%dma_start3A_64 : memref<128xi32, #tpu.memory_space<vmem>>) target_semaphore(%arg12 : memref<!tpu.dma_semaphore, #tpu.memory_space<semaphore_mem>>)
    %dma_start3A_68 = arith.constant 1 : i32
    %dma_start3A_69 = arith.constant 0 : i32
    %dma_start3A_70 = tpu.memref_slice %arg8[%rem3A_54, %dma_start3A_69] : memref<4x128xi32, #tpu.memory_space<vmem>> -> memref<1x128xi32, #tpu.memory_space<vmem>>
    %dma_start3A_71 = tpu.memref_squeeze %dma_start3A_70 : memref<1x128xi32, #tpu.memory_space<vmem>> -> memref<128xi32, #tpu.memory_space<vmem>>
    %dma_start3A_72 = arith.constant 0 : i32
    %dma_start3A_73 = tpu.memref_slice %arg4[%add3A, %dma_start3A_68, %dma_start3A_72] : memref<32x80x128xi32, #tpu.memory_space<hbm>> -> memref<1x1x128xi32, #tpu.memory_space<hbm>>
    %dma_start3A_74 = tpu.memref_squeeze %dma_start3A_73 : memref<1x1x128xi32, #tpu.memory_space<hbm>> -> memref<128xi32, #tpu.memory_space<hbm>>
    %dma_start3A_75 = arith.constant 0 : i32
    %dma_start3A_76 = tpu.memref_slice %arg8[%rem3A_54, %dma_start3A_75] : memref<4x128xi32, #tpu.memory_space<vmem>> -> memref<1x128xi32, #tpu.memory_space<vmem>>
    %dma_start3A_77 = tpu.memref_squeeze %dma_start3A_76 : memref<1x128xi32, #tpu.memory_space<vmem>> -> memref<128xi32, #tpu.memory_space<vmem>>
    %dma_start3A_78 = arith.constant 0 : i32
    %dma_start3A_79 = tpu.memref_slice %arg4[%add3A, %dma_start3A_68, %dma_start3A_78] : memref<32x80x128xi32, #tpu.memory_space<hbm>> -> memref<1x1x128xi32, #tpu.memory_space<hbm>>
    %dma_start3A_80 = tpu.memref_squeeze %dma_start3A_79 : memref<1x1x128xi32, #tpu.memory_space<hbm>> -> memref<128xi32, #tpu.memory_space<hbm>>
    tpu.enqueue_dma source(%dma_start3A_80 : memref<128xi32, #tpu.memory_space<hbm>>) target(%dma_start3A_77 : memref<128xi32, #tpu.memory_space<vmem>>) target_semaphore(%arg12 : memref<!tpu.dma_semaphore, #tpu.memory_space<semaphore_mem>>)
    %rem3A_81 = arith.constant 2 : i32
    %rem3A_82 = arith.constant 4 : i32
    %rem3A_83 = arith.remsi %rem3A_81, %rem3A_82 : i32
    %dma_start3A_84 = arith.constant 2 : i32
    %dma_start3A_85 = arith.constant 0 : i32
    %dma_start3A_86 = tpu.memref_slice %arg7[%rem3A_83, %dma_start3A_85] : memref<4x128xi32, #tpu.memory_space<vmem>> -> memref<1x128xi32, #tpu.memory_space<vmem>>
    %dma_start3A_87 = tpu.memref_squeeze %dma_start3A_86 : memref<1x128xi32, #tpu.memory_space<vmem>> -> memref<128xi32, #tpu.memory_space<vmem>>
    %dma_start3A_88 = arith.constant 0 : i32
    %dma_start3A_89 = tpu.memref_slice %arg3[%add3A, %dma_start3A_84, %dma_start3A_88] : memref<32x80x128xi32, #tpu.memory_space<hbm>> -> memref<1x1x128xi32, #tpu.memory_space<hbm>>
    %dma_start3A_90 = tpu.memref_squeeze %dma_start3A_89 : memref<1x1x128xi32, #tpu.memory_space<hbm>> -> memref<128xi32, #tpu.memory_space<hbm>>
    %dma_start3A_91 = arith.constant 0 : i32
    %dma_start3A_92 = tpu.memref_slice %arg7[%rem3A_83, %dma_start3A_91] : memref<4x128xi32, #tpu.memory_space<vmem>> -> memref<1x128xi32, #tpu.memory_space<vmem>>
    %dma_start3A_93 = tpu.memref_squeeze %dma_start3A_92 : memref<1x128xi32, #tpu.memory_space<vmem>> -> memref<128xi32, #tpu.memory_space<vmem>>
    %dma_start3A_94 = arith.constant 0 : i32
    %dma_start3A_95 = tpu.memref_slice %arg3[%add3A, %dma_start3A_84, %dma_start3A_94] : memref<32x80x128xi32, #tpu.memory_space<hbm>> -> memref<1x1x128xi32, #tpu.memory_space<hbm>>
    %dma_start3A_96 = tpu.memref_squeeze %dma_start3A_95 : memref<1x1x128xi32, #tpu.memory_space<hbm>> -> memref<128xi32, #tpu.memory_space<hbm>>
    tpu.enqueue_dma source(%dma_start3A_96 : memref<128xi32, #tpu.memory_space<hbm>>) target(%dma_start3A_93 : memref<128xi32, #tpu.memory_space<vmem>>) target_semaphore(%arg12 : memref<!tpu.dma_semaphore, #tpu.memory_space<semaphore_mem>>)
    %dma_start3A_97 = arith.constant 2 : i32
    %dma_start3A_98 = arith.constant 0 : i32
    %dma_start3A_99 = tpu.memref_slice %arg8[%rem3A_83, %dma_start3A_98] : memref<4x128xi32, #tpu.memory_space<vmem>> -> memref<1x128xi32, #tpu.memory_space<vmem>>
    %dma_start3A_100 = tpu.memref_squeeze %dma_start3A_99 : memref<1x128xi32, #tpu.memory_space<vmem>> -> memref<128xi32, #tpu.memory_space<vmem>>
    %dma_start3A_101 = arith.constant 0 : i32
    %dma_start3A_102 = tpu.memref_slice %arg4[%add3A, %dma_start3A_97, %dma_start3A_101] : memref<32x80x128xi32, #tpu.memory_space<hbm>> -> memref<1x1x128xi32, #tpu.memory_space<hbm>>
    %dma_start3A_103 = tpu.memref_squeeze %dma_start3A_102 : memref<1x1x128xi32, #tpu.memory_space<hbm>> -> memref<128xi32, #tpu.memory_space<hbm>>
    %dma_start3A_104 = arith.constant 0 : i32
    %dma_start3A_105 = tpu.memref_slice %arg8[%rem3A_83, %dma_start3A_104] : memref<4x128xi32, #tpu.memory_space<vmem>> -> memref<1x128xi32, #tpu.memory_space<vmem>>
    %dma_start3A_106 = tpu.memref_squeeze %dma_start3A_105 : memref<1x128xi32, #tpu.memory_space<vmem>> -> memref<128xi32, #tpu.memory_space<vmem>>
    %dma_start3A_107 = arith.constant 0 : i32
    %dma_start3A_108 = tpu.memref_slice %arg4[%add3A, %dma_start3A_97, %dma_start3A_107] : memref<32x80x128xi32, #tpu.memory_space<hbm>> -> memref<1x1x128xi32, #tpu.memory_space<hbm>>
    %dma_start3A_109 = tpu.memref_squeeze %dma_start3A_108 : memref<1x1x128xi32, #tpu.memory_space<hbm>> -> memref<128xi32, #tpu.memory_space<hbm>>
    tpu.enqueue_dma source(%dma_start3A_109 : memref<128xi32, #tpu.memory_space<hbm>>) target(%dma_start3A_106 : memref<128xi32, #tpu.memory_space<vmem>>) target_semaphore(%arg12 : memref<!tpu.dma_semaphore, #tpu.memory_space<semaphore_mem>>)
    %rem3A_110 = arith.constant 3 : i32
    %rem3A_111 = arith.constant 4 : i32
    %rem3A_112 = arith.remsi %rem3A_110, %rem3A_111 : i32
    %dma_start3A_113 = arith.constant 3 : i32
    %dma_start3A_114 = arith.constant 0 : i32
    %dma_start3A_115 = tpu.memref_slice %arg7[%rem3A_112, %dma_start3A_114] : memref<4x128xi32, #tpu.memory_space<vmem>> -> memref<1x128xi32, #tpu.memory_space<vmem>>
    %dma_start3A_116 = tpu.memref_squeeze %dma_start3A_115 : memref<1x128xi32, #tpu.memory_space<vmem>> -> memref<128xi32, #tpu.memory_space<vmem>>
    %dma_start3A_117 = arith.constant 0 : i32
    %dma_start3A_118 = tpu.memref_slice %arg3[%add3A, %dma_start3A_113, %dma_start3A_117] : memref<32x80x128xi32, #tpu.memory_space<hbm>> -> memref<1x1x128xi32, #tpu.memory_space<hbm>>
    %dma_start3A_119 = tpu.memref_squeeze %dma_start3A_118 : memref<1x1x128xi32, #tpu.memory_space<hbm>> -> memref<128xi32, #tpu.memory_space<hbm>>
    %dma_start3A_120 = arith.constant 0 : i32
    %dma_start3A_121 = tpu.memref_slice %arg7[%rem3A_112, %dma_start3A_120] : memref<4x128xi32, #tpu.memory_space<vmem>> -> memref<1x128xi32, #tpu.memory_space<vmem>>
    %dma_start3A_122 = tpu.memref_squeeze %dma_start3A_121 : memref<1x128xi32, #tpu.memory_space<vmem>> -> memref<128xi32, #tpu.memory_space<vmem>>
    %dma_start3A_123 = arith.constant 0 : i32
    %dma_start3A_124 = tpu.memref_slice %arg3[%add3A, %dma_start3A_113, %dma_start3A_123] : memref<32x80x128xi32, #tpu.memory_space<hbm>> -> memref<1x1x128xi32, #tpu.memory_space<hbm>>
    %dma_start3A_125 = tpu.memref_squeeze %dma_start3A_124 : memref<1x1x128xi32, #tpu.memory_space<hbm>> -> memref<128xi32, #tpu.memory_space<hbm>>
    tpu.enqueue_dma source(%dma_start3A_125 : memref<128xi32, #tpu.memory_space<hbm>>) target(%dma_start3A_122 : memref<128xi32, #tpu.memory_space<vmem>>) target_semaphore(%arg12 : memref<!tpu.dma_semaphore, #tpu.memory_space<semaphore_mem>>)
    %dma_start3A_126 = arith.constant 3 : i32
    %dma_start3A_127 = arith.constant 0 : i32
    %dma_start3A_128 = tpu.memref_slice %arg8[%rem3A_112, %dma_start3A_127] : memref<4x128xi32, #tpu.memory_space<vmem>> -> memref<1x128xi32, #tpu.memory_space<vmem>>
    %dma_start3A_129 = tpu.memref_squeeze %dma_start3A_128 : memref<1x128xi32, #tpu.memory_space<vmem>> -> memref<128xi32, #tpu.memory_space<vmem>>
    %dma_start3A_130 = arith.constant 0 : i32
    %dma_start3A_131 = tpu.memref_slice %arg4[%add3A, %dma_start3A_126, %dma_start3A_130] : memref<32x80x128xi32, #tpu.memory_space<hbm>> -> memref<1x1x128xi32, #tpu.memory_space<hbm>>
    %dma_start3A_132 = tpu.memref_squeeze %dma_start3A_131 : memref<1x1x128xi32, #tpu.memory_space<hbm>> -> memref<128xi32, #tpu.memory_space<hbm>>
    %dma_start3A_133 = arith.constant 0 : i32
    %dma_start3A_134 = tpu.memref_slice %arg8[%rem3A_112, %dma_start3A_133] : memref<4x128xi32, #tpu.memory_space<vmem>> -> memref<1x128xi32, #tpu.memory_space<vmem>>
    %dma_start3A_135 = tpu.memref_squeeze %dma_start3A_134 : memref<1x128xi32, #tpu.memory_space<vmem>> -> memref<128xi32, #tpu.memory_space<vmem>>
    %dma_start3A_136 = arith.constant 0 : i32
    %dma_start3A_137 = tpu.memref_slice %arg4[%add3A, %dma_start3A_126, %dma_start3A_136] : memref<32x80x128xi32, #tpu.memory_space<hbm>> -> memref<1x1x128xi32, #tpu.memory_space<hbm>>
    %dma_start3A_138 = tpu.memref_squeeze %dma_start3A_137 : memref<1x1x128xi32, #tpu.memory_space<hbm>> -> memref<128xi32, #tpu.memory_space<hbm>>
    tpu.enqueue_dma source(%dma_start3A_138 : memref<128xi32, #tpu.memory_space<hbm>>) target(%dma_start3A_135 : memref<128xi32, #tpu.memory_space<vmem>>) target_semaphore(%arg12 : memref<!tpu.dma_semaphore, #tpu.memory_space<semaphore_mem>>)
    %dma_wait3A = arith.constant 0 : i32
    %dma_wait3A_139 = arith.constant 0 : i32
    %dma_wait3A_140 = arith.constant 0 : i32
    %dma_wait3A_141 = arith.constant 0 : i32
    %dma_wait3A_142 = tpu.memref_slice %arg7[%dma_wait3A_140, %dma_wait3A_141] : memref<4x128xi32, #tpu.memory_space<vmem>> -> memref<1x128xi32, #tpu.memory_space<vmem>>
    %dma_wait3A_143 = tpu.memref_squeeze %dma_wait3A_142 : memref<1x128xi32, #tpu.memory_space<vmem>> -> memref<128xi32, #tpu.memory_space<vmem>>
    %dma_wait3A_144 = arith.constant 0 : i32
    %dma_wait3A_145 = tpu.memref_slice %arg3[%dma_wait3A, %dma_wait3A_139, %dma_wait3A_144] : memref<32x80x128xi32, #tpu.memory_space<hbm>> -> memref<1x1x128xi32, #tpu.memory_space<hbm>>
    %dma_wait3A_146 = tpu.memref_squeeze %dma_wait3A_145 : memref<1x1x128xi32, #tpu.memory_space<hbm>> -> memref<128xi32, #tpu.memory_space<hbm>>
    %dma_wait3A_147 = arith.constant 0 : i32
    %dma_wait3A_148 = tpu.memref_slice %arg7[%dma_wait3A_140, %dma_wait3A_147] : memref<4x128xi32, #tpu.memory_space<vmem>> -> memref<1x128xi32, #tpu.memory_space<vmem>>
    %dma_wait3A_149 = tpu.memref_squeeze %dma_wait3A_148 : memref<1x128xi32, #tpu.memory_space<vmem>> -> memref<128xi32, #tpu.memory_space<vmem>>
    %dma_wait3A_150 = arith.constant 0 : i32
    %dma_wait3A_151 = tpu.memref_slice %arg3[%dma_wait3A, %dma_wait3A_139, %dma_wait3A_150] : memref<32x80x128xi32, #tpu.memory_space<hbm>> -> memref<1x1x128xi32, #tpu.memory_space<hbm>>
    %dma_wait3A_152 = tpu.memref_squeeze %dma_wait3A_151 : memref<1x1x128xi32, #tpu.memory_space<hbm>> -> memref<128xi32, #tpu.memory_space<hbm>>
    tpu.wait_dma2 semaphore(%arg12 : memref<!tpu.dma_semaphore, #tpu.memory_space<semaphore_mem>>) src(%dma_wait3A_152 : memref<128xi32, #tpu.memory_space<hbm>>) dst(%dma_wait3A_149 : memref<128xi32, #tpu.memory_space<vmem>>)
    %dma_wait3A_153 = arith.constant 0 : i32
    %dma_wait3A_154 = arith.constant 0 : i32
    %dma_wait3A_155 = arith.constant 0 : i32
    %dma_wait3A_156 = arith.constant 0 : i32
    %dma_wait3A_157 = tpu.memref_slice %arg8[%dma_wait3A_155, %dma_wait3A_156] : memref<4x128xi32, #tpu.memory_space<vmem>> -> memref<1x128xi32, #tpu.memory_space<vmem>>
    %dma_wait3A_158 = tpu.memref_squeeze %dma_wait3A_157 : memref<1x128xi32, #tpu.memory_space<vmem>> -> memref<128xi32, #tpu.memory_space<vmem>>
    %dma_wait3A_159 = arith.constant 0 : i32
    %dma_wait3A_160 = tpu.memref_slice %arg3[%dma_wait3A_153, %dma_wait3A_154, %dma_wait3A_159] : memref<32x80x128xi32, #tpu.memory_space<hbm>> -> memref<1x1x128xi32, #tpu.memory_space<hbm>>
    %dma_wait3A_161 = tpu.memref_squeeze %dma_wait3A_160 : memref<1x1x128xi32, #tpu.memory_space<hbm>> -> memref<128xi32, #tpu.memory_space<hbm>>
    %dma_wait3A_162 = arith.constant 0 : i32
    %dma_wait3A_163 = tpu.memref_slice %arg8[%dma_wait3A_155, %dma_wait3A_162] : memref<4x128xi32, #tpu.memory_space<vmem>> -> memref<1x128xi32, #tpu.memory_space<vmem>>
    %dma_wait3A_164 = tpu.memref_squeeze %dma_wait3A_163 : memref<1x128xi32, #tpu.memory_space<vmem>> -> memref<128xi32, #tpu.memory_space<vmem>>
    %dma_wait3A_165 = arith.constant 0 : i32
    %dma_wait3A_166 = tpu.memref_slice %arg3[%dma_wait3A_153, %dma_wait3A_154, %dma_wait3A_165] : memref<32x80x128xi32, #tpu.memory_space<hbm>> -> memref<1x1x128xi32, #tpu.memory_space<hbm>>
    %dma_wait3A_167 = tpu.memref_squeeze %dma_wait3A_166 : memref<1x1x128xi32, #tpu.memory_space<hbm>> -> memref<128xi32, #tpu.memory_space<hbm>>
    tpu.wait_dma2 semaphore(%arg12 : memref<!tpu.dma_semaphore, #tpu.memory_space<semaphore_mem>>) src(%dma_wait3A_167 : memref<128xi32, #tpu.memory_space<hbm>>) dst(%dma_wait3A_164 : memref<128xi32, #tpu.memory_space<vmem>>)
    %rem3A_168 = arith.constant 0 : i32
    %rem3A_169 = arith.constant 4 : i32
    %rem3A_170 = arith.remsi %rem3A_168, %rem3A_169 : i32
    %dma_start3A_171 = arith.constant 0 : i32
    %dma_start3A_172 = arith.constant 0 : i32
    %dma_start3A_173 = arith.constant 0 : i32
    %dma_start3A_174 = tpu.memref_slice %arg9[%dma_start3A_171, %dma_start3A_172, %dma_start3A_173] : memref<2x128x128xf32, #tpu.memory_space<vmem>> -> memref<1x128x128xf32, #tpu.memory_space<vmem>>
    %dma_start3A_175 = tpu.memref_squeeze %dma_start3A_174 : memref<1x128x128xf32, #tpu.memory_space<vmem>> -> memref<128x128xf32, #tpu.memory_space<vmem>>
    %dma_start3A_176 = arith.constant 0 : i32
    %dma_start3A_177 = tpu.memref_slice %arg7[%rem3A_170, %dma_start3A_176] : memref<4x128xi32, #tpu.memory_space<vmem>> -> memref<1x128xi32, #tpu.memory_space<vmem>>
    %dma_start3A_178 = tpu.memref_squeeze %dma_start3A_177 : memref<1x128xi32, #tpu.memory_space<vmem>> -> memref<128xi32, #tpu.memory_space<vmem>>
    %dma_start3A_179 = arith.constant 0 : i32
    %dma_start3A_180 = arith.constant 0 : i32
    %dma_start3A_181 = tpu.memref_slice %arg2[%dma_start3A_179, %dma_start3A_180] : memref<10240x128xf32, #tpu.memory_space<hbm>> -> memref<10240x128xf32, #tpu.memory_space<hbm>>
    tpu.enqueue_indirect_dma source(%dma_start3A_181 : memref<10240x128xf32, #tpu.memory_space<hbm>>) target(%dma_start3A_175 : memref<128x128xf32, #tpu.memory_space<vmem>>) offsets(%dma_start3A_178 : memref<128xi32, #tpu.memory_space<vmem>>) semaphore(%arg11 : memref<!tpu.dma_semaphore, #tpu.memory_space<semaphore_mem>>)
    %dma_wait3A_182 = arith.constant 0 : i32
    %dma_wait3A_183 = arith.constant 0 : i32
    %dma_wait3A_184 = arith.constant 0 : i32
    %dma_wait3A_185 = arith.constant 0 : i32
    %dma_wait3A_186 = tpu.memref_slice %arg7[%dma_wait3A_184, %dma_wait3A_185] : memref<4x128xi32, #tpu.memory_space<vmem>> -> memref<1x128xi32, #tpu.memory_space<vmem>>
    %dma_wait3A_187 = tpu.memref_squeeze %dma_wait3A_186 : memref<1x128xi32, #tpu.memory_space<vmem>> -> memref<128xi32, #tpu.memory_space<vmem>>
    %dma_wait3A_188 = arith.constant 0 : i32
    %dma_wait3A_189 = tpu.memref_slice %arg3[%dma_wait3A_182, %dma_wait3A_183, %dma_wait3A_188] : memref<32x80x128xi32, #tpu.memory_space<hbm>> -> memref<1x1x128xi32, #tpu.memory_space<hbm>>
    %dma_wait3A_190 = tpu.memref_squeeze %dma_wait3A_189 : memref<1x1x128xi32, #tpu.memory_space<hbm>> -> memref<128xi32, #tpu.memory_space<hbm>>
    %dma_wait3A_191 = arith.constant 0 : i32
    %dma_wait3A_192 = tpu.memref_slice %arg7[%dma_wait3A_184, %dma_wait3A_191] : memref<4x128xi32, #tpu.memory_space<vmem>> -> memref<1x128xi32, #tpu.memory_space<vmem>>
    %dma_wait3A_193 = tpu.memref_squeeze %dma_wait3A_192 : memref<1x128xi32, #tpu.memory_space<vmem>> -> memref<128xi32, #tpu.memory_space<vmem>>
    %dma_wait3A_194 = arith.constant 0 : i32
    %dma_wait3A_195 = tpu.memref_slice %arg3[%dma_wait3A_182, %dma_wait3A_183, %dma_wait3A_194] : memref<32x80x128xi32, #tpu.memory_space<hbm>> -> memref<1x1x128xi32, #tpu.memory_space<hbm>>
    %dma_wait3A_196 = tpu.memref_squeeze %dma_wait3A_195 : memref<1x1x128xi32, #tpu.memory_space<hbm>> -> memref<128xi32, #tpu.memory_space<hbm>>
    tpu.wait_dma2 semaphore(%arg12 : memref<!tpu.dma_semaphore, #tpu.memory_space<semaphore_mem>>) src(%dma_wait3A_196 : memref<128xi32, #tpu.memory_space<hbm>>) dst(%dma_wait3A_193 : memref<128xi32, #tpu.memory_space<vmem>>)
    %dma_wait3A_197 = arith.constant 0 : i32
    %dma_wait3A_198 = arith.constant 0 : i32
    %dma_wait3A_199 = arith.constant 0 : i32
    %dma_wait3A_200 = arith.constant 0 : i32
    %dma_wait3A_201 = tpu.memref_slice %arg8[%dma_wait3A_199, %dma_wait3A_200] : memref<4x128xi32, #tpu.memory_space<vmem>> -> memref<1x128xi32, #tpu.memory_space<vmem>>
    %dma_wait3A_202 = tpu.memref_squeeze %dma_wait3A_201 : memref<1x128xi32, #tpu.memory_space<vmem>> -> memref<128xi32, #tpu.memory_space<vmem>>
    %dma_wait3A_203 = arith.constant 0 : i32
    %dma_wait3A_204 = tpu.memref_slice %arg3[%dma_wait3A_197, %dma_wait3A_198, %dma_wait3A_203] : memref<32x80x128xi32, #tpu.memory_space<hbm>> -> memref<1x1x128xi32, #tpu.memory_space<hbm>>
    %dma_wait3A_205 = tpu.memref_squeeze %dma_wait3A_204 : memref<1x1x128xi32, #tpu.memory_space<hbm>> -> memref<128xi32, #tpu.memory_space<hbm>>
    %dma_wait3A_206 = arith.constant 0 : i32
    %dma_wait3A_207 = tpu.memref_slice %arg8[%dma_wait3A_199, %dma_wait3A_206] : memref<4x128xi32, #tpu.memory_space<vmem>> -> memref<1x128xi32, #tpu.memory_space<vmem>>
    %dma_wait3A_208 = tpu.memref_squeeze %dma_wait3A_207 : memref<1x128xi32, #tpu.memory_space<vmem>> -> memref<128xi32, #tpu.memory_space<vmem>>
    %dma_wait3A_209 = arith.constant 0 : i32
    %dma_wait3A_210 = tpu.memref_slice %arg3[%dma_wait3A_197, %dma_wait3A_198, %dma_wait3A_209] : memref<32x80x128xi32, #tpu.memory_space<hbm>> -> memref<1x1x128xi32, #tpu.memory_space<hbm>>
    %dma_wait3A_211 = tpu.memref_squeeze %dma_wait3A_210 : memref<1x1x128xi32, #tpu.memory_space<hbm>> -> memref<128xi32, #tpu.memory_space<hbm>>
    tpu.wait_dma2 semaphore(%arg12 : memref<!tpu.dma_semaphore, #tpu.memory_space<semaphore_mem>>) src(%dma_wait3A_211 : memref<128xi32, #tpu.memory_space<hbm>>) dst(%dma_wait3A_208 : memref<128xi32, #tpu.memory_space<vmem>>)
    %rem3A_212 = arith.constant 1 : i32
    %rem3A_213 = arith.constant 4 : i32
    %rem3A_214 = arith.remsi %rem3A_212, %rem3A_213 : i32
    %dma_start3A_215 = arith.constant 1 : i32
    %dma_start3A_216 = arith.constant 0 : i32
    %dma_start3A_217 = arith.constant 0 : i32
    %dma_start3A_218 = tpu.memref_slice %arg9[%dma_start3A_215, %dma_start3A_216, %dma_start3A_217] : memref<2x128x128xf32, #tpu.memory_space<vmem>> -> memref<1x128x128xf32, #tpu.memory_space<vmem>>
    %dma_start3A_219 = tpu.memref_squeeze %dma_start3A_218 : memref<1x128x128xf32, #tpu.memory_space<vmem>> -> memref<128x128xf32, #tpu.memory_space<vmem>>
    %dma_start3A_220 = arith.constant 0 : i32
    %dma_start3A_221 = tpu.memref_slice %arg7[%rem3A_214, %dma_start3A_220] : memref<4x128xi32, #tpu.memory_space<vmem>> -> memref<1x128xi32, #tpu.memory_space<vmem>>
    %dma_start3A_222 = tpu.memref_squeeze %dma_start3A_221 : memref<1x128xi32, #tpu.memory_space<vmem>> -> memref<128xi32, #tpu.memory_space<vmem>>
    %dma_start3A_223 = arith.constant 0 : i32
    %dma_start3A_224 = arith.constant 0 : i32
    %dma_start3A_225 = tpu.memref_slice %arg2[%dma_start3A_223, %dma_start3A_224] : memref<10240x128xf32, #tpu.memory_space<hbm>> -> memref<10240x128xf32, #tpu.memory_space<hbm>>
    tpu.enqueue_indirect_dma source(%dma_start3A_225 : memref<10240x128xf32, #tpu.memory_space<hbm>>) target(%dma_start3A_219 : memref<128x128xf32, #tpu.memory_space<vmem>>) offsets(%dma_start3A_222 : memref<128xi32, #tpu.memory_space<vmem>>) semaphore(%arg11 : memref<!tpu.dma_semaphore, #tpu.memory_space<semaphore_mem>>)
    %while3A = arith.constant 0 : i32
    %while3A_226 = arith.constant 0 : i32
    %while3A_227 = arith.subi %min3A_21, %while3A_226 : i32
    %while3A_228 = arith.addi %while3A_226, %while3A_227 : i32
    %while3A_229 = arith.constant 1 : i32
    %while3A_230 = arith.divsi %while3A_227, %while3A_229 : i32
    %while3A_231 = arith.muli %while3A_230, %while3A_229 : i32
    %while3A_232 = arith.addi %while3A_226, %while3A_231 : i32
    %while3A_233 = arith.constant 1 : i32
    scf.for %while3A_240 = %while3A_226 to %while3A_232 step %while3A_233  : i32 {
      %rem3A_241 = arith.constant 2 : i32
      %rem3A_242 = arith.remsi %while3A_240, %rem3A_241 : i32
      %rem3A_243 = arith.constant 4 : i32
      %rem3A_244 = arith.remsi %while3A_240, %rem3A_243 : i32
      %dma_wait3A_245 = arith.constant 0 : i32
      %dma_wait3A_246 = arith.constant 0 : i32
      %dma_wait3A_247 = tpu.memref_slice %arg9[%rem3A_242, %dma_wait3A_245, %dma_wait3A_246] : memref<2x128x128xf32, #tpu.memory_space<vmem>> -> memref<1x128x128xf32, #tpu.memory_space<vmem>>
      %dma_wait3A_248 = tpu.memref_squeeze %dma_wait3A_247 : memref<1x128x128xf32, #tpu.memory_space<vmem>> -> memref<128x128xf32, #tpu.memory_space<vmem>>
      %dma_wait3A_249 = arith.constant 0 : i32
      %dma_wait3A_250 = arith.constant 0 : i32
      %dma_wait3A_251 = tpu.memref_slice %arg2[%dma_wait3A_249, %dma_wait3A_250] : memref<10240x128xf32, #tpu.memory_space<hbm>> -> memref<128x128xf32, #tpu.memory_space<hbm>>
      %dma_wait3A_252 = arith.constant 0 : i32
      %dma_wait3A_253 = arith.constant 0 : i32
      %dma_wait3A_254 = tpu.memref_slice %arg9[%rem3A_242, %dma_wait3A_252, %dma_wait3A_253] : memref<2x128x128xf32, #tpu.memory_space<vmem>> -> memref<1x128x128xf32, #tpu.memory_space<vmem>>
      %dma_wait3A_255 = tpu.memref_squeeze %dma_wait3A_254 : memref<1x128x128xf32, #tpu.memory_space<vmem>> -> memref<128x128xf32, #tpu.memory_space<vmem>>
      %dma_wait3A_256 = arith.constant 0 : i32
      %dma_wait3A_257 = arith.constant 0 : i32
      %dma_wait3A_258 = tpu.memref_slice %arg2[%dma_wait3A_256, %dma_wait3A_257] : memref<10240x128xf32, #tpu.memory_space<hbm>> -> memref<128x128xf32, #tpu.memory_space<hbm>>
      tpu.wait_dma2 semaphore(%arg11 : memref<!tpu.dma_semaphore, #tpu.memory_space<semaphore_mem>>) src(%dma_wait3A_258 : memref<128x128xf32, #tpu.memory_space<hbm>>) dst(%dma_wait3A_255 : memref<128x128xf32, #tpu.memory_space<vmem>>)
      "tpu.region"() ({
        %run_scoped3A = tpu.sem_alloc : memref<!tpu.dma_semaphore, #tpu.memory_space<semaphore_mem>>
        %dma_start3A_268 = arith.constant 0 : i32
        %dma_start3A_269 = arith.constant 0 : i32
        %dma_start3A_270 = tpu.memref_slice %arg9[%rem3A_242, %dma_start3A_268, %dma_start3A_269] : memref<2x128x128xf32, #tpu.memory_space<vmem>> -> memref<1x128x128xf32, #tpu.memory_space<vmem>>
        %dma_start3A_271 = tpu.memref_squeeze %dma_start3A_270 : memref<1x128x128xf32, #tpu.memory_space<vmem>> -> memref<128x128xf32, #tpu.memory_space<vmem>>
        %dma_start3A_272 = arith.constant 0 : i32
        %dma_start3A_273 = tpu.memref_slice %arg8[%rem3A_244, %dma_start3A_272] : memref<4x128xi32, #tpu.memory_space<vmem>> -> memref<1x128xi32, #tpu.memory_space<vmem>>
        %dma_start3A_274 = tpu.memref_squeeze %dma_start3A_273 : memref<1x128xi32, #tpu.memory_space<vmem>> -> memref<128xi32, #tpu.memory_space<vmem>>
        %dma_start3A_275 = arith.constant 0 : i32
        %dma_start3A_276 = arith.constant 0 : i32
        %dma_start3A_277 = tpu.memref_slice %arg10[%dma_start3A_275, %dma_start3A_276] : memref<10240x128xf32, #tpu.memory_space<vmem_shared>> -> memref<10240x128xf32, #tpu.memory_space<vmem_shared>>
        tpu.enqueue_indirect_dma source(%dma_start3A_271 : memref<128x128xf32, #tpu.memory_space<vmem>>) target(%dma_start3A_277 : memref<10240x128xf32, #tpu.memory_space<vmem_shared>>) offsets(%dma_start3A_274 : memref<128xi32, #tpu.memory_space<vmem>>) semaphore(%run_scoped3A : memref<!tpu.dma_semaphore, #tpu.memory_space<semaphore_mem>>) {add = true}
        %dma_wait3A_278 = arith.constant 0 : i32
        %dma_wait3A_279 = arith.constant 0 : i32
        %dma_wait3A_280 = tpu.memref_slice %arg9[%rem3A_242, %dma_wait3A_278, %dma_wait3A_279] : memref<2x128x128xf32, #tpu.memory_space<vmem>> -> memref<1x128x128xf32, #tpu.memory_space<vmem>>
        %dma_wait3A_281 = tpu.memref_squeeze %dma_wait3A_280 : memref<1x128x128xf32, #tpu.memory_space<vmem>> -> memref<128x128xf32, #tpu.memory_space<vmem>>
        %dma_wait3A_282 = arith.constant 0 : i32
        %dma_wait3A_283 = tpu.memref_slice %arg8[%rem3A_244, %dma_wait3A_282] : memref<4x128xi32, #tpu.memory_space<vmem>> -> memref<1x128xi32, #tpu.memory_space<vmem>>
        %dma_wait3A_284 = tpu.memref_squeeze %dma_wait3A_283 : memref<1x128xi32, #tpu.memory_space<vmem>> -> memref<128xi32, #tpu.memory_space<vmem>>
        %dma_wait3A_285 = arith.constant 0 : i32
        %dma_wait3A_286 = arith.constant 0 : i32
        %dma_wait3A_287 = tpu.memref_slice %arg10[%dma_wait3A_285, %dma_wait3A_286] : memref<10240x128xf32, #tpu.memory_space<vmem_shared>> -> memref<10240x128xf32, #tpu.memory_space<vmem_shared>>
        tpu.wait_indirect_dma semaphore(%run_scoped3A : memref<!tpu.dma_semaphore, #tpu.memory_space<semaphore_mem>>) src(%dma_wait3A_281 : memref<128x128xf32, #tpu.memory_space<vmem>>) dst(%dma_wait3A_287 : memref<10240x128xf32, #tpu.memory_space<vmem_shared>>)
        tpu.yield
      }) : () -> ()
      %add3A_259 = arith.constant 4 : i32
      %add3A_260 = arith.addi %while3A_240, %add3A_259 : i32
      %lt3A = arith.cmpi slt, %add3A_260, %min3A_21 : i32
      %convert_element_type3A = arith.extui %lt3A : i1 to i32
      %cond3A = arith.constant 0 : i32
      %cond3A_261 = arith.cmpi ne, %convert_element_type3A, %cond3A : i32
      scf.if %cond3A_261 {
        %add3A_268 = arith.constant 4 : i32
        %add3A_269 = arith.addi %while3A_240, %add3A_268 : i32
        %rem3A_270 = arith.constant 4 : i32
        %rem3A_271 = arith.remsi %add3A_269, %rem3A_270 : i32
        %dma_start3A_272 = arith.constant 0 : i32
        %dma_start3A_273 = tpu.memref_slice %arg7[%rem3A_271, %dma_start3A_272] : memref<4x128xi32, #tpu.memory_space<vmem>> -> memref<1x128xi32, #tpu.memory_space<vmem>>
        %dma_start3A_274 = tpu.memref_squeeze %dma_start3A_273 : memref<1x128xi32, #tpu.memory_space<vmem>> -> memref<128xi32, #tpu.memory_space<vmem>>
        %dma_start3A_275 = arith.constant 0 : i32
        %dma_start3A_276 = tpu.memref_slice %arg3[%add3A, %add3A_269, %dma_start3A_275] : memref<32x80x128xi32, #tpu.memory_space<hbm>> -> memref<1x1x128xi32, #tpu.memory_space<hbm>>
        %dma_start3A_277 = tpu.memref_squeeze %dma_start3A_276 : memref<1x1x128xi32, #tpu.memory_space<hbm>> -> memref<128xi32, #tpu.memory_space<hbm>>
        %dma_start3A_278 = arith.constant 0 : i32
        %dma_start3A_279 = tpu.memref_slice %arg7[%rem3A_271, %dma_start3A_278] : memref<4x128xi32, #tpu.memory_space<vmem>> -> memref<1x128xi32, #tpu.memory_space<vmem>>
        %dma_start3A_280 = tpu.memref_squeeze %dma_start3A_279 : memref<1x128xi32, #tpu.memory_space<vmem>> -> memref<128xi32, #tpu.memory_space<vmem>>
        %dma_start3A_281 = arith.constant 0 : i32
        %dma_start3A_282 = tpu.memref_slice %arg3[%add3A, %add3A_269, %dma_start3A_281] : memref<32x80x128xi32, #tpu.memory_space<hbm>> -> memref<1x1x128xi32, #tpu.memory_space<hbm>>
        %dma_start3A_283 = tpu.memref_squeeze %dma_start3A_282 : memref<1x1x128xi32, #tpu.memory_space<hbm>> -> memref<128xi32, #tpu.memory_space<hbm>>
        tpu.enqueue_dma source(%dma_start3A_283 : memref<128xi32, #tpu.memory_space<hbm>>) target(%dma_start3A_280 : memref<128xi32, #tpu.memory_space<vmem>>) target_semaphore(%arg12 : memref<!tpu.dma_semaphore, #tpu.memory_space<semaphore_mem>>)
        %dma_start3A_284 = arith.constant 0 : i32
        %dma_start3A_285 = tpu.memref_slice %arg8[%rem3A_271, %dma_start3A_284] : memref<4x128xi32, #tpu.memory_space<vmem>> -> memref<1x128xi32, #tpu.memory_space<vmem>>
        %dma_start3A_286 = tpu.memref_squeeze %dma_start3A_285 : memref<1x128xi32, #tpu.memory_space<vmem>> -> memref<128xi32, #tpu.memory_space<vmem>>
        %dma_start3A_287 = arith.constant 0 : i32
        %dma_start3A_288 = tpu.memref_slice %arg4[%add3A, %add3A_269, %dma_start3A_287] : memref<32x80x128xi32, #tpu.memory_space<hbm>> -> memref<1x1x128xi32, #tpu.memory_space<hbm>>
        %dma_start3A_289 = tpu.memref_squeeze %dma_start3A_288 : memref<1x1x128xi32, #tpu.memory_space<hbm>> -> memref<128xi32, #tpu.memory_space<hbm>>
        %dma_start3A_290 = arith.constant 0 : i32
        %dma_start3A_291 = tpu.memref_slice %arg8[%rem3A_271, %dma_start3A_290] : memref<4x128xi32, #tpu.memory_space<vmem>> -> memref<1x128xi32, #tpu.memory_space<vmem>>
        %dma_start3A_292 = tpu.memref_squeeze %dma_start3A_291 : memref<1x128xi32, #tpu.memory_space<vmem>> -> memref<128xi32, #tpu.memory_space<vmem>>
        %dma_start3A_293 = arith.constant 0 : i32
        %dma_start3A_294 = tpu.memref_slice %arg4[%add3A, %add3A_269, %dma_start3A_293] : memref<32x80x128xi32, #tpu.memory_space<hbm>> -> memref<1x1x128xi32, #tpu.memory_space<hbm>>
        %dma_start3A_295 = tpu.memref_squeeze %dma_start3A_294 : memref<1x1x128xi32, #tpu.memory_space<hbm>> -> memref<128xi32, #tpu.memory_space<hbm>>
        tpu.enqueue_dma source(%dma_start3A_295 : memref<128xi32, #tpu.memory_space<hbm>>) target(%dma_start3A_292 : memref<128xi32, #tpu.memory_space<vmem>>) target_semaphore(%arg12 : memref<!tpu.dma_semaphore, #tpu.memory_space<semaphore_mem>>)
      } else {
      }
      %add3A_262 = arith.constant 2 : i32
      %add3A_263 = arith.addi %while3A_240, %add3A_262 : i32
      %lt3A_264 = arith.cmpi slt, %add3A_263, %min3A_21 : i32
      %convert_element_type3A_265 = arith.extui %lt3A_264 : i1 to i32
      %cond3A_266 = arith.constant 0 : i32
      %cond3A_267 = arith.cmpi ne, %convert_element_type3A_265, %cond3A_266 : i32
      scf.if %cond3A_267 {
        %dma_wait3A_268 = arith.constant 0 : i32
        %dma_wait3A_269 = arith.constant 0 : i32
        %dma_wait3A_270 = arith.constant 0 : i32
        %dma_wait3A_271 = arith.constant 0 : i32
        %dma_wait3A_272 = tpu.memref_slice %arg7[%dma_wait3A_270, %dma_wait3A_271] : memref<4x128xi32, #tpu.memory_space<vmem>> -> memref<1x128xi32, #tpu.memory_space<vmem>>
        %dma_wait3A_273 = tpu.memref_squeeze %dma_wait3A_272 : memref<1x128xi32, #tpu.memory_space<vmem>> -> memref<128xi32, #tpu.memory_space<vmem>>
        %dma_wait3A_274 = arith.constant 0 : i32
        %dma_wait3A_275 = tpu.memref_slice %arg3[%dma_wait3A_268, %dma_wait3A_269, %dma_wait3A_274] : memref<32x80x128xi32, #tpu.memory_space<hbm>> -> memref<1x1x128xi32, #tpu.memory_space<hbm>>
        %dma_wait3A_276 = tpu.memref_squeeze %dma_wait3A_275 : memref<1x1x128xi32, #tpu.memory_space<hbm>> -> memref<128xi32, #tpu.memory_space<hbm>>
        %dma_wait3A_277 = arith.constant 0 : i32
        %dma_wait3A_278 = tpu.memref_slice %arg7[%dma_wait3A_270, %dma_wait3A_277] : memref<4x128xi32, #tpu.memory_space<vmem>> -> memref<1x128xi32, #tpu.memory_space<vmem>>
        %dma_wait3A_279 = tpu.memref_squeeze %dma_wait3A_278 : memref<1x128xi32, #tpu.memory_space<vmem>> -> memref<128xi32, #tpu.memory_space<vmem>>
        %dma_wait3A_280 = arith.constant 0 : i32
        %dma_wait3A_281 = tpu.memref_slice %arg3[%dma_wait3A_268, %dma_wait3A_269, %dma_wait3A_280] : memref<32x80x128xi32, #tpu.memory_space<hbm>> -> memref<1x1x128xi32, #tpu.memory_space<hbm>>
        %dma_wait3A_282 = tpu.memref_squeeze %dma_wait3A_281 : memref<1x1x128xi32, #tpu.memory_space<hbm>> -> memref<128xi32, #tpu.memory_space<hbm>>
        tpu.wait_dma2 semaphore(%arg12 : memref<!tpu.dma_semaphore, #tpu.memory_space<semaphore_mem>>) src(%dma_wait3A_282 : memref<128xi32, #tpu.memory_space<hbm>>) dst(%dma_wait3A_279 : memref<128xi32, #tpu.memory_space<vmem>>)
        %dma_wait3A_283 = arith.constant 0 : i32
        %dma_wait3A_284 = arith.constant 0 : i32
        %dma_wait3A_285 = arith.constant 0 : i32
        %dma_wait3A_286 = arith.constant 0 : i32
        %dma_wait3A_287 = tpu.memref_slice %arg8[%dma_wait3A_285, %dma_wait3A_286] : memref<4x128xi32, #tpu.memory_space<vmem>> -> memref<1x128xi32, #tpu.memory_space<vmem>>
        %dma_wait3A_288 = tpu.memref_squeeze %dma_wait3A_287 : memref<1x128xi32, #tpu.memory_space<vmem>> -> memref<128xi32, #tpu.memory_space<vmem>>
        %dma_wait3A_289 = arith.constant 0 : i32
        %dma_wait3A_290 = tpu.memref_slice %arg3[%dma_wait3A_283, %dma_wait3A_284, %dma_wait3A_289] : memref<32x80x128xi32, #tpu.memory_space<hbm>> -> memref<1x1x128xi32, #tpu.memory_space<hbm>>
        %dma_wait3A_291 = tpu.memref_squeeze %dma_wait3A_290 : memref<1x1x128xi32, #tpu.memory_space<hbm>> -> memref<128xi32, #tpu.memory_space<hbm>>
        %dma_wait3A_292 = arith.constant 0 : i32
        %dma_wait3A_293 = tpu.memref_slice %arg8[%dma_wait3A_285, %dma_wait3A_292] : memref<4x128xi32, #tpu.memory_space<vmem>> -> memref<1x128xi32, #tpu.memory_space<vmem>>
        %dma_wait3A_294 = tpu.memref_squeeze %dma_wait3A_293 : memref<1x128xi32, #tpu.memory_space<vmem>> -> memref<128xi32, #tpu.memory_space<vmem>>
        %dma_wait3A_295 = arith.constant 0 : i32
        %dma_wait3A_296 = tpu.memref_slice %arg3[%dma_wait3A_283, %dma_wait3A_284, %dma_wait3A_295] : memref<32x80x128xi32, #tpu.memory_space<hbm>> -> memref<1x1x128xi32, #tpu.memory_space<hbm>>
        %dma_wait3A_297 = tpu.memref_squeeze %dma_wait3A_296 : memref<1x1x128xi32, #tpu.memory_space<hbm>> -> memref<128xi32, #tpu.memory_space<hbm>>
        tpu.wait_dma2 semaphore(%arg12 : memref<!tpu.dma_semaphore, #tpu.memory_space<semaphore_mem>>) src(%dma_wait3A_297 : memref<128xi32, #tpu.memory_space<hbm>>) dst(%dma_wait3A_294 : memref<128xi32, #tpu.memory_space<vmem>>)
        %add3A_298 = arith.constant 2 : i32
        %add3A_299 = arith.addi %while3A_240, %add3A_298 : i32
        %rem3A_300 = arith.constant 4 : i32
        %rem3A_301 = arith.remsi %add3A_299, %rem3A_300 : i32
        %dma_start3A_302 = arith.constant 0 : i32
        %dma_start3A_303 = arith.constant 0 : i32
        %dma_start3A_304 = tpu.memref_slice %arg9[%rem3A_242, %dma_start3A_302, %dma_start3A_303] : memref<2x128x128xf32, #tpu.memory_space<vmem>> -> memref<1x128x128xf32, #tpu.memory_space<vmem>>
        %dma_start3A_305 = tpu.memref_squeeze %dma_start3A_304 : memref<1x128x128xf32, #tpu.memory_space<vmem>> -> memref<128x128xf32, #tpu.memory_space<vmem>>
        %dma_start3A_306 = arith.constant 0 : i32
        %dma_start3A_307 = tpu.memref_slice %arg7[%rem3A_301, %dma_start3A_306] : memref<4x128xi32, #tpu.memory_space<vmem>> -> memref<1x128xi32, #tpu.memory_space<vmem>>
        %dma_start3A_308 = tpu.memref_squeeze %dma_start3A_307 : memref<1x128xi32, #tpu.memory_space<vmem>> -> memref<128xi32, #tpu.memory_space<vmem>>
        %dma_start3A_309 = arith.constant 0 : i32
        %dma_start3A_310 = arith.constant 0 : i32
        %dma_start3A_311 = tpu.memref_slice %arg2[%dma_start3A_309, %dma_start3A_310] : memref<10240x128xf32, #tpu.memory_space<hbm>> -> memref<10240x128xf32, #tpu.memory_space<hbm>>
        tpu.enqueue_indirect_dma source(%dma_start3A_311 : memref<10240x128xf32, #tpu.memory_space<hbm>>) target(%dma_start3A_305 : memref<128x128xf32, #tpu.memory_space<vmem>>) offsets(%dma_start3A_308 : memref<128xi32, #tpu.memory_space<vmem>>) semaphore(%arg11 : memref<!tpu.dma_semaphore, #tpu.memory_space<semaphore_mem>>)
      } else {
      }
    }
    %while3A_234 = arith.constant 1 : i32
    scf.for %while3A_240 = %while3A_232 to %while3A_228 step %while3A_234  : i32 {
      %rem3A_241 = arith.constant 2 : i32
      %rem3A_242 = arith.remsi %while3A_240, %rem3A_241 : i32
      %rem3A_243 = arith.constant 4 : i32
      %rem3A_244 = arith.remsi %while3A_240, %rem3A_243 : i32
      %dma_wait3A_245 = arith.constant 0 : i32
      %dma_wait3A_246 = arith.constant 0 : i32
      %dma_wait3A_247 = tpu.memref_slice %arg9[%rem3A_242, %dma_wait3A_245, %dma_wait3A_246] : memref<2x128x128xf32, #tpu.memory_space<vmem>> -> memref<1x128x128xf32, #tpu.memory_space<vmem>>
      %dma_wait3A_248 = tpu.memref_squeeze %dma_wait3A_247 : memref<1x128x128xf32, #tpu.memory_space<vmem>> -> memref<128x128xf32, #tpu.memory_space<vmem>>
      %dma_wait3A_249 = arith.constant 0 : i32
      %dma_wait3A_250 = arith.constant 0 : i32
      %dma_wait3A_251 = tpu.memref_slice %arg2[%dma_wait3A_249, %dma_wait3A_250] : memref<10240x128xf32, #tpu.memory_space<hbm>> -> memref<128x128xf32, #tpu.memory_space<hbm>>
      %dma_wait3A_252 = arith.constant 0 : i32
      %dma_wait3A_253 = arith.constant 0 : i32
      %dma_wait3A_254 = tpu.memref_slice %arg9[%rem3A_242, %dma_wait3A_252, %dma_wait3A_253] : memref<2x128x128xf32, #tpu.memory_space<vmem>> -> memref<1x128x128xf32, #tpu.memory_space<vmem>>
      %dma_wait3A_255 = tpu.memref_squeeze %dma_wait3A_254 : memref<1x128x128xf32, #tpu.memory_space<vmem>> -> memref<128x128xf32, #tpu.memory_space<vmem>>
      %dma_wait3A_256 = arith.constant 0 : i32
      %dma_wait3A_257 = arith.constant 0 : i32
      %dma_wait3A_258 = tpu.memref_slice %arg2[%dma_wait3A_256, %dma_wait3A_257] : memref<10240x128xf32, #tpu.memory_space<hbm>> -> memref<128x128xf32, #tpu.memory_space<hbm>>
      tpu.wait_dma2 semaphore(%arg11 : memref<!tpu.dma_semaphore, #tpu.memory_space<semaphore_mem>>) src(%dma_wait3A_258 : memref<128x128xf32, #tpu.memory_space<hbm>>) dst(%dma_wait3A_255 : memref<128x128xf32, #tpu.memory_space<vmem>>)
      "tpu.region"() ({
        %run_scoped3A = tpu.sem_alloc : memref<!tpu.dma_semaphore, #tpu.memory_space<semaphore_mem>>
        %dma_start3A_268 = arith.constant 0 : i32
        %dma_start3A_269 = arith.constant 0 : i32
        %dma_start3A_270 = tpu.memref_slice %arg9[%rem3A_242, %dma_start3A_268, %dma_start3A_269] : memref<2x128x128xf32, #tpu.memory_space<vmem>> -> memref<1x128x128xf32, #tpu.memory_space<vmem>>
        %dma_start3A_271 = tpu.memref_squeeze %dma_start3A_270 : memref<1x128x128xf32, #tpu.memory_space<vmem>> -> memref<128x128xf32, #tpu.memory_space<vmem>>
        %dma_start3A_272 = arith.constant 0 : i32
        %dma_start3A_273 = tpu.memref_slice %arg8[%rem3A_244, %dma_start3A_272] : memref<4x128xi32, #tpu.memory_space<vmem>> -> memref<1x128xi32, #tpu.memory_space<vmem>>
        %dma_start3A_274 = tpu.memref_squeeze %dma_start3A_273 : memref<1x128xi32, #tpu.memory_space<vmem>> -> memref<128xi32, #tpu.memory_space<vmem>>
        %dma_start3A_275 = arith.constant 0 : i32
        %dma_start3A_276 = arith.constant 0 : i32
        %dma_start3A_277 = tpu.memref_slice %arg10[%dma_start3A_275, %dma_start3A_276] : memref<10240x128xf32, #tpu.memory_space<vmem_shared>> -> memref<10240x128xf32, #tpu.memory_space<vmem_shared>>
        tpu.enqueue_indirect_dma source(%dma_start3A_271 : memref<128x128xf32, #tpu.memory_space<vmem>>) target(%dma_start3A_277 : memref<10240x128xf32, #tpu.memory_space<vmem_shared>>) offsets(%dma_start3A_274 : memref<128xi32, #tpu.memory_space<vmem>>) semaphore(%run_scoped3A : memref<!tpu.dma_semaphore, #tpu.memory_space<semaphore_mem>>) {add = true}
        %dma_wait3A_278 = arith.constant 0 : i32
        %dma_wait3A_279 = arith.constant 0 : i32
        %dma_wait3A_280 = tpu.memref_slice %arg9[%rem3A_242, %dma_wait3A_278, %dma_wait3A_279] : memref<2x128x128xf32, #tpu.memory_space<vmem>> -> memref<1x128x128xf32, #tpu.memory_space<vmem>>
        %dma_wait3A_281 = tpu.memref_squeeze %dma_wait3A_280 : memref<1x128x128xf32, #tpu.memory_space<vmem>> -> memref<128x128xf32, #tpu.memory_space<vmem>>
        %dma_wait3A_282 = arith.constant 0 : i32
        %dma_wait3A_283 = tpu.memref_slice %arg8[%rem3A_244, %dma_wait3A_282] : memref<4x128xi32, #tpu.memory_space<vmem>> -> memref<1x128xi32, #tpu.memory_space<vmem>>
        %dma_wait3A_284 = tpu.memref_squeeze %dma_wait3A_283 : memref<1x128xi32, #tpu.memory_space<vmem>> -> memref<128xi32, #tpu.memory_space<vmem>>
        %dma_wait3A_285 = arith.constant 0 : i32
        %dma_wait3A_286 = arith.constant 0 : i32
        %dma_wait3A_287 = tpu.memref_slice %arg10[%dma_wait3A_285, %dma_wait3A_286] : memref<10240x128xf32, #tpu.memory_space<vmem_shared>> -> memref<10240x128xf32, #tpu.memory_space<vmem_shared>>
        tpu.wait_indirect_dma semaphore(%run_scoped3A : memref<!tpu.dma_semaphore, #tpu.memory_space<semaphore_mem>>) src(%dma_wait3A_281 : memref<128x128xf32, #tpu.memory_space<vmem>>) dst(%dma_wait3A_287 : memref<10240x128xf32, #tpu.memory_space<vmem_shared>>)
        tpu.yield
      }) : () -> ()
      %add3A_259 = arith.constant 4 : i32
      %add3A_260 = arith.addi %while3A_240, %add3A_259 : i32
      %lt3A = arith.cmpi slt, %add3A_260, %min3A_21 : i32
      %convert_element_type3A = arith.extui %lt3A : i1 to i32
      %cond3A = arith.constant 0 : i32
      %cond3A_261 = arith.cmpi ne, %convert_element_type3A, %cond3A : i32
      scf.if %cond3A_261 {
        %add3A_268 = arith.constant 4 : i32
        %add3A_269 = arith.addi %while3A_240, %add3A_268 : i32
        %rem3A_270 = arith.constant 4 : i32
        %rem3A_271 = arith.remsi %add3A_269, %rem3A_270 : i32
        %dma_start3A_272 = arith.constant 0 : i32
        %dma_start3A_273 = tpu.memref_slice %arg7[%rem3A_271, %dma_start3A_272] : memref<4x128xi32, #tpu.memory_space<vmem>> -> memref<1x128xi32, #tpu.memory_space<vmem>>
        %dma_start3A_274 = tpu.memref_squeeze %dma_start3A_273 : memref<1x128xi32, #tpu.memory_space<vmem>> -> memref<128xi32, #tpu.memory_space<vmem>>
        %dma_start3A_275 = arith.constant 0 : i32
        %dma_start3A_276 = tpu.memref_slice %arg3[%add3A, %add3A_269, %dma_start3A_275] : memref<32x80x128xi32, #tpu.memory_space<hbm>> -> memref<1x1x128xi32, #tpu.memory_space<hbm>>
        %dma_start3A_277 = tpu.memref_squeeze %dma_start3A_276 : memref<1x1x128xi32, #tpu.memory_space<hbm>> -> memref<128xi32, #tpu.memory_space<hbm>>
        %dma_start3A_278 = arith.constant 0 : i32
        %dma_start3A_279 = tpu.memref_slice %arg7[%rem3A_271, %dma_start3A_278] : memref<4x128xi32, #tpu.memory_space<vmem>> -> memref<1x128xi32, #tpu.memory_space<vmem>>
        %dma_start3A_280 = tpu.memref_squeeze %dma_start3A_279 : memref<1x128xi32, #tpu.memory_space<vmem>> -> memref<128xi32, #tpu.memory_space<vmem>>
        %dma_start3A_281 = arith.constant 0 : i32
        %dma_start3A_282 = tpu.memref_slice %arg3[%add3A, %add3A_269, %dma_start3A_281] : memref<32x80x128xi32, #tpu.memory_space<hbm>> -> memref<1x1x128xi32, #tpu.memory_space<hbm>>
        %dma_start3A_283 = tpu.memref_squeeze %dma_start3A_282 : memref<1x1x128xi32, #tpu.memory_space<hbm>> -> memref<128xi32, #tpu.memory_space<hbm>>
        tpu.enqueue_dma source(%dma_start3A_283 : memref<128xi32, #tpu.memory_space<hbm>>) target(%dma_start3A_280 : memref<128xi32, #tpu.memory_space<vmem>>) target_semaphore(%arg12 : memref<!tpu.dma_semaphore, #tpu.memory_space<semaphore_mem>>)
        %dma_start3A_284 = arith.constant 0 : i32
        %dma_start3A_285 = tpu.memref_slice %arg8[%rem3A_271, %dma_start3A_284] : memref<4x128xi32, #tpu.memory_space<vmem>> -> memref<1x128xi32, #tpu.memory_space<vmem>>
        %dma_start3A_286 = tpu.memref_squeeze %dma_start3A_285 : memref<1x128xi32, #tpu.memory_space<vmem>> -> memref<128xi32, #tpu.memory_space<vmem>>
        %dma_start3A_287 = arith.constant 0 : i32
        %dma_start3A_288 = tpu.memref_slice %arg4[%add3A, %add3A_269, %dma_start3A_287] : memref<32x80x128xi32, #tpu.memory_space<hbm>> -> memref<1x1x128xi32, #tpu.memory_space<hbm>>
        %dma_start3A_289 = tpu.memref_squeeze %dma_start3A_288 : memref<1x1x128xi32, #tpu.memory_space<hbm>> -> memref<128xi32, #tpu.memory_space<hbm>>
        %dma_start3A_290 = arith.constant 0 : i32
        %dma_start3A_291 = tpu.memref_slice %arg8[%rem3A_271, %dma_start3A_290] : memref<4x128xi32, #tpu.memory_space<vmem>> -> memref<1x128xi32, #tpu.memory_space<vmem>>
        %dma_start3A_292 = tpu.memref_squeeze %dma_start3A_291 : memref<1x128xi32, #tpu.memory_space<vmem>> -> memref<128xi32, #tpu.memory_space<vmem>>
        %dma_start3A_293 = arith.constant 0 : i32
        %dma_start3A_294 = tpu.memref_slice %arg4[%add3A, %add3A_269, %dma_start3A_293] : memref<32x80x128xi32, #tpu.memory_space<hbm>> -> memref<1x1x128xi32, #tpu.memory_space<hbm>>
        %dma_start3A_295 = tpu.memref_squeeze %dma_start3A_294 : memref<1x1x128xi32, #tpu.memory_space<hbm>> -> memref<128xi32, #tpu.memory_space<hbm>>
        tpu.enqueue_dma source(%dma_start3A_295 : memref<128xi32, #tpu.memory_space<hbm>>) target(%dma_start3A_292 : memref<128xi32, #tpu.memory_space<vmem>>) target_semaphore(%arg12 : memref<!tpu.dma_semaphore, #tpu.memory_space<semaphore_mem>>)
      } else {
      }
      %add3A_262 = arith.constant 2 : i32
      %add3A_263 = arith.addi %while3A_240, %add3A_262 : i32
      %lt3A_264 = arith.cmpi slt, %add3A_263, %min3A_21 : i32
      %convert_element_type3A_265 = arith.extui %lt3A_264 : i1 to i32
      %cond3A_266 = arith.constant 0 : i32
      %cond3A_267 = arith.cmpi ne, %convert_element_type3A_265, %cond3A_266 : i32
      scf.if %cond3A_267 {
        %dma_wait3A_268 = arith.constant 0 : i32
        %dma_wait3A_269 = arith.constant 0 : i32
        %dma_wait3A_270 = arith.constant 0 : i32
        %dma_wait3A_271 = arith.constant 0 : i32
        %dma_wait3A_272 = tpu.memref_slice %arg7[%dma_wait3A_270, %dma_wait3A_271] : memref<4x128xi32, #tpu.memory_space<vmem>> -> memref<1x128xi32, #tpu.memory_space<vmem>>
        %dma_wait3A_273 = tpu.memref_squeeze %dma_wait3A_272 : memref<1x128xi32, #tpu.memory_space<vmem>> -> memref<128xi32, #tpu.memory_space<vmem>>
        %dma_wait3A_274 = arith.constant 0 : i32
        %dma_wait3A_275 = tpu.memref_slice %arg3[%dma_wait3A_268, %dma_wait3A_269, %dma_wait3A_274] : memref<32x80x128xi32, #tpu.memory_space<hbm>> -> memref<1x1x128xi32, #tpu.memory_space<hbm>>
        %dma_wait3A_276 = tpu.memref_squeeze %dma_wait3A_275 : memref<1x1x128xi32, #tpu.memory_space<hbm>> -> memref<128xi32, #tpu.memory_space<hbm>>
        %dma_wait3A_277 = arith.constant 0 : i32
        %dma_wait3A_278 = tpu.memref_slice %arg7[%dma_wait3A_270, %dma_wait3A_277] : memref<4x128xi32, #tpu.memory_space<vmem>> -> memref<1x128xi32, #tpu.memory_space<vmem>>
        %dma_wait3A_279 = tpu.memref_squeeze %dma_wait3A_278 : memref<1x128xi32, #tpu.memory_space<vmem>> -> memref<128xi32, #tpu.memory_space<vmem>>
        %dma_wait3A_280 = arith.constant 0 : i32
        %dma_wait3A_281 = tpu.memref_slice %arg3[%dma_wait3A_268, %dma_wait3A_269, %dma_wait3A_280] : memref<32x80x128xi32, #tpu.memory_space<hbm>> -> memref<1x1x128xi32, #tpu.memory_space<hbm>>
        %dma_wait3A_282 = tpu.memref_squeeze %dma_wait3A_281 : memref<1x1x128xi32, #tpu.memory_space<hbm>> -> memref<128xi32, #tpu.memory_space<hbm>>
        tpu.wait_dma2 semaphore(%arg12 : memref<!tpu.dma_semaphore, #tpu.memory_space<semaphore_mem>>) src(%dma_wait3A_282 : memref<128xi32, #tpu.memory_space<hbm>>) dst(%dma_wait3A_279 : memref<128xi32, #tpu.memory_space<vmem>>)
        %dma_wait3A_283 = arith.constant 0 : i32
        %dma_wait3A_284 = arith.constant 0 : i32
        %dma_wait3A_285 = arith.constant 0 : i32
        %dma_wait3A_286 = arith.constant 0 : i32
        %dma_wait3A_287 = tpu.memref_slice %arg8[%dma_wait3A_285, %dma_wait3A_286] : memref<4x128xi32, #tpu.memory_space<vmem>> -> memref<1x128xi32, #tpu.memory_space<vmem>>
        %dma_wait3A_288 = tpu.memref_squeeze %dma_wait3A_287 : memref<1x128xi32, #tpu.memory_space<vmem>> -> memref<128xi32, #tpu.memory_space<vmem>>
        %dma_wait3A_289 = arith.constant 0 : i32
        %dma_wait3A_290 = tpu.memref_slice %arg3[%dma_wait3A_283, %dma_wait3A_284, %dma_wait3A_289] : memref<32x80x128xi32, #tpu.memory_space<hbm>> -> memref<1x1x128xi32, #tpu.memory_space<hbm>>
        %dma_wait3A_291 = tpu.memref_squeeze %dma_wait3A_290 : memref<1x1x128xi32, #tpu.memory_space<hbm>> -> memref<128xi32, #tpu.memory_space<hbm>>
        %dma_wait3A_292 = arith.constant 0 : i32
        %dma_wait3A_293 = tpu.memref_slice %arg8[%dma_wait3A_285, %dma_wait3A_292] : memref<4x128xi32, #tpu.memory_space<vmem>> -> memref<1x128xi32, #tpu.memory_space<vmem>>
        %dma_wait3A_294 = tpu.memref_squeeze %dma_wait3A_293 : memref<1x128xi32, #tpu.memory_space<vmem>> -> memref<128xi32, #tpu.memory_space<vmem>>
        %dma_wait3A_295 = arith.constant 0 : i32
        %dma_wait3A_296 = tpu.memref_slice %arg3[%dma_wait3A_283, %dma_wait3A_284, %dma_wait3A_295] : memref<32x80x128xi32, #tpu.memory_space<hbm>> -> memref<1x1x128xi32, #tpu.memory_space<hbm>>
        %dma_wait3A_297 = tpu.memref_squeeze %dma_wait3A_296 : memref<1x1x128xi32, #tpu.memory_space<hbm>> -> memref<128xi32, #tpu.memory_space<hbm>>
        tpu.wait_dma2 semaphore(%arg12 : memref<!tpu.dma_semaphore, #tpu.memory_space<semaphore_mem>>) src(%dma_wait3A_297 : memref<128xi32, #tpu.memory_space<hbm>>) dst(%dma_wait3A_294 : memref<128xi32, #tpu.memory_space<vmem>>)
        %add3A_298 = arith.constant 2 : i32
        %add3A_299 = arith.addi %while3A_240, %add3A_298 : i32
        %rem3A_300 = arith.constant 4 : i32
        %rem3A_301 = arith.remsi %add3A_299, %rem3A_300 : i32
        %dma_start3A_302 = arith.constant 0 : i32
        %dma_start3A_303 = arith.constant 0 : i32
        %dma_start3A_304 = tpu.memref_slice %arg9[%rem3A_242, %dma_start3A_302, %dma_start3A_303] : memref<2x128x128xf32, #tpu.memory_space<vmem>> -> memref<1x128x128xf32, #tpu.memory_space<vmem>>
        %dma_start3A_305 = tpu.memref_squeeze %dma_start3A_304 : memref<1x128x128xf32, #tpu.memory_space<vmem>> -> memref<128x128xf32, #tpu.memory_space<vmem>>
        %dma_start3A_306 = arith.constant 0 : i32
        %dma_start3A_307 = tpu.memref_slice %arg7[%rem3A_301, %dma_start3A_306] : memref<4x128xi32, #tpu.memory_space<vmem>> -> memref<1x128xi32, #tpu.memory_space<vmem>>
        %dma_start3A_308 = tpu.memref_squeeze %dma_start3A_307 : memref<1x128xi32, #tpu.memory_space<vmem>> -> memref<128xi32, #tpu.memory_space<vmem>>
        %dma_start3A_309 = arith.constant 0 : i32
        %dma_start3A_310 = arith.constant 0 : i32
        %dma_start3A_311 = tpu.memref_slice %arg2[%dma_start3A_309, %dma_start3A_310] : memref<10240x128xf32, #tpu.memory_space<hbm>> -> memref<10240x128xf32, #tpu.memory_space<hbm>>
        tpu.enqueue_indirect_dma source(%dma_start3A_311 : memref<10240x128xf32, #tpu.memory_space<hbm>>) target(%dma_start3A_305 : memref<128x128xf32, #tpu.memory_space<vmem>>) offsets(%dma_start3A_308 : memref<128xi32, #tpu.memory_space<vmem>>) semaphore(%arg11 : memref<!tpu.dma_semaphore, #tpu.memory_space<semaphore_mem>>)
      } else {
      }
    }
    %barrier3A_235 = arith.constant 0 : index
    tpu.barrier barrier_id(%barrier3A_235)
    %mul3A_236 = arith.constant 640 : i32
    %mul3A_237 = arith.muli %arg1, %mul3A_236 : i32
    %mul3A_238 = arith.constant 640 : i32
    %mul3A_239 = arith.muli %arg1, %mul3A_238 : i32
    "tpu.region"() ({
      %run_scoped3A = tpu.sem_alloc : memref<!tpu.dma_semaphore, #tpu.memory_space<semaphore_mem>>
      %dma_start3A_240 = arith.constant 0 : i32
      %dma_start3A_241 = tpu.memref_slice %arg6[%arg0, %mul3A_239, %dma_start3A_240] : memref<2x10240x128xf32, #tpu.memory_space<hbm>> -> memref<1x640x128xf32, #tpu.memory_space<hbm>>
      %dma_start3A_242 = tpu.memref_squeeze %dma_start3A_241 : memref<1x640x128xf32, #tpu.memory_space<hbm>> -> memref<640x128xf32, #tpu.memory_space<hbm>>
      %dma_start3A_243 = arith.constant 0 : i32
      %dma_start3A_244 = tpu.memref_slice %arg10[%mul3A_237, %dma_start3A_243] : memref<10240x128xf32, #tpu.memory_space<vmem_shared>> -> memref<640x128xf32, #tpu.memory_space<vmem_shared>>
      tpu.enqueue_dma source(%dma_start3A_244 : memref<640x128xf32, #tpu.memory_space<vmem_shared>>) target(%dma_start3A_242 : memref<640x128xf32, #tpu.memory_space<hbm>>) target_semaphore(%run_scoped3A : memref<!tpu.dma_semaphore, #tpu.memory_space<semaphore_mem>>)
      %dma_wait3A_245 = arith.constant 0 : i32
      %dma_wait3A_246 = tpu.memref_slice %arg6[%arg0, %mul3A_239, %dma_wait3A_245] : memref<2x10240x128xf32, #tpu.memory_space<hbm>> -> memref<1x640x128xf32, #tpu.memory_space<hbm>>
      %dma_wait3A_247 = tpu.memref_squeeze %dma_wait3A_246 : memref<1x640x128xf32, #tpu.memory_space<hbm>> -> memref<640x128xf32, #tpu.memory_space<hbm>>
      %dma_wait3A_248 = arith.constant 0 : i32
      %dma_wait3A_249 = tpu.memref_slice %arg10[%mul3A_237, %dma_wait3A_248] : memref<10240x128xf32, #tpu.memory_space<vmem_shared>> -> memref<640x128xf32, #tpu.memory_space<vmem_shared>>
      tpu.wait_dma2 semaphore(%run_scoped3A : memref<!tpu.dma_semaphore, #tpu.memory_space<semaphore_mem>>) src(%dma_wait3A_249 : memref<640x128xf32, #tpu.memory_space<vmem_shared>>) dst(%dma_wait3A_247 : memref<640x128xf32, #tpu.memory_space<hbm>>)
      tpu.yield
    }) : () -> ()
    return
  }
}

#map = affine_map<(d0, d1) -> (0, 0)>
#map1 = affine_map<(d0, d1) -> (0, 0, 0)>
module attributes {stable_mosaic.version = 14 : i64} {
  func.func @k(%arg0: i32, %arg1: i32, %arg2: memref<10240x128xf32, #tpu.memory_space<hbm>>, %arg3: memref<32x80x128xi32, #tpu.memory_space<hbm>>, %arg4: memref<32x80x128xi32, #tpu.memory_space<hbm>>, %arg5: memref<640x128xf32, #tpu.memory_space<hbm>>, %arg6: memref<2x10240x128xf32, #tpu.memory_space<hbm>>, %arg7: memref<4x128xi32, #tpu.memory_space<vmem>>, %arg8: memref<4x128xi32, #tpu.memory_space<vmem>>, %arg9: memref<2x128x128xf32, #tpu.memory_space<vmem>>, %arg10: memref<10240x128xf32, #tpu.memory_space<vmem_shared>>, %arg11: memref<!tpu.dma_semaphore, #tpu.memory_space<semaphore_mem>>, %arg12: memref<!tpu.dma_semaphore, #tpu.memory_space<semaphore_mem>>) attributes {dimension_semantics = [#tpu.dimension_semantics<core_parallel>, #tpu.dimension_semantics<subcore_parallel>], iteration_bounds = array<i64: 2, 16>, scalar_prefetch = 0 : i64, scratch_operands = 6 : i64, tpu.core_type = #tpu.core_type<sc_vector_subcore>, window_params = [{transform_indices = #map}, {transform_indices = #map1}, {transform_indices = #map1}, {transform_indices = #map}, {transform_indices = #map1}]} {
    %mul3A = arith.constant 16 : i32
    %mul3A_0 = arith.muli %arg0, %mul3A : i32
    %add3A = arith.addi %mul3A_0, %arg1 : i32
    %mul3A_1 = arith.constant 10240 : i32
    %mul3A_2 = arith.muli %add3A, %mul3A_1 : i32
    %sub3A = arith.constant 320000 : i32
    %sub3A_3 = arith.subi %sub3A, %mul3A_2 : i32
    %jit3A = arith.constant 128 : i32
    %div3A = arith.divsi %sub3A_3, %jit3A : i32
    %sign3A = arith.constant 0 : i32
    %sign3A_4 = arith.cmpi sgt, %sub3A_3, %sign3A : i32
    %sign3A_5 = arith.extui %sign3A_4 : i1 to i32
    %sign3A_6 = arith.constant 0 : i32
    %sign3A_7 = arith.cmpi slt, %sub3A_3, %sign3A_6 : i32
    %sign3A_8 = arith.extui %sign3A_7 : i1 to i32
    %sign3A_9 = arith.subi %sign3A_5, %sign3A_8 : i32
    %sign3A_10 = arith.constant 0 : i32
    %sign3A_11 = arith.cmpi sgt, %jit3A, %sign3A_10 : i32
    %sign3A_12 = arith.extui %sign3A_11 : i1 to i32
    %sign3A_13 = arith.constant 0 : i32
    %sign3A_14 = arith.cmpi slt, %jit3A, %sign3A_13 : i32
    %sign3A_15 = arith.extui %sign3A_14 : i1 to i32
    %sign3A_16 = arith.subi %sign3A_12, %sign3A_15 : i32
    %ne3A = arith.cmpi ne, %sign3A_9, %sign3A_16 : i32
    %rem3A = arith.remsi %sub3A_3, %jit3A : i32
    %ne3A_17 = arith.constant 0 : i32
    %ne3A_18 = arith.cmpi ne, %rem3A, %ne3A_17 : i32
    %and3A = arith.andi %ne3A, %ne3A_18 : i1
    %sub3A_19 = arith.constant 1 : i32
    %sub3A_20 = arith.subi %div3A, %sub3A_19 : i32
    %select_n3A = arith.select %and3A, %sub3A_20, %div3A : i32
    %min3A = arith.constant 80 : i32
    %min3A_21 = arith.minsi %min3A, %select_n3A : i32
    %mul3A_22 = arith.constant 640 : i32
    %mul3A_23 = arith.muli %arg1, %mul3A_22 : i32
    "tpu.region"() ({
      %run_scoped3A = tpu.sem_alloc : memref<!tpu.dma_semaphore, #tpu.memory_space<semaphore_mem>>
      %dma_start3A_240 = arith.constant 0 : i32
      %dma_start3A_241 = tpu.memref_slice %arg10[%mul3A_23, %dma_start3A_240] : memref<10240x128xf32, #tpu.memory_space<vmem_shared>> -> memref<640x128xf32, #tpu.memory_space<vmem_shared>>
      tpu.enqueue_dma source(%arg5 : memref<640x128xf32, #tpu.memory_space<hbm>>) target(%dma_start3A_241 : memref<640x128xf32, #tpu.memory_space<vmem_shared>>) target_semaphore(%run_scoped3A : memref<!tpu.dma_semaphore, #tpu.memory_space<semaphore_mem>>)
      %dma_wait3A_242 = arith.constant 0 : i32
      %dma_wait3A_243 = tpu.memref_slice %arg10[%mul3A_23, %dma_wait3A_242] : memref<10240x128xf32, #tpu.memory_space<vmem_shared>> -> memref<640x128xf32, #tpu.memory_space<vmem_shared>>
      tpu.wait_dma2 semaphore(%run_scoped3A : memref<!tpu.dma_semaphore, #tpu.memory_space<semaphore_mem>>) src(%arg5 : memref<640x128xf32, #tpu.memory_space<hbm>>) dst(%dma_wait3A_243 : memref<640x128xf32, #tpu.memory_space<vmem_shared>>)
      tpu.yield
    }) : () -> ()
    %barrier3A = arith.constant 0 : index
    tpu.barrier barrier_id(%barrier3A)
    %rem3A_24 = arith.constant 0 : i32
    %rem3A_25 = arith.constant 4 : i32
    %rem3A_26 = arith.remsi %rem3A_24, %rem3A_25 : i32
    %dma_start3A = arith.constant 0 : i32
    %dma_start3A_27 = arith.constant 0 : i32
    %dma_start3A_28 = tpu.memref_slice %arg7[%rem3A_26, %dma_start3A_27] : memref<4x128xi32, #tpu.memory_space<vmem>> -> memref<1x128xi32, #tpu.memory_space<vmem>>
    %dma_start3A_29 = tpu.memref_squeeze %dma_start3A_28 : memref<1x128xi32, #tpu.memory_space<vmem>> -> memref<128xi32, #tpu.memory_space<vmem>>
    %dma_start3A_30 = arith.constant 0 : i32
    %dma_start3A_31 = tpu.memref_slice %arg3[%add3A, %dma_start3A, %dma_start3A_30] : memref<32x80x128xi32, #tpu.memory_space<hbm>> -> memref<1x1x128xi32, #tpu.memory_space<hbm>>
    %dma_start3A_32 = tpu.memref_squeeze %dma_start3A_31 : memref<1x1x128xi32, #tpu.memory_space<hbm>> -> memref<128xi32, #tpu.memory_space<hbm>>
    %dma_start3A_33 = arith.constant 0 : i32
    %dma_start3A_34 = tpu.memref_slice %arg7[%rem3A_26, %dma_start3A_33] : memref<4x128xi32, #tpu.memory_space<vmem>> -> memref<1x128xi32, #tpu.memory_space<vmem>>
    %dma_start3A_35 = tpu.memref_squeeze %dma_start3A_34 : memref<1x128xi32, #tpu.memory_space<vmem>> -> memref<128xi32, #tpu.memory_space<vmem>>
    %dma_start3A_36 = arith.constant 0 : i32
    %dma_start3A_37 = tpu.memref_slice %arg3[%add3A, %dma_start3A, %dma_start3A_36] : memref<32x80x128xi32, #tpu.memory_space<hbm>> -> memref<1x1x128xi32, #tpu.memory_space<hbm>>
    %dma_start3A_38 = tpu.memref_squeeze %dma_start3A_37 : memref<1x1x128xi32, #tpu.memory_space<hbm>> -> memref<128xi32, #tpu.memory_space<hbm>>
    tpu.enqueue_dma source(%dma_start3A_38 : memref<128xi32, #tpu.memory_space<hbm>>) target(%dma_start3A_35 : memref<128xi32, #tpu.memory_space<vmem>>) target_semaphore(%arg12 : memref<!tpu.dma_semaphore, #tpu.memory_space<semaphore_mem>>)
    %dma_start3A_39 = arith.constant 0 : i32
    %dma_start3A_40 = arith.constant 0 : i32
    %dma_start3A_41 = tpu.memref_slice %arg8[%rem3A_26, %dma_start3A_40] : memref<4x128xi32, #tpu.memory_space<vmem>> -> memref<1x128xi32, #tpu.memory_space<vmem>>
    %dma_start3A_42 = tpu.memref_squeeze %dma_start3A_41 : memref<1x128xi32, #tpu.memory_space<vmem>> -> memref<128xi32, #tpu.memory_space<vmem>>
    %dma_start3A_43 = arith.constant 0 : i32
    %dma_start3A_44 = tpu.memref_slice %arg4[%add3A, %dma_start3A_39, %dma_start3A_43] : memref<32x80x128xi32, #tpu.memory_space<hbm>> -> memref<1x1x128xi32, #tpu.memory_space<hbm>>
    %dma_start3A_45 = tpu.memref_squeeze %dma_start3A_44 : memref<1x1x128xi32, #tpu.memory_space<hbm>> -> memref<128xi32, #tpu.memory_space<hbm>>
    %dma_start3A_46 = arith.constant 0 : i32
    %dma_start3A_47 = tpu.memref_slice %arg8[%rem3A_26, %dma_start3A_46] : memref<4x128xi32, #tpu.memory_space<vmem>> -> memref<1x128xi32, #tpu.memory_space<vmem>>
    %dma_start3A_48 = tpu.memref_squeeze %dma_start3A_47 : memref<1x128xi32, #tpu.memory_space<vmem>> -> memref<128xi32, #tpu.memory_space<vmem>>
    %dma_start3A_49 = arith.constant 0 : i32
    %dma_start3A_50 = tpu.memref_slice %arg4[%add3A, %dma_start3A_39, %dma_start3A_49] : memref<32x80x128xi32, #tpu.memory_space<hbm>> -> memref<1x1x128xi32, #tpu.memory_space<hbm>>
    %dma_start3A_51 = tpu.memref_squeeze %dma_start3A_50 : memref<1x1x128xi32, #tpu.memory_space<hbm>> -> memref<128xi32, #tpu.memory_space<hbm>>
    tpu.enqueue_dma source(%dma_start3A_51 : memref<128xi32, #tpu.memory_space<hbm>>) target(%dma_start3A_48 : memref<128xi32, #tpu.memory_space<vmem>>) target_semaphore(%arg12 : memref<!tpu.dma_semaphore, #tpu.memory_space<semaphore_mem>>)
    %rem3A_52 = arith.constant 1 : i32
    %rem3A_53 = arith.constant 4 : i32
    %rem3A_54 = arith.remsi %rem3A_52, %rem3A_53 : i32
    %dma_start3A_55 = arith.constant 1 : i32
    %dma_start3A_56 = arith.constant 0 : i32
    %dma_start3A_57 = tpu.memref_slice %arg7[%rem3A_54, %dma_start3A_56] : memref<4x128xi32, #tpu.memory_space<vmem>> -> memref<1x128xi32, #tpu.memory_space<vmem>>
    %dma_start3A_58 = tpu.memref_squeeze %dma_start3A_57 : memref<1x128xi32, #tpu.memory_space<vmem>> -> memref<128xi32, #tpu.memory_space<vmem>>
    %dma_start3A_59 = arith.constant 0 : i32
    %dma_start3A_60 = tpu.memref_slice %arg3[%add3A, %dma_start3A_55, %dma_start3A_59] : memref<32x80x128xi32, #tpu.memory_space<hbm>> -> memref<1x1x128xi32, #tpu.memory_space<hbm>>
    %dma_start3A_61 = tpu.memref_squeeze %dma_start3A_60 : memref<1x1x128xi32, #tpu.memory_space<hbm>> -> memref<128xi32, #tpu.memory_space<hbm>>
    %dma_start3A_62 = arith.constant 0 : i32
    %dma_start3A_63 = tpu.memref_slice %arg7[%rem3A_54, %dma_start3A_62] : memref<4x128xi32, #tpu.memory_space<vmem>> -> memref<1x128xi32, #tpu.memory_space<vmem>>
    %dma_start3A_64 = tpu.memref_squeeze %dma_start3A_63 : memref<1x128xi32, #tpu.memory_space<vmem>> -> memref<128xi32, #tpu.memory_space<vmem>>
    %dma_start3A_65 = arith.constant 0 : i32
    %dma_start3A_66 = tpu.memref_slice %arg3[%add3A, %dma_start3A_55, %dma_start3A_65] : memref<32x80x128xi32, #tpu.memory_space<hbm>> -> memref<1x1x128xi32, #tpu.memory_space<hbm>>
    %dma_start3A_67 = tpu.memref_squeeze %dma_start3A_66 : memref<1x1x128xi32, #tpu.memory_space<hbm>> -> memref<128xi32, #tpu.memory_space<hbm>>
    tpu.enqueue_dma source(%dma_start3A_67 : memref<128xi32, #tpu.memory_space<hbm>>) target(%dma_start3A_64 : memref<128xi32, #tpu.memory_space<vmem>>) target_semaphore(%arg12 : memref<!tpu.dma_semaphore, #tpu.memory_space<semaphore_mem>>)
    %dma_start3A_68 = arith.constant 1 : i32
    %dma_start3A_69 = arith.constant 0 : i32
    %dma_start3A_70 = tpu.memref_slice %arg8[%rem3A_54, %dma_start3A_69] : memref<4x128xi32, #tpu.memory_space<vmem>> -> memref<1x128xi32, #tpu.memory_space<vmem>>
    %dma_start3A_71 = tpu.memref_squeeze %dma_start3A_70 : memref<1x128xi32, #tpu.memory_space<vmem>> -> memref<128xi32, #tpu.memory_space<vmem>>
    %dma_start3A_72 = arith.constant 0 : i32
    %dma_start3A_73 = tpu.memref_slice %arg4[%add3A, %dma_start3A_68, %dma_start3A_72] : memref<32x80x128xi32, #tpu.memory_space<hbm>> -> memref<1x1x128xi32, #tpu.memory_space<hbm>>
    %dma_start3A_74 = tpu.memref_squeeze %dma_start3A_73 : memref<1x1x128xi32, #tpu.memory_space<hbm>> -> memref<128xi32, #tpu.memory_space<hbm>>
    %dma_start3A_75 = arith.constant 0 : i32
    %dma_start3A_76 = tpu.memref_slice %arg8[%rem3A_54, %dma_start3A_75] : memref<4x128xi32, #tpu.memory_space<vmem>> -> memref<1x128xi32, #tpu.memory_space<vmem>>
    %dma_start3A_77 = tpu.memref_squeeze %dma_start3A_76 : memref<1x128xi32, #tpu.memory_space<vmem>> -> memref<128xi32, #tpu.memory_space<vmem>>
    %dma_start3A_78 = arith.constant 0 : i32
    %dma_start3A_79 = tpu.memref_slice %arg4[%add3A, %dma_start3A_68, %dma_start3A_78] : memref<32x80x128xi32, #tpu.memory_space<hbm>> -> memref<1x1x128xi32, #tpu.memory_space<hbm>>
    %dma_start3A_80 = tpu.memref_squeeze %dma_start3A_79 : memref<1x1x128xi32, #tpu.memory_space<hbm>> -> memref<128xi32, #tpu.memory_space<hbm>>
    tpu.enqueue_dma source(%dma_start3A_80 : memref<128xi32, #tpu.memory_space<hbm>>) target(%dma_start3A_77 : memref<128xi32, #tpu.memory_space<vmem>>) target_semaphore(%arg12 : memref<!tpu.dma_semaphore, #tpu.memory_space<semaphore_mem>>)
    %rem3A_81 = arith.constant 2 : i32
    %rem3A_82 = arith.constant 4 : i32
    %rem3A_83 = arith.remsi %rem3A_81, %rem3A_82 : i32
    %dma_start3A_84 = arith.constant 2 : i32
    %dma_start3A_85 = arith.constant 0 : i32
    %dma_start3A_86 = tpu.memref_slice %arg7[%rem3A_83, %dma_start3A_85] : memref<4x128xi32, #tpu.memory_space<vmem>> -> memref<1x128xi32, #tpu.memory_space<vmem>>
    %dma_start3A_87 = tpu.memref_squeeze %dma_start3A_86 : memref<1x128xi32, #tpu.memory_space<vmem>> -> memref<128xi32, #tpu.memory_space<vmem>>
    %dma_start3A_88 = arith.constant 0 : i32
    %dma_start3A_89 = tpu.memref_slice %arg3[%add3A, %dma_start3A_84, %dma_start3A_88] : memref<32x80x128xi32, #tpu.memory_space<hbm>> -> memref<1x1x128xi32, #tpu.memory_space<hbm>>
    %dma_start3A_90 = tpu.memref_squeeze %dma_start3A_89 : memref<1x1x128xi32, #tpu.memory_space<hbm>> -> memref<128xi32, #tpu.memory_space<hbm>>
    %dma_start3A_91 = arith.constant 0 : i32
    %dma_start3A_92 = tpu.memref_slice %arg7[%rem3A_83, %dma_start3A_91] : memref<4x128xi32, #tpu.memory_space<vmem>> -> memref<1x128xi32, #tpu.memory_space<vmem>>
    %dma_start3A_93 = tpu.memref_squeeze %dma_start3A_92 : memref<1x128xi32, #tpu.memory_space<vmem>> -> memref<128xi32, #tpu.memory_space<vmem>>
    %dma_start3A_94 = arith.constant 0 : i32
    %dma_start3A_95 = tpu.memref_slice %arg3[%add3A, %dma_start3A_84, %dma_start3A_94] : memref<32x80x128xi32, #tpu.memory_space<hbm>> -> memref<1x1x128xi32, #tpu.memory_space<hbm>>
    %dma_start3A_96 = tpu.memref_squeeze %dma_start3A_95 : memref<1x1x128xi32, #tpu.memory_space<hbm>> -> memref<128xi32, #tpu.memory_space<hbm>>
    tpu.enqueue_dma source(%dma_start3A_96 : memref<128xi32, #tpu.memory_space<hbm>>) target(%dma_start3A_93 : memref<128xi32, #tpu.memory_space<vmem>>) target_semaphore(%arg12 : memref<!tpu.dma_semaphore, #tpu.memory_space<semaphore_mem>>)
    %dma_start3A_97 = arith.constant 2 : i32
    %dma_start3A_98 = arith.constant 0 : i32
    %dma_start3A_99 = tpu.memref_slice %arg8[%rem3A_83, %dma_start3A_98] : memref<4x128xi32, #tpu.memory_space<vmem>> -> memref<1x128xi32, #tpu.memory_space<vmem>>
    %dma_start3A_100 = tpu.memref_squeeze %dma_start3A_99 : memref<1x128xi32, #tpu.memory_space<vmem>> -> memref<128xi32, #tpu.memory_space<vmem>>
    %dma_start3A_101 = arith.constant 0 : i32
    %dma_start3A_102 = tpu.memref_slice %arg4[%add3A, %dma_start3A_97, %dma_start3A_101] : memref<32x80x128xi32, #tpu.memory_space<hbm>> -> memref<1x1x128xi32, #tpu.memory_space<hbm>>
    %dma_start3A_103 = tpu.memref_squeeze %dma_start3A_102 : memref<1x1x128xi32, #tpu.memory_space<hbm>> -> memref<128xi32, #tpu.memory_space<hbm>>
    %dma_start3A_104 = arith.constant 0 : i32
    %dma_start3A_105 = tpu.memref_slice %arg8[%rem3A_83, %dma_start3A_104] : memref<4x128xi32, #tpu.memory_space<vmem>> -> memref<1x128xi32, #tpu.memory_space<vmem>>
    %dma_start3A_106 = tpu.memref_squeeze %dma_start3A_105 : memref<1x128xi32, #tpu.memory_space<vmem>> -> memref<128xi32, #tpu.memory_space<vmem>>
    %dma_start3A_107 = arith.constant 0 : i32
    %dma_start3A_108 = tpu.memref_slice %arg4[%add3A, %dma_start3A_97, %dma_start3A_107] : memref<32x80x128xi32, #tpu.memory_space<hbm>> -> memref<1x1x128xi32, #tpu.memory_space<hbm>>
    %dma_start3A_109 = tpu.memref_squeeze %dma_start3A_108 : memref<1x1x128xi32, #tpu.memory_space<hbm>> -> memref<128xi32, #tpu.memory_space<hbm>>
    tpu.enqueue_dma source(%dma_start3A_109 : memref<128xi32, #tpu.memory_space<hbm>>) target(%dma_start3A_106 : memref<128xi32, #tpu.memory_space<vmem>>) target_semaphore(%arg12 : memref<!tpu.dma_semaphore, #tpu.memory_space<semaphore_mem>>)
    %rem3A_110 = arith.constant 3 : i32
    %rem3A_111 = arith.constant 4 : i32
    %rem3A_112 = arith.remsi %rem3A_110, %rem3A_111 : i32
    %dma_start3A_113 = arith.constant 3 : i32
    %dma_start3A_114 = arith.constant 0 : i32
    %dma_start3A_115 = tpu.memref_slice %arg7[%rem3A_112, %dma_start3A_114] : memref<4x128xi32, #tpu.memory_space<vmem>> -> memref<1x128xi32, #tpu.memory_space<vmem>>
    %dma_start3A_116 = tpu.memref_squeeze %dma_start3A_115 : memref<1x128xi32, #tpu.memory_space<vmem>> -> memref<128xi32, #tpu.memory_space<vmem>>
    %dma_start3A_117 = arith.constant 0 : i32
    %dma_start3A_118 = tpu.memref_slice %arg3[%add3A, %dma_start3A_113, %dma_start3A_117] : memref<32x80x128xi32, #tpu.memory_space<hbm>> -> memref<1x1x128xi32, #tpu.memory_space<hbm>>
    %dma_start3A_119 = tpu.memref_squeeze %dma_start3A_118 : memref<1x1x128xi32, #tpu.memory_space<hbm>> -> memref<128xi32, #tpu.memory_space<hbm>>
    %dma_start3A_120 = arith.constant 0 : i32
    %dma_start3A_121 = tpu.memref_slice %arg7[%rem3A_112, %dma_start3A_120] : memref<4x128xi32, #tpu.memory_space<vmem>> -> memref<1x128xi32, #tpu.memory_space<vmem>>
    %dma_start3A_122 = tpu.memref_squeeze %dma_start3A_121 : memref<1x128xi32, #tpu.memory_space<vmem>> -> memref<128xi32, #tpu.memory_space<vmem>>
    %dma_start3A_123 = arith.constant 0 : i32
    %dma_start3A_124 = tpu.memref_slice %arg3[%add3A, %dma_start3A_113, %dma_start3A_123] : memref<32x80x128xi32, #tpu.memory_space<hbm>> -> memref<1x1x128xi32, #tpu.memory_space<hbm>>
    %dma_start3A_125 = tpu.memref_squeeze %dma_start3A_124 : memref<1x1x128xi32, #tpu.memory_space<hbm>> -> memref<128xi32, #tpu.memory_space<hbm>>
    tpu.enqueue_dma source(%dma_start3A_125 : memref<128xi32, #tpu.memory_space<hbm>>) target(%dma_start3A_122 : memref<128xi32, #tpu.memory_space<vmem>>) target_semaphore(%arg12 : memref<!tpu.dma_semaphore, #tpu.memory_space<semaphore_mem>>)
    %dma_start3A_126 = arith.constant 3 : i32
    %dma_start3A_127 = arith.constant 0 : i32
    %dma_start3A_128 = tpu.memref_slice %arg8[%rem3A_112, %dma_start3A_127] : memref<4x128xi32, #tpu.memory_space<vmem>> -> memref<1x128xi32, #tpu.memory_space<vmem>>
    %dma_start3A_129 = tpu.memref_squeeze %dma_start3A_128 : memref<1x128xi32, #tpu.memory_space<vmem>> -> memref<128xi32, #tpu.memory_space<vmem>>
    %dma_start3A_130 = arith.constant 0 : i32
    %dma_start3A_131 = tpu.memref_slice %arg4[%add3A, %dma_start3A_126, %dma_start3A_130] : memref<32x80x128xi32, #tpu.memory_space<hbm>> -> memref<1x1x128xi32, #tpu.memory_space<hbm>>
    %dma_start3A_132 = tpu.memref_squeeze %dma_start3A_131 : memref<1x1x128xi32, #tpu.memory_space<hbm>> -> memref<128xi32, #tpu.memory_space<hbm>>
    %dma_start3A_133 = arith.constant 0 : i32
    %dma_start3A_134 = tpu.memref_slice %arg8[%rem3A_112, %dma_start3A_133] : memref<4x128xi32, #tpu.memory_space<vmem>> -> memref<1x128xi32, #tpu.memory_space<vmem>>
    %dma_start3A_135 = tpu.memref_squeeze %dma_start3A_134 : memref<1x128xi32, #tpu.memory_space<vmem>> -> memref<128xi32, #tpu.memory_space<vmem>>
    %dma_start3A_136 = arith.constant 0 : i32
    %dma_start3A_137 = tpu.memref_slice %arg4[%add3A, %dma_start3A_126, %dma_start3A_136] : memref<32x80x128xi32, #tpu.memory_space<hbm>> -> memref<1x1x128xi32, #tpu.memory_space<hbm>>
    %dma_start3A_138 = tpu.memref_squeeze %dma_start3A_137 : memref<1x1x128xi32, #tpu.memory_space<hbm>> -> memref<128xi32, #tpu.memory_space<hbm>>
    tpu.enqueue_dma source(%dma_start3A_138 : memref<128xi32, #tpu.memory_space<hbm>>) target(%dma_start3A_135 : memref<128xi32, #tpu.memory_space<vmem>>) target_semaphore(%arg12 : memref<!tpu.dma_semaphore, #tpu.memory_space<semaphore_mem>>)
    %dma_wait3A = arith.constant 0 : i32
    %dma_wait3A_139 = arith.constant 0 : i32
    %dma_wait3A_140 = arith.constant 0 : i32
    %dma_wait3A_141 = arith.constant 0 : i32
    %dma_wait3A_142 = tpu.memref_slice %arg7[%dma_wait3A_140, %dma_wait3A_141] : memref<4x128xi32, #tpu.memory_space<vmem>> -> memref<1x128xi32, #tpu.memory_space<vmem>>
    %dma_wait3A_143 = tpu.memref_squeeze %dma_wait3A_142 : memref<1x128xi32, #tpu.memory_space<vmem>> -> memref<128xi32, #tpu.memory_space<vmem>>
    %dma_wait3A_144 = arith.constant 0 : i32
    %dma_wait3A_145 = tpu.memref_slice %arg3[%dma_wait3A, %dma_wait3A_139, %dma_wait3A_144] : memref<32x80x128xi32, #tpu.memory_space<hbm>> -> memref<1x1x128xi32, #tpu.memory_space<hbm>>
    %dma_wait3A_146 = tpu.memref_squeeze %dma_wait3A_145 : memref<1x1x128xi32, #tpu.memory_space<hbm>> -> memref<128xi32, #tpu.memory_space<hbm>>
    %dma_wait3A_147 = arith.constant 0 : i32
    %dma_wait3A_148 = tpu.memref_slice %arg7[%dma_wait3A_140, %dma_wait3A_147] : memref<4x128xi32, #tpu.memory_space<vmem>> -> memref<1x128xi32, #tpu.memory_space<vmem>>
    %dma_wait3A_149 = tpu.memref_squeeze %dma_wait3A_148 : memref<1x128xi32, #tpu.memory_space<vmem>> -> memref<128xi32, #tpu.memory_space<vmem>>
    %dma_wait3A_150 = arith.constant 0 : i32
    %dma_wait3A_151 = tpu.memref_slice %arg3[%dma_wait3A, %dma_wait3A_139, %dma_wait3A_150] : memref<32x80x128xi32, #tpu.memory_space<hbm>> -> memref<1x1x128xi32, #tpu.memory_space<hbm>>
    %dma_wait3A_152 = tpu.memref_squeeze %dma_wait3A_151 : memref<1x1x128xi32, #tpu.memory_space<hbm>> -> memref<128xi32, #tpu.memory_space<hbm>>
    tpu.wait_dma2 semaphore(%arg12 : memref<!tpu.dma_semaphore, #tpu.memory_space<semaphore_mem>>) src(%dma_wait3A_152 : memref<128xi32, #tpu.memory_space<hbm>>) dst(%dma_wait3A_149 : memref<128xi32, #tpu.memory_space<vmem>>)
    %dma_wait3A_153 = arith.constant 0 : i32
    %dma_wait3A_154 = arith.constant 0 : i32
    %dma_wait3A_155 = arith.constant 0 : i32
    %dma_wait3A_156 = arith.constant 0 : i32
    %dma_wait3A_157 = tpu.memref_slice %arg8[%dma_wait3A_155, %dma_wait3A_156] : memref<4x128xi32, #tpu.memory_space<vmem>> -> memref<1x128xi32, #tpu.memory_space<vmem>>
    %dma_wait3A_158 = tpu.memref_squeeze %dma_wait3A_157 : memref<1x128xi32, #tpu.memory_space<vmem>> -> memref<128xi32, #tpu.memory_space<vmem>>
    %dma_wait3A_159 = arith.constant 0 : i32
    %dma_wait3A_160 = tpu.memref_slice %arg3[%dma_wait3A_153, %dma_wait3A_154, %dma_wait3A_159] : memref<32x80x128xi32, #tpu.memory_space<hbm>> -> memref<1x1x128xi32, #tpu.memory_space<hbm>>
    %dma_wait3A_161 = tpu.memref_squeeze %dma_wait3A_160 : memref<1x1x128xi32, #tpu.memory_space<hbm>> -> memref<128xi32, #tpu.memory_space<hbm>>
    %dma_wait3A_162 = arith.constant 0 : i32
    %dma_wait3A_163 = tpu.memref_slice %arg8[%dma_wait3A_155, %dma_wait3A_162] : memref<4x128xi32, #tpu.memory_space<vmem>> -> memref<1x128xi32, #tpu.memory_space<vmem>>
    %dma_wait3A_164 = tpu.memref_squeeze %dma_wait3A_163 : memref<1x128xi32, #tpu.memory_space<vmem>> -> memref<128xi32, #tpu.memory_space<vmem>>
    %dma_wait3A_165 = arith.constant 0 : i32
    %dma_wait3A_166 = tpu.memref_slice %arg3[%dma_wait3A_153, %dma_wait3A_154, %dma_wait3A_165] : memref<32x80x128xi32, #tpu.memory_space<hbm>> -> memref<1x1x128xi32, #tpu.memory_space<hbm>>
    %dma_wait3A_167 = tpu.memref_squeeze %dma_wait3A_166 : memref<1x1x128xi32, #tpu.memory_space<hbm>> -> memref<128xi32, #tpu.memory_space<hbm>>
    tpu.wait_dma2 semaphore(%arg12 : memref<!tpu.dma_semaphore, #tpu.memory_space<semaphore_mem>>) src(%dma_wait3A_167 : memref<128xi32, #tpu.memory_space<hbm>>) dst(%dma_wait3A_164 : memref<128xi32, #tpu.memory_space<vmem>>)
    %rem3A_168 = arith.constant 0 : i32
    %rem3A_169 = arith.constant 4 : i32
    %rem3A_170 = arith.remsi %rem3A_168, %rem3A_169 : i32
    %dma_start3A_171 = arith.constant 0 : i32
    %dma_start3A_172 = arith.constant 0 : i32
    %dma_start3A_173 = arith.constant 0 : i32
    %dma_start3A_174 = tpu.memref_slice %arg9[%dma_start3A_171, %dma_start3A_172, %dma_start3A_173] : memref<2x128x128xf32, #tpu.memory_space<vmem>> -> memref<1x128x128xf32, #tpu.memory_space<vmem>>
    %dma_start3A_175 = tpu.memref_squeeze %dma_start3A_174 : memref<1x128x128xf32, #tpu.memory_space<vmem>> -> memref<128x128xf32, #tpu.memory_space<vmem>>
    %dma_start3A_176 = arith.constant 0 : i32
    %dma_start3A_177 = tpu.memref_slice %arg7[%rem3A_170, %dma_start3A_176] : memref<4x128xi32, #tpu.memory_space<vmem>> -> memref<1x128xi32, #tpu.memory_space<vmem>>
    %dma_start3A_178 = tpu.memref_squeeze %dma_start3A_177 : memref<1x128xi32, #tpu.memory_space<vmem>> -> memref<128xi32, #tpu.memory_space<vmem>>
    %dma_start3A_179 = arith.constant 0 : i32
    %dma_start3A_180 = arith.constant 0 : i32
    %dma_start3A_181 = tpu.memref_slice %arg2[%dma_start3A_179, %dma_start3A_180] : memref<10240x128xf32, #tpu.memory_space<hbm>> -> memref<10240x128xf32, #tpu.memory_space<hbm>>
    tpu.enqueue_indirect_dma source(%dma_start3A_181 : memref<10240x128xf32, #tpu.memory_space<hbm>>) target(%dma_start3A_175 : memref<128x128xf32, #tpu.memory_space<vmem>>) offsets(%dma_start3A_178 : memref<128xi32, #tpu.memory_space<vmem>>) semaphore(%arg11 : memref<!tpu.dma_semaphore, #tpu.memory_space<semaphore_mem>>)
    %dma_wait3A_182 = arith.constant 0 : i32
    %dma_wait3A_183 = arith.constant 0 : i32
    %dma_wait3A_184 = arith.constant 0 : i32
    %dma_wait3A_185 = arith.constant 0 : i32
    %dma_wait3A_186 = tpu.memref_slice %arg7[%dma_wait3A_184, %dma_wait3A_185] : memref<4x128xi32, #tpu.memory_space<vmem>> -> memref<1x128xi32, #tpu.memory_space<vmem>>
    %dma_wait3A_187 = tpu.memref_squeeze %dma_wait3A_186 : memref<1x128xi32, #tpu.memory_space<vmem>> -> memref<128xi32, #tpu.memory_space<vmem>>
    %dma_wait3A_188 = arith.constant 0 : i32
    %dma_wait3A_189 = tpu.memref_slice %arg3[%dma_wait3A_182, %dma_wait3A_183, %dma_wait3A_188] : memref<32x80x128xi32, #tpu.memory_space<hbm>> -> memref<1x1x128xi32, #tpu.memory_space<hbm>>
    %dma_wait3A_190 = tpu.memref_squeeze %dma_wait3A_189 : memref<1x1x128xi32, #tpu.memory_space<hbm>> -> memref<128xi32, #tpu.memory_space<hbm>>
    %dma_wait3A_191 = arith.constant 0 : i32
    %dma_wait3A_192 = tpu.memref_slice %arg7[%dma_wait3A_184, %dma_wait3A_191] : memref<4x128xi32, #tpu.memory_space<vmem>> -> memref<1x128xi32, #tpu.memory_space<vmem>>
    %dma_wait3A_193 = tpu.memref_squeeze %dma_wait3A_192 : memref<1x128xi32, #tpu.memory_space<vmem>> -> memref<128xi32, #tpu.memory_space<vmem>>
    %dma_wait3A_194 = arith.constant 0 : i32
    %dma_wait3A_195 = tpu.memref_slice %arg3[%dma_wait3A_182, %dma_wait3A_183, %dma_wait3A_194] : memref<32x80x128xi32, #tpu.memory_space<hbm>> -> memref<1x1x128xi32, #tpu.memory_space<hbm>>
    %dma_wait3A_196 = tpu.memref_squeeze %dma_wait3A_195 : memref<1x1x128xi32, #tpu.memory_space<hbm>> -> memref<128xi32, #tpu.memory_space<hbm>>
    tpu.wait_dma2 semaphore(%arg12 : memref<!tpu.dma_semaphore, #tpu.memory_space<semaphore_mem>>) src(%dma_wait3A_196 : memref<128xi32, #tpu.memory_space<hbm>>) dst(%dma_wait3A_193 : memref<128xi32, #tpu.memory_space<vmem>>)
    %dma_wait3A_197 = arith.constant 0 : i32
    %dma_wait3A_198 = arith.constant 0 : i32
    %dma_wait3A_199 = arith.constant 0 : i32
    %dma_wait3A_200 = arith.constant 0 : i32
    %dma_wait3A_201 = tpu.memref_slice %arg8[%dma_wait3A_199, %dma_wait3A_200] : memref<4x128xi32, #tpu.memory_space<vmem>> -> memref<1x128xi32, #tpu.memory_space<vmem>>
    %dma_wait3A_202 = tpu.memref_squeeze %dma_wait3A_201 : memref<1x128xi32, #tpu.memory_space<vmem>> -> memref<128xi32, #tpu.memory_space<vmem>>
    %dma_wait3A_203 = arith.constant 0 : i32
    %dma_wait3A_204 = tpu.memref_slice %arg3[%dma_wait3A_197, %dma_wait3A_198, %dma_wait3A_203] : memref<32x80x128xi32, #tpu.memory_space<hbm>> -> memref<1x1x128xi32, #tpu.memory_space<hbm>>
    %dma_wait3A_205 = tpu.memref_squeeze %dma_wait3A_204 : memref<1x1x128xi32, #tpu.memory_space<hbm>> -> memref<128xi32, #tpu.memory_space<hbm>>
    %dma_wait3A_206 = arith.constant 0 : i32
    %dma_wait3A_207 = tpu.memref_slice %arg8[%dma_wait3A_199, %dma_wait3A_206] : memref<4x128xi32, #tpu.memory_space<vmem>> -> memref<1x128xi32, #tpu.memory_space<vmem>>
    %dma_wait3A_208 = tpu.memref_squeeze %dma_wait3A_207 : memref<1x128xi32, #tpu.memory_space<vmem>> -> memref<128xi32, #tpu.memory_space<vmem>>
    %dma_wait3A_209 = arith.constant 0 : i32
    %dma_wait3A_210 = tpu.memref_slice %arg3[%dma_wait3A_197, %dma_wait3A_198, %dma_wait3A_209] : memref<32x80x128xi32, #tpu.memory_space<hbm>> -> memref<1x1x128xi32, #tpu.memory_space<hbm>>
    %dma_wait3A_211 = tpu.memref_squeeze %dma_wait3A_210 : memref<1x1x128xi32, #tpu.memory_space<hbm>> -> memref<128xi32, #tpu.memory_space<hbm>>
    tpu.wait_dma2 semaphore(%arg12 : memref<!tpu.dma_semaphore, #tpu.memory_space<semaphore_mem>>) src(%dma_wait3A_211 : memref<128xi32, #tpu.memory_space<hbm>>) dst(%dma_wait3A_208 : memref<128xi32, #tpu.memory_space<vmem>>)
    %rem3A_212 = arith.constant 1 : i32
    %rem3A_213 = arith.constant 4 : i32
    %rem3A_214 = arith.remsi %rem3A_212, %rem3A_213 : i32
    %dma_start3A_215 = arith.constant 1 : i32
    %dma_start3A_216 = arith.constant 0 : i32
    %dma_start3A_217 = arith.constant 0 : i32
    %dma_start3A_218 = tpu.memref_slice %arg9[%dma_start3A_215, %dma_start3A_216, %dma_start3A_217] : memref<2x128x128xf32, #tpu.memory_space<vmem>> -> memref<1x128x128xf32, #tpu.memory_space<vmem>>
    %dma_start3A_219 = tpu.memref_squeeze %dma_start3A_218 : memref<1x128x128xf32, #tpu.memory_space<vmem>> -> memref<128x128xf32, #tpu.memory_space<vmem>>
    %dma_start3A_220 = arith.constant 0 : i32
    %dma_start3A_221 = tpu.memref_slice %arg7[%rem3A_214, %dma_start3A_220] : memref<4x128xi32, #tpu.memory_space<vmem>> -> memref<1x128xi32, #tpu.memory_space<vmem>>
    %dma_start3A_222 = tpu.memref_squeeze %dma_start3A_221 : memref<1x128xi32, #tpu.memory_space<vmem>> -> memref<128xi32, #tpu.memory_space<vmem>>
    %dma_start3A_223 = arith.constant 0 : i32
    %dma_start3A_224 = arith.constant 0 : i32
    %dma_start3A_225 = tpu.memref_slice %arg2[%dma_start3A_223, %dma_start3A_224] : memref<10240x128xf32, #tpu.memory_space<hbm>> -> memref<10240x128xf32, #tpu.memory_space<hbm>>
    tpu.enqueue_indirect_dma source(%dma_start3A_225 : memref<10240x128xf32, #tpu.memory_space<hbm>>) target(%dma_start3A_219 : memref<128x128xf32, #tpu.memory_space<vmem>>) offsets(%dma_start3A_222 : memref<128xi32, #tpu.memory_space<vmem>>) semaphore(%arg11 : memref<!tpu.dma_semaphore, #tpu.memory_space<semaphore_mem>>)
    %while3A = arith.constant 0 : i32
    %while3A_226 = arith.constant 0 : i32
    %while3A_227 = arith.subi %min3A_21, %while3A_226 : i32
    %while3A_228 = arith.addi %while3A_226, %while3A_227 : i32
    %while3A_229 = arith.constant 1 : i32
    %while3A_230 = arith.divsi %while3A_227, %while3A_229 : i32
    %while3A_231 = arith.muli %while3A_230, %while3A_229 : i32
    %while3A_232 = arith.addi %while3A_226, %while3A_231 : i32
    %while3A_233 = arith.constant 1 : i32
    scf.for %while3A_240 = %while3A_226 to %while3A_232 step %while3A_233  : i32 {
      %rem3A_241 = arith.constant 2 : i32
      %rem3A_242 = arith.remsi %while3A_240, %rem3A_241 : i32
      %rem3A_243 = arith.constant 4 : i32
      %rem3A_244 = arith.remsi %while3A_240, %rem3A_243 : i32
      %dma_wait3A_245 = arith.constant 0 : i32
      %dma_wait3A_246 = arith.constant 0 : i32
      %dma_wait3A_247 = tpu.memref_slice %arg9[%rem3A_242, %dma_wait3A_245, %dma_wait3A_246] : memref<2x128x128xf32, #tpu.memory_space<vmem>> -> memref<1x128x128xf32, #tpu.memory_space<vmem>>
      %dma_wait3A_248 = tpu.memref_squeeze %dma_wait3A_247 : memref<1x128x128xf32, #tpu.memory_space<vmem>> -> memref<128x128xf32, #tpu.memory_space<vmem>>
      %dma_wait3A_249 = arith.constant 0 : i32
      %dma_wait3A_250 = arith.constant 0 : i32
      %dma_wait3A_251 = tpu.memref_slice %arg2[%dma_wait3A_249, %dma_wait3A_250] : memref<10240x128xf32, #tpu.memory_space<hbm>> -> memref<128x128xf32, #tpu.memory_space<hbm>>
      %dma_wait3A_252 = arith.constant 0 : i32
      %dma_wait3A_253 = arith.constant 0 : i32
      %dma_wait3A_254 = tpu.memref_slice %arg9[%rem3A_242, %dma_wait3A_252, %dma_wait3A_253] : memref<2x128x128xf32, #tpu.memory_space<vmem>> -> memref<1x128x128xf32, #tpu.memory_space<vmem>>
      %dma_wait3A_255 = tpu.memref_squeeze %dma_wait3A_254 : memref<1x128x128xf32, #tpu.memory_space<vmem>> -> memref<128x128xf32, #tpu.memory_space<vmem>>
      %dma_wait3A_256 = arith.constant 0 : i32
      %dma_wait3A_257 = arith.constant 0 : i32
      %dma_wait3A_258 = tpu.memref_slice %arg2[%dma_wait3A_256, %dma_wait3A_257] : memref<10240x128xf32, #tpu.memory_space<hbm>> -> memref<128x128xf32, #tpu.memory_space<hbm>>
      tpu.wait_dma2 semaphore(%arg11 : memref<!tpu.dma_semaphore, #tpu.memory_space<semaphore_mem>>) src(%dma_wait3A_258 : memref<128x128xf32, #tpu.memory_space<hbm>>) dst(%dma_wait3A_255 : memref<128x128xf32, #tpu.memory_space<vmem>>)
      "tpu.region"() ({
        %run_scoped3A = tpu.sem_alloc : memref<!tpu.dma_semaphore, #tpu.memory_space<semaphore_mem>>
        %dma_start3A_268 = arith.constant 0 : i32
        %dma_start3A_269 = arith.constant 0 : i32
        %dma_start3A_270 = tpu.memref_slice %arg9[%rem3A_242, %dma_start3A_268, %dma_start3A_269] : memref<2x128x128xf32, #tpu.memory_space<vmem>> -> memref<1x128x128xf32, #tpu.memory_space<vmem>>
        %dma_start3A_271 = tpu.memref_squeeze %dma_start3A_270 : memref<1x128x128xf32, #tpu.memory_space<vmem>> -> memref<128x128xf32, #tpu.memory_space<vmem>>
        %dma_start3A_272 = arith.constant 0 : i32
        %dma_start3A_273 = tpu.memref_slice %arg8[%rem3A_244, %dma_start3A_272] : memref<4x128xi32, #tpu.memory_space<vmem>> -> memref<1x128xi32, #tpu.memory_space<vmem>>
        %dma_start3A_274 = tpu.memref_squeeze %dma_start3A_273 : memref<1x128xi32, #tpu.memory_space<vmem>> -> memref<128xi32, #tpu.memory_space<vmem>>
        %dma_start3A_275 = arith.constant 0 : i32
        %dma_start3A_276 = arith.constant 0 : i32
        %dma_start3A_277 = tpu.memref_slice %arg10[%dma_start3A_275, %dma_start3A_276] : memref<10240x128xf32, #tpu.memory_space<vmem_shared>> -> memref<10240x128xf32, #tpu.memory_space<vmem_shared>>
        tpu.enqueue_indirect_dma source(%dma_start3A_271 : memref<128x128xf32, #tpu.memory_space<vmem>>) target(%dma_start3A_277 : memref<10240x128xf32, #tpu.memory_space<vmem_shared>>) offsets(%dma_start3A_274 : memref<128xi32, #tpu.memory_space<vmem>>) semaphore(%run_scoped3A : memref<!tpu.dma_semaphore, #tpu.memory_space<semaphore_mem>>) {add = true}
        %dma_wait3A_278 = arith.constant 0 : i32
        %dma_wait3A_279 = arith.constant 0 : i32
        %dma_wait3A_280 = tpu.memref_slice %arg9[%rem3A_242, %dma_wait3A_278, %dma_wait3A_279] : memref<2x128x128xf32, #tpu.memory_space<vmem>> -> memref<1x128x128xf32, #tpu.memory_space<vmem>>
        %dma_wait3A_281 = tpu.memref_squeeze %dma_wait3A_280 : memref<1x128x128xf32, #tpu.memory_space<vmem>> -> memref<128x128xf32, #tpu.memory_space<vmem>>
        %dma_wait3A_282 = arith.constant 0 : i32
        %dma_wait3A_283 = tpu.memref_slice %arg8[%rem3A_244, %dma_wait3A_282] : memref<4x128xi32, #tpu.memory_space<vmem>> -> memref<1x128xi32, #tpu.memory_space<vmem>>
        %dma_wait3A_284 = tpu.memref_squeeze %dma_wait3A_283 : memref<1x128xi32, #tpu.memory_space<vmem>> -> memref<128xi32, #tpu.memory_space<vmem>>
        %dma_wait3A_285 = arith.constant 0 : i32
        %dma_wait3A_286 = arith.constant 0 : i32
        %dma_wait3A_287 = tpu.memref_slice %arg10[%dma_wait3A_285, %dma_wait3A_286] : memref<10240x128xf32, #tpu.memory_space<vmem_shared>> -> memref<10240x128xf32, #tpu.memory_space<vmem_shared>>
        tpu.wait_indirect_dma semaphore(%run_scoped3A : memref<!tpu.dma_semaphore, #tpu.memory_space<semaphore_mem>>) src(%dma_wait3A_281 : memref<128x128xf32, #tpu.memory_space<vmem>>) dst(%dma_wait3A_287 : memref<10240x128xf32, #tpu.memory_space<vmem_shared>>)
        tpu.yield
      }) : () -> ()
      %add3A_259 = arith.constant 4 : i32
      %add3A_260 = arith.addi %while3A_240, %add3A_259 : i32
      %lt3A = arith.cmpi slt, %add3A_260, %min3A_21 : i32
      %convert_element_type3A = arith.extui %lt3A : i1 to i32
      %cond3A = arith.constant 0 : i32
      %cond3A_261 = arith.cmpi ne, %convert_element_type3A, %cond3A : i32
      scf.if %cond3A_261 {
        %add3A_268 = arith.constant 4 : i32
        %add3A_269 = arith.addi %while3A_240, %add3A_268 : i32
        %rem3A_270 = arith.constant 4 : i32
        %rem3A_271 = arith.remsi %add3A_269, %rem3A_270 : i32
        %dma_start3A_272 = arith.constant 0 : i32
        %dma_start3A_273 = tpu.memref_slice %arg7[%rem3A_271, %dma_start3A_272] : memref<4x128xi32, #tpu.memory_space<vmem>> -> memref<1x128xi32, #tpu.memory_space<vmem>>
        %dma_start3A_274 = tpu.memref_squeeze %dma_start3A_273 : memref<1x128xi32, #tpu.memory_space<vmem>> -> memref<128xi32, #tpu.memory_space<vmem>>
        %dma_start3A_275 = arith.constant 0 : i32
        %dma_start3A_276 = tpu.memref_slice %arg3[%add3A, %add3A_269, %dma_start3A_275] : memref<32x80x128xi32, #tpu.memory_space<hbm>> -> memref<1x1x128xi32, #tpu.memory_space<hbm>>
        %dma_start3A_277 = tpu.memref_squeeze %dma_start3A_276 : memref<1x1x128xi32, #tpu.memory_space<hbm>> -> memref<128xi32, #tpu.memory_space<hbm>>
        %dma_start3A_278 = arith.constant 0 : i32
        %dma_start3A_279 = tpu.memref_slice %arg7[%rem3A_271, %dma_start3A_278] : memref<4x128xi32, #tpu.memory_space<vmem>> -> memref<1x128xi32, #tpu.memory_space<vmem>>
        %dma_start3A_280 = tpu.memref_squeeze %dma_start3A_279 : memref<1x128xi32, #tpu.memory_space<vmem>> -> memref<128xi32, #tpu.memory_space<vmem>>
        %dma_start3A_281 = arith.constant 0 : i32
        %dma_start3A_282 = tpu.memref_slice %arg3[%add3A, %add3A_269, %dma_start3A_281] : memref<32x80x128xi32, #tpu.memory_space<hbm>> -> memref<1x1x128xi32, #tpu.memory_space<hbm>>
        %dma_start3A_283 = tpu.memref_squeeze %dma_start3A_282 : memref<1x1x128xi32, #tpu.memory_space<hbm>> -> memref<128xi32, #tpu.memory_space<hbm>>
        tpu.enqueue_dma source(%dma_start3A_283 : memref<128xi32, #tpu.memory_space<hbm>>) target(%dma_start3A_280 : memref<128xi32, #tpu.memory_space<vmem>>) target_semaphore(%arg12 : memref<!tpu.dma_semaphore, #tpu.memory_space<semaphore_mem>>)
        %dma_start3A_284 = arith.constant 0 : i32
        %dma_start3A_285 = tpu.memref_slice %arg8[%rem3A_271, %dma_start3A_284] : memref<4x128xi32, #tpu.memory_space<vmem>> -> memref<1x128xi32, #tpu.memory_space<vmem>>
        %dma_start3A_286 = tpu.memref_squeeze %dma_start3A_285 : memref<1x128xi32, #tpu.memory_space<vmem>> -> memref<128xi32, #tpu.memory_space<vmem>>
        %dma_start3A_287 = arith.constant 0 : i32
        %dma_start3A_288 = tpu.memref_slice %arg4[%add3A, %add3A_269, %dma_start3A_287] : memref<32x80x128xi32, #tpu.memory_space<hbm>> -> memref<1x1x128xi32, #tpu.memory_space<hbm>>
        %dma_start3A_289 = tpu.memref_squeeze %dma_start3A_288 : memref<1x1x128xi32, #tpu.memory_space<hbm>> -> memref<128xi32, #tpu.memory_space<hbm>>
        %dma_start3A_290 = arith.constant 0 : i32
        %dma_start3A_291 = tpu.memref_slice %arg8[%rem3A_271, %dma_start3A_290] : memref<4x128xi32, #tpu.memory_space<vmem>> -> memref<1x128xi32, #tpu.memory_space<vmem>>
        %dma_start3A_292 = tpu.memref_squeeze %dma_start3A_291 : memref<1x128xi32, #tpu.memory_space<vmem>> -> memref<128xi32, #tpu.memory_space<vmem>>
        %dma_start3A_293 = arith.constant 0 : i32
        %dma_start3A_294 = tpu.memref_slice %arg4[%add3A, %add3A_269, %dma_start3A_293] : memref<32x80x128xi32, #tpu.memory_space<hbm>> -> memref<1x1x128xi32, #tpu.memory_space<hbm>>
        %dma_start3A_295 = tpu.memref_squeeze %dma_start3A_294 : memref<1x1x128xi32, #tpu.memory_space<hbm>> -> memref<128xi32, #tpu.memory_space<hbm>>
        tpu.enqueue_dma source(%dma_start3A_295 : memref<128xi32, #tpu.memory_space<hbm>>) target(%dma_start3A_292 : memref<128xi32, #tpu.memory_space<vmem>>) target_semaphore(%arg12 : memref<!tpu.dma_semaphore, #tpu.memory_space<semaphore_mem>>)
      } else {
      }
      %add3A_262 = arith.constant 2 : i32
      %add3A_263 = arith.addi %while3A_240, %add3A_262 : i32
      %lt3A_264 = arith.cmpi slt, %add3A_263, %min3A_21 : i32
      %convert_element_type3A_265 = arith.extui %lt3A_264 : i1 to i32
      %cond3A_266 = arith.constant 0 : i32
      %cond3A_267 = arith.cmpi ne, %convert_element_type3A_265, %cond3A_266 : i32
      scf.if %cond3A_267 {
        %dma_wait3A_268 = arith.constant 0 : i32
        %dma_wait3A_269 = arith.constant 0 : i32
        %dma_wait3A_270 = arith.constant 0 : i32
        %dma_wait3A_271 = arith.constant 0 : i32
        %dma_wait3A_272 = tpu.memref_slice %arg7[%dma_wait3A_270, %dma_wait3A_271] : memref<4x128xi32, #tpu.memory_space<vmem>> -> memref<1x128xi32, #tpu.memory_space<vmem>>
        %dma_wait3A_273 = tpu.memref_squeeze %dma_wait3A_272 : memref<1x128xi32, #tpu.memory_space<vmem>> -> memref<128xi32, #tpu.memory_space<vmem>>
        %dma_wait3A_274 = arith.constant 0 : i32
        %dma_wait3A_275 = tpu.memref_slice %arg3[%dma_wait3A_268, %dma_wait3A_269, %dma_wait3A_274] : memref<32x80x128xi32, #tpu.memory_space<hbm>> -> memref<1x1x128xi32, #tpu.memory_space<hbm>>
        %dma_wait3A_276 = tpu.memref_squeeze %dma_wait3A_275 : memref<1x1x128xi32, #tpu.memory_space<hbm>> -> memref<128xi32, #tpu.memory_space<hbm>>
        %dma_wait3A_277 = arith.constant 0 : i32
        %dma_wait3A_278 = tpu.memref_slice %arg7[%dma_wait3A_270, %dma_wait3A_277] : memref<4x128xi32, #tpu.memory_space<vmem>> -> memref<1x128xi32, #tpu.memory_space<vmem>>
        %dma_wait3A_279 = tpu.memref_squeeze %dma_wait3A_278 : memref<1x128xi32, #tpu.memory_space<vmem>> -> memref<128xi32, #tpu.memory_space<vmem>>
        %dma_wait3A_280 = arith.constant 0 : i32
        %dma_wait3A_281 = tpu.memref_slice %arg3[%dma_wait3A_268, %dma_wait3A_269, %dma_wait3A_280] : memref<32x80x128xi32, #tpu.memory_space<hbm>> -> memref<1x1x128xi32, #tpu.memory_space<hbm>>
        %dma_wait3A_282 = tpu.memref_squeeze %dma_wait3A_281 : memref<1x1x128xi32, #tpu.memory_space<hbm>> -> memref<128xi32, #tpu.memory_space<hbm>>
        tpu.wait_dma2 semaphore(%arg12 : memref<!tpu.dma_semaphore, #tpu.memory_space<semaphore_mem>>) src(%dma_wait3A_282 : memref<128xi32, #tpu.memory_space<hbm>>) dst(%dma_wait3A_279 : memref<128xi32, #tpu.memory_space<vmem>>)
        %dma_wait3A_283 = arith.constant 0 : i32
        %dma_wait3A_284 = arith.constant 0 : i32
        %dma_wait3A_285 = arith.constant 0 : i32
        %dma_wait3A_286 = arith.constant 0 : i32
        %dma_wait3A_287 = tpu.memref_slice %arg8[%dma_wait3A_285, %dma_wait3A_286] : memref<4x128xi32, #tpu.memory_space<vmem>> -> memref<1x128xi32, #tpu.memory_space<vmem>>
        %dma_wait3A_288 = tpu.memref_squeeze %dma_wait3A_287 : memref<1x128xi32, #tpu.memory_space<vmem>> -> memref<128xi32, #tpu.memory_space<vmem>>
        %dma_wait3A_289 = arith.constant 0 : i32
        %dma_wait3A_290 = tpu.memref_slice %arg3[%dma_wait3A_283, %dma_wait3A_284, %dma_wait3A_289] : memref<32x80x128xi32, #tpu.memory_space<hbm>> -> memref<1x1x128xi32, #tpu.memory_space<hbm>>
        %dma_wait3A_291 = tpu.memref_squeeze %dma_wait3A_290 : memref<1x1x128xi32, #tpu.memory_space<hbm>> -> memref<128xi32, #tpu.memory_space<hbm>>
        %dma_wait3A_292 = arith.constant 0 : i32
        %dma_wait3A_293 = tpu.memref_slice %arg8[%dma_wait3A_285, %dma_wait3A_292] : memref<4x128xi32, #tpu.memory_space<vmem>> -> memref<1x128xi32, #tpu.memory_space<vmem>>
        %dma_wait3A_294 = tpu.memref_squeeze %dma_wait3A_293 : memref<1x128xi32, #tpu.memory_space<vmem>> -> memref<128xi32, #tpu.memory_space<vmem>>
        %dma_wait3A_295 = arith.constant 0 : i32
        %dma_wait3A_296 = tpu.memref_slice %arg3[%dma_wait3A_283, %dma_wait3A_284, %dma_wait3A_295] : memref<32x80x128xi32, #tpu.memory_space<hbm>> -> memref<1x1x128xi32, #tpu.memory_space<hbm>>
        %dma_wait3A_297 = tpu.memref_squeeze %dma_wait3A_296 : memref<1x1x128xi32, #tpu.memory_space<hbm>> -> memref<128xi32, #tpu.memory_space<hbm>>
        tpu.wait_dma2 semaphore(%arg12 : memref<!tpu.dma_semaphore, #tpu.memory_space<semaphore_mem>>) src(%dma_wait3A_297 : memref<128xi32, #tpu.memory_space<hbm>>) dst(%dma_wait3A_294 : memref<128xi32, #tpu.memory_space<vmem>>)
        %add3A_298 = arith.constant 2 : i32
        %add3A_299 = arith.addi %while3A_240, %add3A_298 : i32
        %rem3A_300 = arith.constant 4 : i32
        %rem3A_301 = arith.remsi %add3A_299, %rem3A_300 : i32
        %dma_start3A_302 = arith.constant 0 : i32
        %dma_start3A_303 = arith.constant 0 : i32
        %dma_start3A_304 = tpu.memref_slice %arg9[%rem3A_242, %dma_start3A_302, %dma_start3A_303] : memref<2x128x128xf32, #tpu.memory_space<vmem>> -> memref<1x128x128xf32, #tpu.memory_space<vmem>>
        %dma_start3A_305 = tpu.memref_squeeze %dma_start3A_304 : memref<1x128x128xf32, #tpu.memory_space<vmem>> -> memref<128x128xf32, #tpu.memory_space<vmem>>
        %dma_start3A_306 = arith.constant 0 : i32
        %dma_start3A_307 = tpu.memref_slice %arg7[%rem3A_301, %dma_start3A_306] : memref<4x128xi32, #tpu.memory_space<vmem>> -> memref<1x128xi32, #tpu.memory_space<vmem>>
        %dma_start3A_308 = tpu.memref_squeeze %dma_start3A_307 : memref<1x128xi32, #tpu.memory_space<vmem>> -> memref<128xi32, #tpu.memory_space<vmem>>
        %dma_start3A_309 = arith.constant 0 : i32
        %dma_start3A_310 = arith.constant 0 : i32
        %dma_start3A_311 = tpu.memref_slice %arg2[%dma_start3A_309, %dma_start3A_310] : memref<10240x128xf32, #tpu.memory_space<hbm>> -> memref<10240x128xf32, #tpu.memory_space<hbm>>
        tpu.enqueue_indirect_dma source(%dma_start3A_311 : memref<10240x128xf32, #tpu.memory_space<hbm>>) target(%dma_start3A_305 : memref<128x128xf32, #tpu.memory_space<vmem>>) offsets(%dma_start3A_308 : memref<128xi32, #tpu.memory_space<vmem>>) semaphore(%arg11 : memref<!tpu.dma_semaphore, #tpu.memory_space<semaphore_mem>>)
      } else {
      }
    }
    %while3A_234 = arith.constant 1 : i32
    scf.for %while3A_240 = %while3A_232 to %while3A_228 step %while3A_234  : i32 {
      %rem3A_241 = arith.constant 2 : i32
      %rem3A_242 = arith.remsi %while3A_240, %rem3A_241 : i32
      %rem3A_243 = arith.constant 4 : i32
      %rem3A_244 = arith.remsi %while3A_240, %rem3A_243 : i32
      %dma_wait3A_245 = arith.constant 0 : i32
      %dma_wait3A_246 = arith.constant 0 : i32
      %dma_wait3A_247 = tpu.memref_slice %arg9[%rem3A_242, %dma_wait3A_245, %dma_wait3A_246] : memref<2x128x128xf32, #tpu.memory_space<vmem>> -> memref<1x128x128xf32, #tpu.memory_space<vmem>>
      %dma_wait3A_248 = tpu.memref_squeeze %dma_wait3A_247 : memref<1x128x128xf32, #tpu.memory_space<vmem>> -> memref<128x128xf32, #tpu.memory_space<vmem>>
      %dma_wait3A_249 = arith.constant 0 : i32
      %dma_wait3A_250 = arith.constant 0 : i32
      %dma_wait3A_251 = tpu.memref_slice %arg2[%dma_wait3A_249, %dma_wait3A_250] : memref<10240x128xf32, #tpu.memory_space<hbm>> -> memref<128x128xf32, #tpu.memory_space<hbm>>
      %dma_wait3A_252 = arith.constant 0 : i32
      %dma_wait3A_253 = arith.constant 0 : i32
      %dma_wait3A_254 = tpu.memref_slice %arg9[%rem3A_242, %dma_wait3A_252, %dma_wait3A_253] : memref<2x128x128xf32, #tpu.memory_space<vmem>> -> memref<1x128x128xf32, #tpu.memory_space<vmem>>
      %dma_wait3A_255 = tpu.memref_squeeze %dma_wait3A_254 : memref<1x128x128xf32, #tpu.memory_space<vmem>> -> memref<128x128xf32, #tpu.memory_space<vmem>>
      %dma_wait3A_256 = arith.constant 0 : i32
      %dma_wait3A_257 = arith.constant 0 : i32
      %dma_wait3A_258 = tpu.memref_slice %arg2[%dma_wait3A_256, %dma_wait3A_257] : memref<10240x128xf32, #tpu.memory_space<hbm>> -> memref<128x128xf32, #tpu.memory_space<hbm>>
      tpu.wait_dma2 semaphore(%arg11 : memref<!tpu.dma_semaphore, #tpu.memory_space<semaphore_mem>>) src(%dma_wait3A_258 : memref<128x128xf32, #tpu.memory_space<hbm>>) dst(%dma_wait3A_255 : memref<128x128xf32, #tpu.memory_space<vmem>>)
      "tpu.region"() ({
        %run_scoped3A = tpu.sem_alloc : memref<!tpu.dma_semaphore, #tpu.memory_space<semaphore_mem>>
        %dma_start3A_268 = arith.constant 0 : i32
        %dma_start3A_269 = arith.constant 0 : i32
        %dma_start3A_270 = tpu.memref_slice %arg9[%rem3A_242, %dma_start3A_268, %dma_start3A_269] : memref<2x128x128xf32, #tpu.memory_space<vmem>> -> memref<1x128x128xf32, #tpu.memory_space<vmem>>
        %dma_start3A_271 = tpu.memref_squeeze %dma_start3A_270 : memref<1x128x128xf32, #tpu.memory_space<vmem>> -> memref<128x128xf32, #tpu.memory_space<vmem>>
        %dma_start3A_272 = arith.constant 0 : i32
        %dma_start3A_273 = tpu.memref_slice %arg8[%rem3A_244, %dma_start3A_272] : memref<4x128xi32, #tpu.memory_space<vmem>> -> memref<1x128xi32, #tpu.memory_space<vmem>>
        %dma_start3A_274 = tpu.memref_squeeze %dma_start3A_273 : memref<1x128xi32, #tpu.memory_space<vmem>> -> memref<128xi32, #tpu.memory_space<vmem>>
        %dma_start3A_275 = arith.constant 0 : i32
        %dma_start3A_276 = arith.constant 0 : i32
        %dma_start3A_277 = tpu.memref_slice %arg10[%dma_start3A_275, %dma_start3A_276] : memref<10240x128xf32, #tpu.memory_space<vmem_shared>> -> memref<10240x128xf32, #tpu.memory_space<vmem_shared>>
        tpu.enqueue_indirect_dma source(%dma_start3A_271 : memref<128x128xf32, #tpu.memory_space<vmem>>) target(%dma_start3A_277 : memref<10240x128xf32, #tpu.memory_space<vmem_shared>>) offsets(%dma_start3A_274 : memref<128xi32, #tpu.memory_space<vmem>>) semaphore(%run_scoped3A : memref<!tpu.dma_semaphore, #tpu.memory_space<semaphore_mem>>) {add = true}
        %dma_wait3A_278 = arith.constant 0 : i32
        %dma_wait3A_279 = arith.constant 0 : i32
        %dma_wait3A_280 = tpu.memref_slice %arg9[%rem3A_242, %dma_wait3A_278, %dma_wait3A_279] : memref<2x128x128xf32, #tpu.memory_space<vmem>> -> memref<1x128x128xf32, #tpu.memory_space<vmem>>
        %dma_wait3A_281 = tpu.memref_squeeze %dma_wait3A_280 : memref<1x128x128xf32, #tpu.memory_space<vmem>> -> memref<128x128xf32, #tpu.memory_space<vmem>>
        %dma_wait3A_282 = arith.constant 0 : i32
        %dma_wait3A_283 = tpu.memref_slice %arg8[%rem3A_244, %dma_wait3A_282] : memref<4x128xi32, #tpu.memory_space<vmem>> -> memref<1x128xi32, #tpu.memory_space<vmem>>
        %dma_wait3A_284 = tpu.memref_squeeze %dma_wait3A_283 : memref<1x128xi32, #tpu.memory_space<vmem>> -> memref<128xi32, #tpu.memory_space<vmem>>
        %dma_wait3A_285 = arith.constant 0 : i32
        %dma_wait3A_286 = arith.constant 0 : i32
        %dma_wait3A_287 = tpu.memref_slice %arg10[%dma_wait3A_285, %dma_wait3A_286] : memref<10240x128xf32, #tpu.memory_space<vmem_shared>> -> memref<10240x128xf32, #tpu.memory_space<vmem_shared>>
        tpu.wait_indirect_dma semaphore(%run_scoped3A : memref<!tpu.dma_semaphore, #tpu.memory_space<semaphore_mem>>) src(%dma_wait3A_281 : memref<128x128xf32, #tpu.memory_space<vmem>>) dst(%dma_wait3A_287 : memref<10240x128xf32, #tpu.memory_space<vmem_shared>>)
        tpu.yield
      }) : () -> ()
      %add3A_259 = arith.constant 4 : i32
      %add3A_260 = arith.addi %while3A_240, %add3A_259 : i32
      %lt3A = arith.cmpi slt, %add3A_260, %min3A_21 : i32
      %convert_element_type3A = arith.extui %lt3A : i1 to i32
      %cond3A = arith.constant 0 : i32
      %cond3A_261 = arith.cmpi ne, %convert_element_type3A, %cond3A : i32
      scf.if %cond3A_261 {
        %add3A_268 = arith.constant 4 : i32
        %add3A_269 = arith.addi %while3A_240, %add3A_268 : i32
        %rem3A_270 = arith.constant 4 : i32
        %rem3A_271 = arith.remsi %add3A_269, %rem3A_270 : i32
        %dma_start3A_272 = arith.constant 0 : i32
        %dma_start3A_273 = tpu.memref_slice %arg7[%rem3A_271, %dma_start3A_272] : memref<4x128xi32, #tpu.memory_space<vmem>> -> memref<1x128xi32, #tpu.memory_space<vmem>>
        %dma_start3A_274 = tpu.memref_squeeze %dma_start3A_273 : memref<1x128xi32, #tpu.memory_space<vmem>> -> memref<128xi32, #tpu.memory_space<vmem>>
        %dma_start3A_275 = arith.constant 0 : i32
        %dma_start3A_276 = tpu.memref_slice %arg3[%add3A, %add3A_269, %dma_start3A_275] : memref<32x80x128xi32, #tpu.memory_space<hbm>> -> memref<1x1x128xi32, #tpu.memory_space<hbm>>
        %dma_start3A_277 = tpu.memref_squeeze %dma_start3A_276 : memref<1x1x128xi32, #tpu.memory_space<hbm>> -> memref<128xi32, #tpu.memory_space<hbm>>
        %dma_start3A_278 = arith.constant 0 : i32
        %dma_start3A_279 = tpu.memref_slice %arg7[%rem3A_271, %dma_start3A_278] : memref<4x128xi32, #tpu.memory_space<vmem>> -> memref<1x128xi32, #tpu.memory_space<vmem>>
        %dma_start3A_280 = tpu.memref_squeeze %dma_start3A_279 : memref<1x128xi32, #tpu.memory_space<vmem>> -> memref<128xi32, #tpu.memory_space<vmem>>
        %dma_start3A_281 = arith.constant 0 : i32
        %dma_start3A_282 = tpu.memref_slice %arg3[%add3A, %add3A_269, %dma_start3A_281] : memref<32x80x128xi32, #tpu.memory_space<hbm>> -> memref<1x1x128xi32, #tpu.memory_space<hbm>>
        %dma_start3A_283 = tpu.memref_squeeze %dma_start3A_282 : memref<1x1x128xi32, #tpu.memory_space<hbm>> -> memref<128xi32, #tpu.memory_space<hbm>>
        tpu.enqueue_dma source(%dma_start3A_283 : memref<128xi32, #tpu.memory_space<hbm>>) target(%dma_start3A_280 : memref<128xi32, #tpu.memory_space<vmem>>) target_semaphore(%arg12 : memref<!tpu.dma_semaphore, #tpu.memory_space<semaphore_mem>>)
        %dma_start3A_284 = arith.constant 0 : i32
        %dma_start3A_285 = tpu.memref_slice %arg8[%rem3A_271, %dma_start3A_284] : memref<4x128xi32, #tpu.memory_space<vmem>> -> memref<1x128xi32, #tpu.memory_space<vmem>>
        %dma_start3A_286 = tpu.memref_squeeze %dma_start3A_285 : memref<1x128xi32, #tpu.memory_space<vmem>> -> memref<128xi32, #tpu.memory_space<vmem>>
        %dma_start3A_287 = arith.constant 0 : i32
        %dma_start3A_288 = tpu.memref_slice %arg4[%add3A, %add3A_269, %dma_start3A_287] : memref<32x80x128xi32, #tpu.memory_space<hbm>> -> memref<1x1x128xi32, #tpu.memory_space<hbm>>
        %dma_start3A_289 = tpu.memref_squeeze %dma_start3A_288 : memref<1x1x128xi32, #tpu.memory_space<hbm>> -> memref<128xi32, #tpu.memory_space<hbm>>
        %dma_start3A_290 = arith.constant 0 : i32
        %dma_start3A_291 = tpu.memref_slice %arg8[%rem3A_271, %dma_start3A_290] : memref<4x128xi32, #tpu.memory_space<vmem>> -> memref<1x128xi32, #tpu.memory_space<vmem>>
        %dma_start3A_292 = tpu.memref_squeeze %dma_start3A_291 : memref<1x128xi32, #tpu.memory_space<vmem>> -> memref<128xi32, #tpu.memory_space<vmem>>
        %dma_start3A_293 = arith.constant 0 : i32
        %dma_start3A_294 = tpu.memref_slice %arg4[%add3A, %add3A_269, %dma_start3A_293] : memref<32x80x128xi32, #tpu.memory_space<hbm>> -> memref<1x1x128xi32, #tpu.memory_space<hbm>>
        %dma_start3A_295 = tpu.memref_squeeze %dma_start3A_294 : memref<1x1x128xi32, #tpu.memory_space<hbm>> -> memref<128xi32, #tpu.memory_space<hbm>>
        tpu.enqueue_dma source(%dma_start3A_295 : memref<128xi32, #tpu.memory_space<hbm>>) target(%dma_start3A_292 : memref<128xi32, #tpu.memory_space<vmem>>) target_semaphore(%arg12 : memref<!tpu.dma_semaphore, #tpu.memory_space<semaphore_mem>>)
      } else {
      }
      %add3A_262 = arith.constant 2 : i32
      %add3A_263 = arith.addi %while3A_240, %add3A_262 : i32
      %lt3A_264 = arith.cmpi slt, %add3A_263, %min3A_21 : i32
      %convert_element_type3A_265 = arith.extui %lt3A_264 : i1 to i32
      %cond3A_266 = arith.constant 0 : i32
      %cond3A_267 = arith.cmpi ne, %convert_element_type3A_265, %cond3A_266 : i32
      scf.if %cond3A_267 {
        %dma_wait3A_268 = arith.constant 0 : i32
        %dma_wait3A_269 = arith.constant 0 : i32
        %dma_wait3A_270 = arith.constant 0 : i32
        %dma_wait3A_271 = arith.constant 0 : i32
        %dma_wait3A_272 = tpu.memref_slice %arg7[%dma_wait3A_270, %dma_wait3A_271] : memref<4x128xi32, #tpu.memory_space<vmem>> -> memref<1x128xi32, #tpu.memory_space<vmem>>
        %dma_wait3A_273 = tpu.memref_squeeze %dma_wait3A_272 : memref<1x128xi32, #tpu.memory_space<vmem>> -> memref<128xi32, #tpu.memory_space<vmem>>
        %dma_wait3A_274 = arith.constant 0 : i32
        %dma_wait3A_275 = tpu.memref_slice %arg3[%dma_wait3A_268, %dma_wait3A_269, %dma_wait3A_274] : memref<32x80x128xi32, #tpu.memory_space<hbm>> -> memref<1x1x128xi32, #tpu.memory_space<hbm>>
        %dma_wait3A_276 = tpu.memref_squeeze %dma_wait3A_275 : memref<1x1x128xi32, #tpu.memory_space<hbm>> -> memref<128xi32, #tpu.memory_space<hbm>>
        %dma_wait3A_277 = arith.constant 0 : i32
        %dma_wait3A_278 = tpu.memref_slice %arg7[%dma_wait3A_270, %dma_wait3A_277] : memref<4x128xi32, #tpu.memory_space<vmem>> -> memref<1x128xi32, #tpu.memory_space<vmem>>
        %dma_wait3A_279 = tpu.memref_squeeze %dma_wait3A_278 : memref<1x128xi32, #tpu.memory_space<vmem>> -> memref<128xi32, #tpu.memory_space<vmem>>
        %dma_wait3A_280 = arith.constant 0 : i32
        %dma_wait3A_281 = tpu.memref_slice %arg3[%dma_wait3A_268, %dma_wait3A_269, %dma_wait3A_280] : memref<32x80x128xi32, #tpu.memory_space<hbm>> -> memref<1x1x128xi32, #tpu.memory_space<hbm>>
        %dma_wait3A_282 = tpu.memref_squeeze %dma_wait3A_281 : memref<1x1x128xi32, #tpu.memory_space<hbm>> -> memref<128xi32, #tpu.memory_space<hbm>>
        tpu.wait_dma2 semaphore(%arg12 : memref<!tpu.dma_semaphore, #tpu.memory_space<semaphore_mem>>) src(%dma_wait3A_282 : memref<128xi32, #tpu.memory_space<hbm>>) dst(%dma_wait3A_279 : memref<128xi32, #tpu.memory_space<vmem>>)
        %dma_wait3A_283 = arith.constant 0 : i32
        %dma_wait3A_284 = arith.constant 0 : i32
        %dma_wait3A_285 = arith.constant 0 : i32
        %dma_wait3A_286 = arith.constant 0 : i32
        %dma_wait3A_287 = tpu.memref_slice %arg8[%dma_wait3A_285, %dma_wait3A_286] : memref<4x128xi32, #tpu.memory_space<vmem>> -> memref<1x128xi32, #tpu.memory_space<vmem>>
        %dma_wait3A_288 = tpu.memref_squeeze %dma_wait3A_287 : memref<1x128xi32, #tpu.memory_space<vmem>> -> memref<128xi32, #tpu.memory_space<vmem>>
        %dma_wait3A_289 = arith.constant 0 : i32
        %dma_wait3A_290 = tpu.memref_slice %arg3[%dma_wait3A_283, %dma_wait3A_284, %dma_wait3A_289] : memref<32x80x128xi32, #tpu.memory_space<hbm>> -> memref<1x1x128xi32, #tpu.memory_space<hbm>>
        %dma_wait3A_291 = tpu.memref_squeeze %dma_wait3A_290 : memref<1x1x128xi32, #tpu.memory_space<hbm>> -> memref<128xi32, #tpu.memory_space<hbm>>
        %dma_wait3A_292 = arith.constant 0 : i32
        %dma_wait3A_293 = tpu.memref_slice %arg8[%dma_wait3A_285, %dma_wait3A_292] : memref<4x128xi32, #tpu.memory_space<vmem>> -> memref<1x128xi32, #tpu.memory_space<vmem>>
        %dma_wait3A_294 = tpu.memref_squeeze %dma_wait3A_293 : memref<1x128xi32, #tpu.memory_space<vmem>> -> memref<128xi32, #tpu.memory_space<vmem>>
        %dma_wait3A_295 = arith.constant 0 : i32
        %dma_wait3A_296 = tpu.memref_slice %arg3[%dma_wait3A_283, %dma_wait3A_284, %dma_wait3A_295] : memref<32x80x128xi32, #tpu.memory_space<hbm>> -> memref<1x1x128xi32, #tpu.memory_space<hbm>>
        %dma_wait3A_297 = tpu.memref_squeeze %dma_wait3A_296 : memref<1x1x128xi32, #tpu.memory_space<hbm>> -> memref<128xi32, #tpu.memory_space<hbm>>
        tpu.wait_dma2 semaphore(%arg12 : memref<!tpu.dma_semaphore, #tpu.memory_space<semaphore_mem>>) src(%dma_wait3A_297 : memref<128xi32, #tpu.memory_space<hbm>>) dst(%dma_wait3A_294 : memref<128xi32, #tpu.memory_space<vmem>>)
        %add3A_298 = arith.constant 2 : i32
        %add3A_299 = arith.addi %while3A_240, %add3A_298 : i32
        %rem3A_300 = arith.constant 4 : i32
        %rem3A_301 = arith.remsi %add3A_299, %rem3A_300 : i32
        %dma_start3A_302 = arith.constant 0 : i32
        %dma_start3A_303 = arith.constant 0 : i32
        %dma_start3A_304 = tpu.memref_slice %arg9[%rem3A_242, %dma_start3A_302, %dma_start3A_303] : memref<2x128x128xf32, #tpu.memory_space<vmem>> -> memref<1x128x128xf32, #tpu.memory_space<vmem>>
        %dma_start3A_305 = tpu.memref_squeeze %dma_start3A_304 : memref<1x128x128xf32, #tpu.memory_space<vmem>> -> memref<128x128xf32, #tpu.memory_space<vmem>>
        %dma_start3A_306 = arith.constant 0 : i32
        %dma_start3A_307 = tpu.memref_slice %arg7[%rem3A_301, %dma_start3A_306] : memref<4x128xi32, #tpu.memory_space<vmem>> -> memref<1x128xi32, #tpu.memory_space<vmem>>
        %dma_start3A_308 = tpu.memref_squeeze %dma_start3A_307 : memref<1x128xi32, #tpu.memory_space<vmem>> -> memref<128xi32, #tpu.memory_space<vmem>>
        %dma_start3A_309 = arith.constant 0 : i32
        %dma_start3A_310 = arith.constant 0 : i32
        %dma_start3A_311 = tpu.memref_slice %arg2[%dma_start3A_309, %dma_start3A_310] : memref<10240x128xf32, #tpu.memory_space<hbm>> -> memref<10240x128xf32, #tpu.memory_space<hbm>>
        tpu.enqueue_indirect_dma source(%dma_start3A_311 : memref<10240x128xf32, #tpu.memory_space<hbm>>) target(%dma_start3A_305 : memref<128x128xf32, #tpu.memory_space<vmem>>) offsets(%dma_start3A_308 : memref<128xi32, #tpu.memory_space<vmem>>) semaphore(%arg11 : memref<!tpu.dma_semaphore, #tpu.memory_space<semaphore_mem>>)
      } else {
      }
    }
    %barrier3A_235 = arith.constant 0 : index
    tpu.barrier barrier_id(%barrier3A_235)
    %mul3A_236 = arith.constant 640 : i32
    %mul3A_237 = arith.muli %arg1, %mul3A_236 : i32
    %mul3A_238 = arith.constant 640 : i32
    %mul3A_239 = arith.muli %arg1, %mul3A_238 : i32
    "tpu.region"() ({
      %run_scoped3A = tpu.sem_alloc : memref<!tpu.dma_semaphore, #tpu.memory_space<semaphore_mem>>
      %dma_start3A_240 = arith.constant 0 : i32
      %dma_start3A_241 = tpu.memref_slice %arg6[%arg0, %mul3A_239, %dma_start3A_240] : memref<2x10240x128xf32, #tpu.memory_space<hbm>> -> memref<1x640x128xf32, #tpu.memory_space<hbm>>
      %dma_start3A_242 = tpu.memref_squeeze %dma_start3A_241 : memref<1x640x128xf32, #tpu.memory_space<hbm>> -> memref<640x128xf32, #tpu.memory_space<hbm>>
      %dma_start3A_243 = arith.constant 0 : i32
      %dma_start3A_244 = tpu.memref_slice %arg10[%mul3A_237, %dma_start3A_243] : memref<10240x128xf32, #tpu.memory_space<vmem_shared>> -> memref<640x128xf32, #tpu.memory_space<vmem_shared>>
      tpu.enqueue_dma source(%dma_start3A_244 : memref<640x128xf32, #tpu.memory_space<vmem_shared>>) target(%dma_start3A_242 : memref<640x128xf32, #tpu.memory_space<hbm>>) target_semaphore(%run_scoped3A : memref<!tpu.dma_semaphore, #tpu.memory_space<semaphore_mem>>)
      %dma_wait3A_245 = arith.constant 0 : i32
      %dma_wait3A_246 = tpu.memref_slice %arg6[%arg0, %mul3A_239, %dma_wait3A_245] : memref<2x10240x128xf32, #tpu.memory_space<hbm>> -> memref<1x640x128xf32, #tpu.memory_space<hbm>>
      %dma_wait3A_247 = tpu.memref_squeeze %dma_wait3A_246 : memref<1x640x128xf32, #tpu.memory_space<hbm>> -> memref<640x128xf32, #tpu.memory_space<hbm>>
      %dma_wait3A_248 = arith.constant 0 : i32
      %dma_wait3A_249 = tpu.memref_slice %arg10[%mul3A_237, %dma_wait3A_248] : memref<10240x128xf32, #tpu.memory_space<vmem_shared>> -> memref<640x128xf32, #tpu.memory_space<vmem_shared>>
      tpu.wait_dma2 semaphore(%run_scoped3A : memref<!tpu.dma_semaphore, #tpu.memory_space<semaphore_mem>>) src(%dma_wait3A_249 : memref<640x128xf32, #tpu.memory_space<vmem_shared>>) dst(%dma_wait3A_247 : memref<640x128xf32, #tpu.memory_space<hbm>>)
      tpu.yield
    }) : () -> ()
    return
  }
}

module attributes {stable_mosaic.version = 14 : i64} {
  func.func @_mm2_body(%arg0: i32, %arg1: memref<512x128xf32, #tpu.memory_space<vmem>>, %arg2: memref<128x128xf32, #tpu.memory_space<vmem>>, %arg3: memref<1x128xf32, #tpu.memory_space<vmem>>, %arg4: memref<128x128xf32, #tpu.memory_space<vmem>>, %arg5: memref<1x128xf32, #tpu.memory_space<vmem>>, %arg6: memref<512x1xf32, #tpu.memory_space<vmem>>, %arg7: memref<512x1xf32, #tpu.memory_space<vmem>>, %arg8: memref<512x128xf32, #tpu.memory_space<vmem>>, %arg9: memref<512x128xf32, #tpu.memory_space<vmem>>) attributes {dimension_semantics = [#tpu.dimension_semantics<arbitrary>], iteration_bounds = array<i64: 20>, scalar_prefetch = 0 : i64, scratch_operands = 0 : i64, tpu.core_type = #tpu.core_type<tc>, window_params = [{transform_indices = @transform_0, window_bounds = array<i64: 512, 128>}, {pipeline_mode = #tpu.pipeline_mode<synchronous>, transform_indices = @transform_1, window_bounds = array<i64: 128, 128>}, {pipeline_mode = #tpu.pipeline_mode<synchronous>, transform_indices = @transform_2, window_bounds = array<i64: 1, 128>}, {pipeline_mode = #tpu.pipeline_mode<synchronous>, transform_indices = @transform_3, window_bounds = array<i64: 128, 128>}, {pipeline_mode = #tpu.pipeline_mode<synchronous>, transform_indices = @transform_4, window_bounds = array<i64: 1, 128>}, {transform_indices = @transform_5, window_bounds = array<i64: 512, 1>}, {transform_indices = @transform_6, window_bounds = array<i64: 512, 1>}, {transform_indices = @transform_7, window_bounds = array<i64: 512, 128>}, {transform_indices = @transform_8, window_bounds = array<i64: 512, 128>}]} {
    %get3A = arith.constant 0 : index
    %get3A_0 = arith.constant 0 : index
    %get3A_1 = vector.load %arg1[%get3A, %get3A_0] : memref<512x128xf32, #tpu.memory_space<vmem>>, vector<512x128xf32>
    %get3A_2 = arith.constant 0 : index
    %get3A_3 = arith.constant 0 : index
    %get3A_4 = vector.load %arg2[%get3A_2, %get3A_3] : memref<128x128xf32, #tpu.memory_space<vmem>>, vector<128x128xf32>
    %dot_general3A = arith.constant dense<0.000000e+00> : vector<512x128xf32>
    %dot_general3A_5 = tpu.matmul %get3A_1, %get3A_4, %dot_general3A {dimension_numbers = #tpu.dot_dimension_numbers<[1], [0], [0], [1], [0, 0, 1, 1], [], []>, transpose_lhs_hint = false} : vector<512x128xf32>, vector<128x128xf32>, vector<512x128xf32> -> vector<512x128xf32>
    %get3A_6 = arith.constant 0 : index
    %get3A_7 = arith.constant 0 : index
    %get3A_8 = vector.load %arg3[%get3A_6, %get3A_7] : memref<1x128xf32, #tpu.memory_space<vmem>>, vector<1x128xf32>
    %add3A = vector.broadcast %get3A_8 : vector<1x128xf32> to vector<512x128xf32>
    %add3A_9 = arith.addf %dot_general3A_5, %add3A : vector<512x128xf32>
    %swap3A = arith.constant 0 : index
    %swap3A_10 = arith.constant 0 : index
    %swap3A_11 = vector.load %arg8[%swap3A, %swap3A_10] : memref<512x128xf32, #tpu.memory_space<vmem>>, vector<512x128xf32>
    tpu.vector_store %arg8[%swap3A, %swap3A_10], %add3A_9 {strides = array<i32>} : memref<512x128xf32, #tpu.memory_space<vmem>>, vector<512x128xf32>,
    %get3A_12 = arith.constant 0 : index
    %get3A_13 = arith.constant 0 : index
    %get3A_14 = vector.load %arg6[%get3A_12, %get3A_13] : memref<512x1xf32, #tpu.memory_space<vmem>>, vector<512x1xf32>
    %get3A_15 = arith.constant 0 : index
    %get3A_16 = arith.constant 0 : index
    %get3A_17 = vector.load %arg7[%get3A_15, %get3A_16] : memref<512x1xf32, #tpu.memory_space<vmem>>, vector<512x1xf32>
    %add3A_18 = arith.addf %get3A_14, %get3A_17 : vector<512x1xf32>
    %add3A_19 = arith.constant 1.000000e+00 : f32
    %add3A_20 = vector.broadcast %add3A_19 : f32 to vector<512x1xf32>
    %add3A_21 = arith.addf %add3A_18, %add3A_20 : vector<512x1xf32>
    %rsqrt3A = math.rsqrt %add3A_21 : vector<512x1xf32>
    %get3A_22 = arith.constant 0 : index
    %get3A_23 = arith.constant 0 : index
    %get3A_24 = vector.load %arg4[%get3A_22, %get3A_23] : memref<128x128xf32, #tpu.memory_space<vmem>>, vector<128x128xf32>
    %dot_general3A_25 = arith.constant dense<0.000000e+00> : vector<512x128xf32>
    %dot_general3A_26 = tpu.matmul %add3A_9, %get3A_24, %dot_general3A_25 {dimension_numbers = #tpu.dot_dimension_numbers<[1], [0], [0], [1], [0, 0, 1, 1], [], []>, transpose_lhs_hint = false} : vector<512x128xf32>, vector<128x128xf32>, vector<512x128xf32> -> vector<512x128xf32>
    %get3A_27 = arith.constant 0 : index
    %get3A_28 = arith.constant 0 : index
    %get3A_29 = vector.load %arg5[%get3A_27, %get3A_28] : memref<1x128xf32, #tpu.memory_space<vmem>>, vector<1x128xf32>
    %add3A_30 = vector.broadcast %get3A_29 : vector<1x128xf32> to vector<512x128xf32>
    %add3A_31 = arith.addf %dot_general3A_26, %add3A_30 : vector<512x128xf32>
    %mul3A = vector.broadcast %rsqrt3A : vector<512x1xf32> to vector<512x128xf32>
    %mul3A_32 = arith.mulf %add3A_31, %mul3A : vector<512x128xf32>
    %swap3A_33 = arith.constant 0 : index
    %swap3A_34 = arith.constant 0 : index
    %swap3A_35 = vector.load %arg9[%swap3A_33, %swap3A_34] : memref<512x128xf32, #tpu.memory_space<vmem>>, vector<512x128xf32>
    tpu.vector_store %arg9[%swap3A_33, %swap3A_34], %mul3A_32 {strides = array<i32>} : memref<512x128xf32, #tpu.memory_space<vmem>>, vector<512x128xf32>,
    return
  }
  func.func @transform_0(%arg0: i32) -> (i32, i32) {
    %c0_i32 = arith.constant 0 : i32
    %c0_i32_0 = arith.constant 0 : i32
    return %arg0, %c0_i32 : i32, i32
  }
  func.func @transform_1(%arg0: i32) -> (i32, i32) {
    %c0_i32 = arith.constant 0 : i32
    %c0_i32_0 = arith.constant 0 : i32
    %c0_i32_1 = arith.constant 0 : i32
    return %c0_i32, %c0_i32_0 : i32, i32
  }
  func.func @transform_2(%arg0: i32) -> (i32, i32) {
    %c0_i32 = arith.constant 0 : i32
    %c0_i32_0 = arith.constant 0 : i32
    %c0_i32_1 = arith.constant 0 : i32
    return %c0_i32, %c0_i32_0 : i32, i32
  }
  func.func @transform_3(%arg0: i32) -> (i32, i32) {
    %c0_i32 = arith.constant 0 : i32
    %c0_i32_0 = arith.constant 0 : i32
    %c0_i32_1 = arith.constant 0 : i32
    return %c0_i32, %c0_i32_0 : i32, i32
  }
  func.func @transform_4(%arg0: i32) -> (i32, i32) {
    %c0_i32 = arith.constant 0 : i32
    %c0_i32_0 = arith.constant 0 : i32
    %c0_i32_1 = arith.constant 0 : i32
    return %c0_i32, %c0_i32_0 : i32, i32
  }
  func.func @transform_5(%arg0: i32) -> (i32, i32) {
    %c0_i32 = arith.constant 0 : i32
    %c0_i32_0 = arith.constant 0 : i32
    return %arg0, %c0_i32 : i32, i32
  }
  func.func @transform_6(%arg0: i32) -> (i32, i32) {
    %c0_i32 = arith.constant 0 : i32
    %c0_i32_0 = arith.constant 0 : i32
    return %arg0, %c0_i32 : i32, i32
  }
  func.func @transform_7(%arg0: i32) -> (i32, i32) {
    %c0_i32 = arith.constant 0 : i32
    %c0_i32_0 = arith.constant 0 : i32
    return %arg0, %c0_i32 : i32, i32
  }
  func.func @transform_8(%arg0: i32) -> (i32, i32) {
    %c0_i32 = arith.constant 0 : i32
    %c0_i32_0 = arith.constant 0 : i32
    return %arg0, %c0_i32 : i32, i32
  }
}

module attributes {stable_mosaic.version = 14 : i64} {
  func.func @_combine_body(%arg0: i32, %arg1: memref<512x128xf32, #tpu.memory_space<vmem>>, %arg2: memref<512x128xf32, #tpu.memory_space<vmem>>, %arg3: memref<512x128xf32, #tpu.memory_space<vmem>>, %arg4: memref<512x128xf32, #tpu.memory_space<vmem>>, %arg5: memref<512x1xf32, #tpu.memory_space<vmem>>, %arg6: memref<512x1xf32, #tpu.memory_space<vmem>>, %arg7: memref<128x128xf32, #tpu.memory_space<vmem>>, %arg8: memref<1x128xf32, #tpu.memory_space<vmem>>, %arg9: memref<512x128xf32, #tpu.memory_space<vmem>>, %arg10: memref<512x128xf32, #tpu.memory_space<vmem>>) attributes {dimension_semantics = [#tpu.dimension_semantics<arbitrary>], iteration_bounds = array<i64: 20>, scalar_prefetch = 0 : i64, scratch_operands = 0 : i64, tpu.core_type = #tpu.core_type<tc>, window_params = [{transform_indices = @transform_0, window_bounds = array<i64: 512, 128>}, {transform_indices = @transform_1, window_bounds = array<i64: 512, 128>}, {transform_indices = @transform_2, window_bounds = array<i64: 512, 128>}, {transform_indices = @transform_3, window_bounds = array<i64: 512, 128>}, {transform_indices = @transform_4, window_bounds = array<i64: 512, 1>}, {transform_indices = @transform_5, window_bounds = array<i64: 512, 1>}, {pipeline_mode = #tpu.pipeline_mode<synchronous>, transform_indices = @transform_6, window_bounds = array<i64: 128, 128>}, {pipeline_mode = #tpu.pipeline_mode<synchronous>, transform_indices = @transform_7, window_bounds = array<i64: 1, 128>}, {transform_indices = @transform_8, window_bounds = array<i64: 512, 128>}, {transform_indices = @transform_9, window_bounds = array<i64: 512, 128>}]} {
    %get3A = arith.constant 0 : index
    %get3A_0 = arith.constant 0 : index
    %get3A_1 = vector.load %arg5[%get3A, %get3A_0] : memref<512x1xf32, #tpu.memory_space<vmem>>, vector<512x1xf32>
    %get3A_2 = arith.constant 0 : index
    %get3A_3 = arith.constant 0 : index
    %get3A_4 = vector.load %arg6[%get3A_2, %get3A_3] : memref<512x1xf32, #tpu.memory_space<vmem>>, vector<512x1xf32>
    %add3A = arith.addf %get3A_1, %get3A_4 : vector<512x1xf32>
    %add3A_5 = arith.constant 1.000000e+00 : f32
    %add3A_6 = vector.broadcast %add3A_5 : f32 to vector<512x1xf32>
    %add3A_7 = arith.addf %add3A, %add3A_6 : vector<512x1xf32>
    %rsqrt3A = math.rsqrt %add3A_7 : vector<512x1xf32>
    %get3A_8 = arith.constant 0 : index
    %get3A_9 = arith.constant 0 : index
    %get3A_10 = vector.load %arg1[%get3A_8, %get3A_9] : memref<512x128xf32, #tpu.memory_space<vmem>>, vector<512x128xf32>
    %get3A_11 = arith.constant 0 : index
    %get3A_12 = arith.constant 0 : index
    %get3A_13 = vector.load %arg2[%get3A_11, %get3A_12] : memref<512x128xf32, #tpu.memory_space<vmem>>, vector<512x128xf32>
    %add3A_14 = arith.addf %get3A_10, %get3A_13 : vector<512x128xf32>
    %get3A_15 = arith.constant 0 : index
    %get3A_16 = arith.constant 0 : index
    %get3A_17 = vector.load %arg3[%get3A_15, %get3A_16] : memref<512x128xf32, #tpu.memory_space<vmem>>, vector<512x128xf32>
    %add3A_18 = arith.addf %add3A_14, %get3A_17 : vector<512x128xf32>
    %mul3A = vector.broadcast %rsqrt3A : vector<512x1xf32> to vector<512x128xf32>
    %mul3A_19 = arith.mulf %add3A_18, %mul3A : vector<512x128xf32>
    %max3A = arith.constant 0.000000e+00 : f32
    %max3A_20 = vector.broadcast %max3A : f32 to vector<512x128xf32>
    %max3A_21 = arith.maximumf %mul3A_19, %max3A_20 : vector<512x128xf32>
    %get3A_22 = arith.constant 0 : index
    %get3A_23 = arith.constant 0 : index
    %get3A_24 = vector.load %arg4[%get3A_22, %get3A_23] : memref<512x128xf32, #tpu.memory_space<vmem>>, vector<512x128xf32>
    %add3A_25 = arith.addf %max3A_21, %get3A_24 : vector<512x128xf32>
    %swap3A = arith.constant 0 : index
    %swap3A_26 = arith.constant 0 : index
    %swap3A_27 = vector.load %arg9[%swap3A, %swap3A_26] : memref<512x128xf32, #tpu.memory_space<vmem>>, vector<512x128xf32>
    tpu.vector_store %arg9[%swap3A, %swap3A_26], %add3A_25 {strides = array<i32>} : memref<512x128xf32, #tpu.memory_space<vmem>>, vector<512x128xf32>,
    %get3A_28 = arith.constant 0 : index
    %get3A_29 = arith.constant 0 : index
    %get3A_30 = vector.load %arg7[%get3A_28, %get3A_29] : memref<128x128xf32, #tpu.memory_space<vmem>>, vector<128x128xf32>
    %dot_general3A = arith.constant dense<0.000000e+00> : vector<512x128xf32>
    %dot_general3A_31 = tpu.matmul %add3A_25, %get3A_30, %dot_general3A {dimension_numbers = #tpu.dot_dimension_numbers<[1], [0], [0], [1], [0, 0, 1, 1], [], []>, transpose_lhs_hint = false} : vector<512x128xf32>, vector<128x128xf32>, vector<512x128xf32> -> vector<512x128xf32>
    %get3A_32 = arith.constant 0 : index
    %get3A_33 = arith.constant 0 : index
    %get3A_34 = vector.load %arg8[%get3A_32, %get3A_33] : memref<1x128xf32, #tpu.memory_space<vmem>>, vector<1x128xf32>
    %add3A_35 = vector.broadcast %get3A_34 : vector<1x128xf32> to vector<512x128xf32>
    %add3A_36 = arith.addf %dot_general3A_31, %add3A_35 : vector<512x128xf32>
    %mul3A_37 = vector.broadcast %rsqrt3A : vector<512x1xf32> to vector<512x128xf32>
    %mul3A_38 = arith.mulf %add3A_36, %mul3A_37 : vector<512x128xf32>
    %swap3A_39 = arith.constant 0 : index
    %swap3A_40 = arith.constant 0 : index
    %swap3A_41 = vector.load %arg10[%swap3A_39, %swap3A_40] : memref<512x128xf32, #tpu.memory_space<vmem>>, vector<512x128xf32>
    tpu.vector_store %arg10[%swap3A_39, %swap3A_40], %mul3A_38 {strides = array<i32>} : memref<512x128xf32, #tpu.memory_space<vmem>>, vector<512x128xf32>,
    return
  }
  func.func @transform_0(%arg0: i32) -> (i32, i32) {
    %c0_i32 = arith.constant 0 : i32
    %c0_i32_0 = arith.constant 0 : i32
    return %arg0, %c0_i32 : i32, i32
  }
  func.func @transform_1(%arg0: i32) -> (i32, i32) {
    %c0_i32 = arith.constant 0 : i32
    %c0_i32_0 = arith.constant 0 : i32
    return %arg0, %c0_i32 : i32, i32
  }
  func.func @transform_2(%arg0: i32) -> (i32, i32) {
    %c0_i32 = arith.constant 0 : i32
    %c0_i32_0 = arith.constant 0 : i32
    return %arg0, %c0_i32 : i32, i32
  }
  func.func @transform_3(%arg0: i32) -> (i32, i32) {
    %c0_i32 = arith.constant 0 : i32
    %c0_i32_0 = arith.constant 0 : i32
    return %arg0, %c0_i32 : i32, i32
  }
  func.func @transform_4(%arg0: i32) -> (i32, i32) {
    %c0_i32 = arith.constant 0 : i32
    %c0_i32_0 = arith.constant 0 : i32
    return %arg0, %c0_i32 : i32, i32
  }
  func.func @transform_5(%arg0: i32) -> (i32, i32) {
    %c0_i32 = arith.constant 0 : i32
    %c0_i32_0 = arith.constant 0 : i32
    return %arg0, %c0_i32 : i32, i32
  }
  func.func @transform_6(%arg0: i32) -> (i32, i32) {
    %c0_i32 = arith.constant 0 : i32
    %c0_i32_0 = arith.constant 0 : i32
    %c0_i32_1 = arith.constant 0 : i32
    return %c0_i32, %c0_i32_0 : i32, i32
  }
  func.func @transform_7(%arg0: i32) -> (i32, i32) {
    %c0_i32 = arith.constant 0 : i32
    %c0_i32_0 = arith.constant 0 : i32
    %c0_i32_1 = arith.constant 0 : i32
    return %c0_i32, %c0_i32_0 : i32, i32
  }
  func.func @transform_8(%arg0: i32) -> (i32, i32) {
    %c0_i32 = arith.constant 0 : i32
    %c0_i32_0 = arith.constant 0 : i32
    return %arg0, %c0_i32 : i32, i32
  }
  func.func @transform_9(%arg0: i32) -> (i32, i32) {
    %c0_i32 = arith.constant 0 : i32
    %c0_i32_0 = arith.constant 0 : i32
    return %arg0, %c0_i32 : i32, i32
  }
}

module attributes {stable_mosaic.version = 14 : i64} {
  func.func @_final_body(%arg0: i32, %arg1: memref<512x128xf32, #tpu.memory_space<vmem>>, %arg2: memref<512x128xf32, #tpu.memory_space<vmem>>, %arg3: memref<512x128xf32, #tpu.memory_space<vmem>>, %arg4: memref<512x128xf32, #tpu.memory_space<vmem>>, %arg5: memref<512x1xf32, #tpu.memory_space<vmem>>, %arg6: memref<512x1xf32, #tpu.memory_space<vmem>>, %arg7: memref<1x1x512xi32, #tpu.memory_space<vmem>>, %arg8: memref<128x256xf32, #tpu.memory_space<vmem>>, %arg9: memref<1x256xf32, #tpu.memory_space<vmem>>, %arg10: memref<256x1xf32, #tpu.memory_space<vmem>>, %arg11: memref<1x1xf32, #tpu.memory_space<vmem>>, %arg12: memref<16x1xf32, #tpu.memory_space<vmem>>, %arg13: memref<16x128xf32, #tpu.memory_space<vmem>>, %arg14: memref<16x128xf32, #tpu.memory_space<vmem>>) attributes {dimension_semantics = [#tpu.dimension_semantics<arbitrary>], iteration_bounds = array<i64: 20>, scalar_prefetch = 0 : i64, scratch_operands = 2 : i64, tpu.core_type = #tpu.core_type<tc>, window_params = [{transform_indices = @transform_0, window_bounds = array<i64: 512, 128>}, {transform_indices = @transform_1, window_bounds = array<i64: 512, 128>}, {transform_indices = @transform_2, window_bounds = array<i64: 512, 128>}, {transform_indices = @transform_3, window_bounds = array<i64: 512, 128>}, {transform_indices = @transform_4, window_bounds = array<i64: 512, 1>}, {transform_indices = @transform_5, window_bounds = array<i64: 512, 1>}, {transform_indices = @transform_6, window_bounds = array<i64: 1, 1, 512>}, {pipeline_mode = #tpu.pipeline_mode<synchronous>, transform_indices = @transform_7, window_bounds = array<i64: 128, 256>}, {pipeline_mode = #tpu.pipeline_mode<synchronous>, transform_indices = @transform_8, window_bounds = array<i64: 1, 256>}, {pipeline_mode = #tpu.pipeline_mode<synchronous>, transform_indices = @transform_9, window_bounds = array<i64: 256, 1>}, {pipeline_mode = #tpu.pipeline_mode<synchronous>, transform_indices = @transform_10, window_bounds = array<i64: 1, 1>}, {pipeline_mode = #tpu.pipeline_mode<synchronous>, transform_indices = @transform_11, window_bounds = array<i64: 16, 1>}]} {
    %eq3A = arith.constant 0 : i32
    %eq3A_0 = arith.cmpi eq, %arg0, %eq3A : i32
    %convert_element_type3A = arith.extui %eq3A_0 : i1 to i32
    %cond3A = arith.constant 0 : i32
    %cond3A_1 = arith.cmpi ne, %convert_element_type3A, %cond3A : i32
    scf.if %cond3A_1 {
      %broadcast_in_dim3A_60 = arith.constant 0.000000e+00 : f32
      %broadcast_in_dim3A_61 = vector.broadcast %broadcast_in_dim3A_60 : f32 to vector<16x128xf32>
      %swap3A_62 = arith.constant 0 : index
      %swap3A_63 = arith.constant 0 : index
      %swap3A_64 = vector.load %arg13[%swap3A_62, %swap3A_63] : memref<16x128xf32, #tpu.memory_space<vmem>>, vector<16x128xf32>
      tpu.vector_store %arg13[%swap3A_62, %swap3A_63], %broadcast_in_dim3A_61 {strides = array<i32>} : memref<16x128xf32, #tpu.memory_space<vmem>>, vector<16x128xf32>,
      %broadcast_in_dim3A_65 = arith.constant 0.000000e+00 : f32
      %broadcast_in_dim3A_66 = vector.broadcast %broadcast_in_dim3A_65 : f32 to vector<16x128xf32>
      %swap3A_67 = arith.constant 0 : index
      %swap3A_68 = arith.constant 0 : index
      %swap3A_69 = vector.load %arg14[%swap3A_67, %swap3A_68] : memref<16x128xf32, #tpu.memory_space<vmem>>, vector<16x128xf32>
      tpu.vector_store %arg14[%swap3A_67, %swap3A_68], %broadcast_in_dim3A_66 {strides = array<i32>} : memref<16x128xf32, #tpu.memory_space<vmem>>, vector<16x128xf32>,
    } else {
    }
    %get3A = arith.constant 0 : index
    %get3A_2 = arith.constant 0 : index
    %get3A_3 = vector.load %arg5[%get3A, %get3A_2] : memref<512x1xf32, #tpu.memory_space<vmem>>, vector<512x1xf32>
    %get3A_4 = arith.constant 0 : index
    %get3A_5 = arith.constant 0 : index
    %get3A_6 = vector.load %arg6[%get3A_4, %get3A_5] : memref<512x1xf32, #tpu.memory_space<vmem>>, vector<512x1xf32>
    %add3A = arith.addf %get3A_3, %get3A_6 : vector<512x1xf32>
    %add3A_7 = arith.constant 1.000000e+00 : f32
    %add3A_8 = vector.broadcast %add3A_7 : f32 to vector<512x1xf32>
    %add3A_9 = arith.addf %add3A, %add3A_8 : vector<512x1xf32>
    %rsqrt3A = math.rsqrt %add3A_9 : vector<512x1xf32>
    %get3A_10 = arith.constant 0 : index
    %get3A_11 = arith.constant 0 : index
    %get3A_12 = vector.load %arg1[%get3A_10, %get3A_11] : memref<512x128xf32, #tpu.memory_space<vmem>>, vector<512x128xf32>
    %get3A_13 = arith.constant 0 : index
    %get3A_14 = arith.constant 0 : index
    %get3A_15 = vector.load %arg2[%get3A_13, %get3A_14] : memref<512x128xf32, #tpu.memory_space<vmem>>, vector<512x128xf32>
    %add3A_16 = arith.addf %get3A_12, %get3A_15 : vector<512x128xf32>
    %get3A_17 = arith.constant 0 : index
    %get3A_18 = arith.constant 0 : index
    %get3A_19 = vector.load %arg3[%get3A_17, %get3A_18] : memref<512x128xf32, #tpu.memory_space<vmem>>, vector<512x128xf32>
    %add3A_20 = arith.addf %add3A_16, %get3A_19 : vector<512x128xf32>
    %mul3A = vector.broadcast %rsqrt3A : vector<512x1xf32> to vector<512x128xf32>
    %mul3A_21 = arith.mulf %add3A_20, %mul3A : vector<512x128xf32>
    %max3A = arith.constant 0.000000e+00 : f32
    %max3A_22 = vector.broadcast %max3A : f32 to vector<512x128xf32>
    %max3A_23 = arith.maximumf %mul3A_21, %max3A_22 : vector<512x128xf32>
    %get3A_24 = arith.constant 0 : index
    %get3A_25 = arith.constant 0 : index
    %get3A_26 = vector.load %arg4[%get3A_24, %get3A_25] : memref<512x128xf32, #tpu.memory_space<vmem>>, vector<512x128xf32>
    %add3A_27 = arith.addf %max3A_23, %get3A_26 : vector<512x128xf32>
    %iota3A = tpu.iota {dimensions = array<i32: 0>} : vector<16x512xi32>
    %get3A_28 = arith.constant 0 : index
    %get3A_29 = arith.constant 0 : index
    %get3A_30 = arith.constant 0 : index
    %get3A_31 = vector.load %arg7[%get3A_28, %get3A_29, %get3A_30] : memref<1x1x512xi32, #tpu.memory_space<vmem>>, vector<1x1x512xi32>
    %get3A_32 = vector.shape_cast %get3A_31 : vector<1x1x512xi32> to vector<1x512xi32>
    %eq3A_33 = vector.broadcast %get3A_32 : vector<1x512xi32> to vector<16x512xi32>
    %eq3A_34 = arith.cmpi eq, %eq3A_33, %iota3A : vector<16x512xi32>
    %jit3A = arith.constant 1.000000e+00 : f32
    %jit3A_35 = arith.constant 0.000000e+00 : f32
    %broadcast_in_dim3A = vector.broadcast %jit3A : f32 to vector<16x512xf32>
    %broadcast_in_dim3A_36 = vector.broadcast %jit3A_35 : f32 to vector<16x512xf32>
    %select_n3A = arith.select %eq3A_34, %broadcast_in_dim3A, %broadcast_in_dim3A_36 : vector<16x512xi1>, vector<16x512xf32>
    %get3A_37 = arith.constant 0 : index
    %get3A_38 = arith.constant 0 : index
    %get3A_39 = vector.load %arg13[%get3A_37, %get3A_38] : memref<16x128xf32, #tpu.memory_space<vmem>>, vector<16x128xf32>
    %dot_general3A = arith.constant dense<0.000000e+00> : vector<16x128xf32>
    %dot_general3A_40 = tpu.matmul %select_n3A, %add3A_27, %dot_general3A {dimension_numbers = #tpu.dot_dimension_numbers<[1], [0], [0], [1], [0, 0, 1, 1], [], []>, transpose_lhs_hint = false} : vector<16x512xf32>, vector<512x128xf32>, vector<16x128xf32> -> vector<16x128xf32>
    %add3A_41 = arith.addf %get3A_39, %dot_general3A_40 : vector<16x128xf32>
    %swap3A = arith.constant 0 : index
    %swap3A_42 = arith.constant 0 : index
    %swap3A_43 = vector.load %arg13[%swap3A, %swap3A_42] : memref<16x128xf32, #tpu.memory_space<vmem>>, vector<16x128xf32>
    tpu.vector_store %arg13[%swap3A, %swap3A_42], %add3A_41 {strides = array<i32>} : memref<16x128xf32, #tpu.memory_space<vmem>>, vector<16x128xf32>,
    %get3A_44 = arith.constant 0 : index
    %get3A_45 = arith.constant 0 : index
    %get3A_46 = vector.load %arg14[%get3A_44, %get3A_45] : memref<16x128xf32, #tpu.memory_space<vmem>>, vector<16x128xf32>
    %broadcast_in_dim3A_47 = arith.constant 1.000000e+00 : f32
    %broadcast_in_dim3A_48 = vector.broadcast %broadcast_in_dim3A_47 : f32 to vector<512x128xf32>
    %dot_general3A_49 = arith.constant dense<0.000000e+00> : vector<16x128xf32>
    %dot_general3A_50 = tpu.matmul %select_n3A, %broadcast_in_dim3A_48, %dot_general3A_49 {dimension_numbers = #tpu.dot_dimension_numbers<[1], [0], [0], [1], [0, 0, 1, 1], [], []>, transpose_lhs_hint = false} : vector<16x512xf32>, vector<512x128xf32>, vector<16x128xf32> -> vector<16x128xf32>
    %add3A_51 = arith.addf %get3A_46, %dot_general3A_50 : vector<16x128xf32>
    %swap3A_52 = arith.constant 0 : index
    %swap3A_53 = arith.constant 0 : index
    %swap3A_54 = vector.load %arg14[%swap3A_52, %swap3A_53] : memref<16x128xf32, #tpu.memory_space<vmem>>, vector<16x128xf32>
    tpu.vector_store %arg14[%swap3A_52, %swap3A_53], %add3A_51 {strides = array<i32>} : memref<16x128xf32, #tpu.memory_space<vmem>>, vector<16x128xf32>,
    %eq3A_55 = arith.constant 19 : i32
    %eq3A_56 = arith.cmpi eq, %arg0, %eq3A_55 : i32
    %convert_element_type3A_57 = arith.extui %eq3A_56 : i1 to i32
    %cond3A_58 = arith.constant 0 : i32
    %cond3A_59 = arith.cmpi ne, %convert_element_type3A_57, %cond3A_58 : i32
    scf.if %cond3A_59 {
      %get3A_60 = arith.constant 0 : index
      %get3A_61 = arith.constant 0 : index
      %get3A_62 = vector.load %arg13[%get3A_60, %get3A_61] : memref<16x128xf32, #tpu.memory_space<vmem>>, vector<16x128xf32>
      %get3A_63 = arith.constant 0 : index
      %get3A_64 = arith.constant 0 : index
      %get3A_65 = vector.load %arg14[%get3A_63, %get3A_64] : memref<16x128xf32, #tpu.memory_space<vmem>>, vector<16x128xf32>
      %max3A_66 = arith.constant 1.000000e+00 : f32
      %max3A_67 = vector.broadcast %max3A_66 : f32 to vector<16x128xf32>
      %max3A_68 = arith.maximumf %get3A_65, %max3A_67 : vector<16x128xf32>
      %div3A = arith.divf %get3A_62, %max3A_68 : vector<16x128xf32>
      %get3A_69 = arith.constant 0 : index
      %get3A_70 = arith.constant 0 : index
      %get3A_71 = vector.load %arg8[%get3A_69, %get3A_70] : memref<128x256xf32, #tpu.memory_space<vmem>>, vector<128x256xf32>
      %dot_general3A_72 = arith.constant dense<0.000000e+00> : vector<16x256xf32>
      %dot_general3A_73 = tpu.matmul %div3A, %get3A_71, %dot_general3A_72 {dimension_numbers = #tpu.dot_dimension_numbers<[1], [0], [0], [1], [0, 0, 1, 1], [], []>, transpose_lhs_hint = false} : vector<16x128xf32>, vector<128x256xf32>, vector<16x256xf32> -> vector<16x256xf32>
      %get3A_74 = arith.constant 0 : index
      %get3A_75 = arith.constant 0 : index
      %get3A_76 = vector.load %arg9[%get3A_74, %get3A_75] : memref<1x256xf32, #tpu.memory_space<vmem>>, vector<1x256xf32>
      %add3A_77 = vector.broadcast %get3A_76 : vector<1x256xf32> to vector<16x256xf32>
      %add3A_78 = arith.addf %dot_general3A_73, %add3A_77 : vector<16x256xf32>
      %max3A_79 = arith.constant 0.000000e+00 : f32
      %max3A_80 = vector.broadcast %max3A_79 : f32 to vector<16x256xf32>
      %max3A_81 = arith.maximumf %add3A_78, %max3A_80 : vector<16x256xf32>
      %get3A_82 = arith.constant 0 : index
      %get3A_83 = arith.constant 0 : index
      %get3A_84 = vector.load %arg10[%get3A_82, %get3A_83] : memref<256x1xf32, #tpu.memory_space<vmem>>, vector<256x1xf32>
      %dot_general3A_85 = arith.constant dense<0.000000e+00> : vector<16x1xf32>
      %dot_general3A_86 = tpu.matmul %max3A_81, %get3A_84, %dot_general3A_85 {dimension_numbers = #tpu.dot_dimension_numbers<[1], [0], [0], [1], [0, 0, 1, 1], [], []>, transpose_lhs_hint = false} : vector<16x256xf32>, vector<256x1xf32>, vector<16x1xf32> -> vector<16x1xf32>
      %get3A_87 = arith.constant 0 : index
      %get3A_88 = arith.constant 0 : index
      %get3A_89 = vector.load %arg11[%get3A_87, %get3A_88] : memref<1x1xf32, #tpu.memory_space<vmem>>, vector<1x1xf32>
      %add3A_90 = vector.broadcast %get3A_89 : vector<1x1xf32> to vector<16x1xf32>
      %add3A_91 = arith.addf %dot_general3A_86, %add3A_90 : vector<16x1xf32>
      %swap3A_92 = arith.constant 0 : index
      %swap3A_93 = arith.constant 0 : index
      %swap3A_94 = vector.load %arg12[%swap3A_92, %swap3A_93] : memref<16x1xf32, #tpu.memory_space<vmem>>, vector<16x1xf32>
      tpu.vector_store %arg12[%swap3A_92, %swap3A_93], %add3A_91 {strides = array<i32>} : memref<16x1xf32, #tpu.memory_space<vmem>>, vector<16x1xf32>,
    } else {
    }
    return
  }
  func.func @transform_0(%arg0: i32) -> (i32, i32) {
    %c0_i32 = arith.constant 0 : i32
    %c0_i32_0 = arith.constant 0 : i32
    return %arg0, %c0_i32 : i32, i32
  }
  func.func @transform_1(%arg0: i32) -> (i32, i32) {
    %c0_i32 = arith.constant 0 : i32
    %c0_i32_0 = arith.constant 0 : i32
    return %arg0, %c0_i32 : i32, i32
  }
  func.func @transform_2(%arg0: i32) -> (i32, i32) {
    %c0_i32 = arith.constant 0 : i32
    %c0_i32_0 = arith.constant 0 : i32
    return %arg0, %c0_i32 : i32, i32
  }
  func.func @transform_3(%arg0: i32) -> (i32, i32) {
    %c0_i32 = arith.constant 0 : i32
    %c0_i32_0 = arith.constant 0 : i32
    return %arg0, %c0_i32 : i32, i32
  }
  func.func @transform_4(%arg0: i32) -> (i32, i32) {
    %c0_i32 = arith.constant 0 : i32
    %c0_i32_0 = arith.constant 0 : i32
    return %arg0, %c0_i32 : i32, i32
  }
  func.func @transform_5(%arg0: i32) -> (i32, i32) {
    %c0_i32 = arith.constant 0 : i32
    %c0_i32_0 = arith.constant 0 : i32
    return %arg0, %c0_i32 : i32, i32
  }
  func.func @transform_6(%arg0: i32) -> (i32, i32, i32) {
    %c0_i32 = arith.constant 0 : i32
    %c0_i32_0 = arith.constant 0 : i32
    %c0_i32_1 = arith.constant 0 : i32
    return %arg0, %c0_i32, %c0_i32_0 : i32, i32, i32
  }
  func.func @transform_7(%arg0: i32) -> (i32, i32) {
    %c0_i32 = arith.constant 0 : i32
    %c0_i32_0 = arith.constant 0 : i32
    %c0_i32_1 = arith.constant 0 : i32
    return %c0_i32, %c0_i32_0 : i32, i32
  }
  func.func @transform_8(%arg0: i32) -> (i32, i32) {
    %c0_i32 = arith.constant 0 : i32
    %c0_i32_0 = arith.constant 0 : i32
    %c0_i32_1 = arith.constant 0 : i32
    return %c0_i32, %c0_i32_0 : i32, i32
  }
  func.func @transform_9(%arg0: i32) -> (i32, i32) {
    %c0_i32 = arith.constant 0 : i32
    %c0_i32_0 = arith.constant 0 : i32
    %c0_i32_1 = arith.constant 0 : i32
    return %c0_i32, %c0_i32_0 : i32, i32
  }
  func.func @transform_10(%arg0: i32) -> (i32, i32) {
    %c0_i32 = arith.constant 0 : i32
    %c0_i32_0 = arith.constant 0 : i32
    %c0_i32_1 = arith.constant 0 : i32
    return %c0_i32, %c0_i32_0 : i32, i32
  }
  func.func @transform_11(%arg0: i32) -> (i32, i32) {
    %c0_i32 = arith.constant 0 : i32
    %c0_i32_0 = arith.constant 0 : i32
    %c0_i32_1 = arith.constant 0 : i32
    return %c0_i32, %c0_i32_0 : i32, i32
  }
}

</mosaic_0001>

<sc_bundles>
// kernel: kernel.11.cloned.1.call-start
scs
__scs_entry_jumppad:
0x0: {  	(pc) =	sbr.rel $0x88, $3  }
0x1: {  	(tag) =	ssettag $0x0;
	lr =	simm.s32 $0x1  }
0x2: {  	[smem:$0x3F94] =	sst lr;
	_ =	strace $0xD0000000  }
0x3: {  	_ = 	snop  }
0x4: {  	_ = 	snop  }
0x5: {  	_ = 	snop  }
0x6: {  	_ = 	snop  }
0x7: {  	_ = 	snop  }
__scs_overlays_trampoline_lowered:
0x8: {  	[smem:$0x3FA3] =	sst s0  }
0x9: {  	[smem:$0x3FA4] =	sst s1  }
0xa: {  	[smem:$0x3FA5] =	sst s2  }
0xb: {  	[smem:$0x3FA6] =	sst s3  }
0xc: {  	[smem:$0x3FA7] =	sst s4  }
0xd: {  	[smem:$0x3FA8] =	sst s5  }
0xe: {  	[smem:$0x3FA9] =	sst s6  }
0xf: {  	[smem:$0x3FAA] =	sst s7  }
0x10: {  	[smem:$0x3FAB] =	sst s8  }
0x11: {  	[smem:$0x3FAC] =	sst s9;
	s0 =	simm.s32 @!p0 $0x0  }
0x12: {  	s1 =	sld [smem:$0x3F92];
	s0 =	simm.s32 @p0 $0x1  }
0x13: {  	[smem:$0x3FAD] =	sst s0;
	s0 =	simm.s32 @!p1 $0x0  }
0x14: {  	s2 =	sld [smem:$0x3F91];
	s0 =	simm.s32 @p1 $0x1  }
0x15: {  	[smem:$0x3FAE] =	sst s0;
	s0 =	simm.s32 @!p2 $0x0  }
0x16: {  	s3 =	sld [smem:$0x3FDB];
	s0 =	simm.s32 @p2 $0x1  }
0x17: {  	s4 =	simm.s32 $0x1BF5;
	[smem:$0x3FB0] =	sst s0  }
0x18: {  	s0 =	sld [smem:$0x3F93];
	_ =	swait.ge [sflag:s4], $0x0  }
0x19: {  	s7 =	sld [smem:$0x3F94]  }
0x1a: {  	s8 =	sadd.s32 $0xFFFFE003, lr  }
0x1b: {  	s9 =	sadd.s32 $0xFFFFFEF7, lr;
	s5 =	simm.s32 $0xFFFFFFFF;
	p2 =	slt.u32 s8, $0xFFFFF086  }
0x1c: {  	p1 =	slt.u32 s9, $0xF7A;
	s5 =	simm.s32 @!p2 $0x0  }
0x1d: {  	s5 =	simm.s32 @p1 $0x1;
	p0 =	seq.s32 s7, s2  }
0x1e: {  	s7 =	smul.u32 @!p0 $0xF7A, s2;
	p2 =	seq.s32 @!p0 s5, $0x0  }
0x1f: {  	s9 =	smul.u32 $0xF7A, s1;
	s8 =	simm.s32 @!p0 $0x1BF5;
	p2 =	por !p2, p0  }
0x20: {  	[sflag:s8] =	ssyncset.s32 @!p0 $0xFFFFF086;
	s6 =	sadd.s32 @!p0 s3, s7;
	s7 =	simm.s32 @!p0 $0x108  }
0x21: {  	s3 =	sadd.s32 s3, s9;
	s6 =	sadd.s32 @!p0 $0x88, s6;
	s7 =	simm.s32 @p2 $0x1082  }
0x22: {  	[simem:s7], [sflag:s8] =	dma.local @!p0 [hbm:s6], $0xF7A  }
0x23: {  	s9 =	sor.u32 $0xD0000000, s2;
	s6 =	simm.s32 $0x108;
	_ =	swait.ge @!p0 [sflag:s8], $0x0  }
0x24: {  	s3 =	sadd.s32 $0x88, s3;
	s6 =	simm.s32 @!p1 $0x1082;
	[sflag:s4] =	ssyncset.s32 $0xFFFFF086  }
0x25: {  	[simem:s6], [sflag:s4] =	dma.local [hbm:s3], $0xF7A  }
0x26: {  	[smem:$0x3F94] =	sst s1;
	(tag) =	ssettag s2;
	_ =	strace s9  }
0x27: {  	s1 =	sld [smem:$0x3FA4]  }
0x28: {  	s2 =	sld [smem:$0x3FA5]  }
0x29: {  	s4 =	sld [smem:$0x3FA7]  }
0x2a: {  	p0 =	seq.s32 s5, $0x0;
	s5 =	sld [smem:$0x3FA8]  }
0x2b: {  	s6 =	sld [smem:$0x3FA9]  }
0x2c: {  	s7 =	sld [smem:$0x3FAA]  }
0x2d: {  	s3 =	simm.s32 $0x108;
	s8 =	sld [smem:$0x3FAB]  }
0x2e: {  	s3 =	simm.s32 @!p0 $0x1082;
	s9 =	sld [smem:$0x3FAC]  }
0x2f: {  	lr =	sadd.s32 s0, s3;
	s0 =	sld [smem:$0x3FA3]  }
0x30: {  	s3 =	sld [smem:$0x3FA6]  }
0x31: {  	[smem:$0x3FAF] =	sst s10  }
0x32: {  	s10 =	sld [smem:$0x3FAD];
	_ =	sdelay $0x3  }
0x33: {  	p0 =	seq.s32 s10, $0x1;
	s10 =	sld [smem:$0x3FAF];
	_ =	sdelay $0x3  }
0x34: {  	[smem:$0x3FAF] =	sst s10  }
0x35: {  	s10 =	sld [smem:$0x3FAE];
	_ =	sdelay $0x3  }
0x36: {  	p1 =	seq.s32 s10, $0x1;
	s10 =	sld [smem:$0x3FAF];
	_ =	sdelay $0x3  }
0x37: {  	[smem:$0x3FAF] =	sst s10  }
0x38: {  	s10 =	sld [smem:$0x3FB0]  }
0x39: {  	_ = 	snop;
	(pc) =	sbr.ind lr, $3  }
0x3a: {  	_ = 	snop  }
0x3b: {  	_ = 	snop  }
0x3c: {  	p2 =	seq.s32 s10, $0x1;
	s10 =	sld [smem:$0x3FAF]  }
0x3d: {  	_ =	shalt  }
0x3e: {  	_ =	shalt  }
0x3f: {  	_ =	shalt  }
0x40: {  	_ =	shalt  }
0x41: {  	_ =	shalt  }
0x42: {  	_ =	shalt  }
0x43: {  	_ =	shalt  }
0x44: {  	_ =	shalt  }
0x45: {  	_ =	shalt  }
0x46: {  	_ =	shalt  }
0x47: {  	_ =	shalt  }
0x48: {  	_ =	shalt  }
0x49: {  	_ =	shalt  }
0x4a: {  	_ =	shalt  }
0x4b: {  	_ =	shalt  }
0x4c: {  	_ =	shalt  }
0x4d: {  	_ =	shalt  }
0x4e: {  	_ =	shalt  }
0x4f: {  	_ =	shalt  }
0x50: {  	_ =	shalt  }
0x51: {  	_ =	shalt  }
0x52: {  	_ =	shalt  }
0x53: {  	_ =	shalt  }
0x54: {  	_ =	shalt  }
0x55: {  	_ =	shalt  }
0x56: {  	_ =	shalt  }
0x57: {  	_ =	shalt  }
0x58: {  	_ =	shalt  }
0x59: {  	_ =	shalt  }
0x5a: {  	_ =	shalt  }
0x5b: {  	_ =	shalt  }
0x5c: {  	_ =	shalt  }
0x5d: {  	_ =	shalt  }
0x5e: {  	_ =	shalt  }
0x5f: {  	_ =	shalt  }
0x60: {  	_ =	shalt  }
0x61: {  	_ =	shalt  }
0x62: {  	_ =	shalt  }
0x63: {  	_ =	shalt  }
0x64: {  	_ =	shalt  }
0x65: {  	_ =	shalt  }
0x66: {  	_ =	shalt  }
0x67: {  	_ =	shalt  }
0x68: {  	_ =	shalt  }
0x69: {  	_ =	shalt  }
0x6a: {  	_ =	shalt  }
0x6b: {  	_ =	shalt  }
0x6c: {  	_ =	shalt  }
0x6d: {  	_ =	shalt  }
0x6e: {  	_ =	shalt  }
0x6f: {  	_ =	shalt  }
0x70: {  	_ =	shalt  }
0x71: {  	_ =	shalt  }
0x72: {  	_ =	shalt  }
0x73: {  	_ =	shalt  }
0x74: {  	_ =	shalt  }
0x75: {  	_ =	shalt  }
0x76: {  	_ =	shalt  }
0x77: {  	_ =	shalt  }
0x78: {  	_ =	shalt  }
0x79: {  	_ =	shalt  }
0x7a: {  	_ =	shalt  }
0x7b: {  	_ =	shalt  }
0x7c: {  	_ =	shalt  }
0x7d: {  	_ =	shalt  }
0x7e: {  	_ =	shalt  }
0x7f: {  	_ =	shalt  }
0x80: {  	_ =	shalt  }
0x81: {  	_ =	shalt  }
0x82: {  	_ =	shalt  }
0x83: {  	_ =	shalt  }
0x84: {  	_ =	shalt  }
0x85: {  	_ =	shalt  }
0x86: {  	_ =	shalt  }
0x87: {  	_ =	shalt  }
.Lfunc_end0:
.L_simem_size_0:
called_computation.1_lowered:
.L_overlay_start_0:
0x88: {  	s2 =	sld [smem:$0x3FD9]  }
0x89: {  	s3 =	sld [smem:$0x3FFE];
	_ =	sdelay $0x1  }
0x8a: {  	s1 =	srdreg.scid  }
0x8b: {  	s0 =	sand.u32 $0x1, s1  }
0x8c: {  	s16 =	sshll.u32 s0, $0xA;
	s2 =	sadd.s32 s3, s2  }
0x8d: {  	s2 =	sadd.s32 s2, s16  }
0x8e: {  	[smem:$0x3FBB] =	sst s2  }
0x8f: {  	_ = 	snop  }
0x90: {  	(tm) =	ssettm $0x1  }
0x91: {  	s17 =	sld [smem:$0x3FFB];
	_ =	sdelay $0x3  }
0x92: {  	_ =	strace s17  }
0x93: {  	s2 =	sld [smem:$0x3FFC];
	_ =	sdelay $0x3  }
0x94: {  	_ =	strace s2  }
0x95: {  	s2 =	sld [smem:$0x3FFD];
	_ =	sdelay $0x3  }
0x96: {  	_ =	strace s2  }
0x97: {  	_ =	strace $0x8FFFFFFF  }
0x98: {  	s18 =	sld [smem:$0x3FDB];
	_ =	sdelay $0x1  }
0x99: {  	s19 =	simm.s32 $_scs_section_size  }
0x9a: {  	s4 =	simm.s32 $_size__tile_overlayer_lowered;
	s5 =	simm.s32 $_tile_overlayer_lowered  }
0x9b: {  	s22 =	simm.s32 $0x1BFF;
	s21 =	sshll.u32 s5, $0x1;
	s2 =	sadd.s32 s19, s18  }
0x9c: {  	s6 =	simm.s32 $0x0;
	s20 =	sshll.u32 s4, $0x1;
	s4 =	sadd.s32 s21, s2  }
0x9d: {  	[timem:s6], [sflag:s22] =	dma.local [hbm:s4], s20  }
0x9e: {  	_ =	swait.ge [sflag:s22], s20  }
0x9f: {  	s3 =	ssub.s32 $0x0, s20;
	[sflag:s22] =	ssyncset.done $0x0  }
0xa0: {  	[sflag:s22] =	ssyncadd.s32 s3;
	_ =	sdelay $0x1  }
0xa1: {  	s23 =	simm.s32 $0x1B8B  }
0xa2: {  	_ =	swait.ge [sflag:s23], $0x1  }
0xa3: {  	[sflag:s23] =	ssyncset.done $0x0  }
0xa4: {  	s25 =	simm.s32 $0x1B8E;
	s24 =	sld [smem:$0x3FFE];
	[sflag:s23] =	ssyncadd.s32 $0xFFFFFFFF  }
0xa5: {  	s26 =	simm.s32 $execute0_lowered;
	[smem:$0x3FD2] =	sst s25  }
0xa6: {  	s4 =	sshll.u32 s26, $0x1;
	_ =	strace $0x80000049;
	[dreg:$0x1] =	wrdreg $0xFFFFFFFF  }
0xa7: {  	s28 =	simm.s32 $_size_execute0_lowered;
	s2 =	sadd.s32 s2, s4;
	[dreg:$0x0] =	wrdreg $0x0  }
0xa8: {  	s4 =	sshll.u32 s28, $0x1;
	[dreg:$0x2] =	wrdreg s2  }
0xa9: {  	[dreg:$0x3] =	wrdreg s4  }
0xaa: {  	[dreg:$0x4] =	wrdreg $0xC0  }
0xab: {  	_ =	task [dreg:s6], $0x5FFFF  }
0xac: {  	[dreg:$0x1] =	wrdreg $0xFFFFFFFF  }
0xad: {  	[dreg:$0x0] =	wrdreg $0x60  }
0xae: {  	[dreg:$0x2] =	wrdreg s24  }
0xaf: {  	[dreg:$0x3] =	wrdreg $0x84000  }
0xb0: {  	[dreg:$0x4] =	wrdreg $0x9  }
0xb1: {  	_ =	task.clear_ibuf [dreg:s6], $0x5FFFF;
	_ =	strace $0x90000049  }
0xb2: {  	s29 =	simm.s32 $0x9;
	_ =	strace $0x8000004B  }
0xb3: {  	_ =	swait.ge [sflag:s29], $0x1  }
0xb4: {  	[sflag:s29] =	ssyncadd.s32 $0xFFFFFFFF  }
0xb5: {  	_ =	strace $0x9000004B  }
0xb6: {  	_ =	sfence  }
0xb7: {  	s30 =	sld [smem:$0x0];
	_ =	sdelay $0x2  }
0xb8: {  	s31 =	sshll.u32 s1, $0xD;
	s1 =	sshrl.u32 s1, $0x2  }
0xb9: {  	s3 =	sand.u32 $0x4000, s31;
	s1 =	sadd.s32 s1, s30  }
0xba: {  	s0 =	sor.u32 s3, s0;
	s1 =	sshll.u32 s1, $0x11  }
0xbb: {  	s0 =	sor.u32 s1, s0  }
0xbc: {  	s0 =	sadd.s32 $0x8F2B, s0  }
0xbd: {  	[sflag:s0] =	ssyncadd.remote.s32 $0x1  }
0xbe: {  	_ =	sfence.sel $0xFFFF  }
0xbf: {  	[dreg:$0x0] =	wrdreg $0xFFFFFFFF;
	(pc) =	sbr.abs _section_cstart, $3  }
0xc0: {  	[dreg:$0x1] =	wrdreg $0xFFFFFFFF  }
0xc1: {  	_ =	task.clear_ibuf [dreg:s6], $0x2FFFF;
	_ =	strace $0x9FFFFFFF  }
0xc2: {  	(tm) =	ssettm $0x7FFFFFFF  }
0xc3: {  	_ =	shalt  }
tec
execute0_lowered:
.L_overlay_start_1:
0x0: {  	(tag) =	ssettag $0x1  }
0x1: {  	s0 =	rddreg [dreg:$0x0]  }
0x2: {  	s1 =	rddreg [dreg:$0x1];
	s2 =	srdreg.scid  }
0x3: {  	s3 =	simm.s32 $0x0;
	s13 =	stileid.u32;
	s22 =	simm.s32 $0x3  }
0x4: {  	s23 =	simm.s32 $0x80;
	s31 =	simm.s32 $0x1;
	s7 =	smul.u32 $0x14000, s13  }
0x5: {  	s2 =	sand.u32 $0x1, s2;
	[smem:$0x7FF] =	sst s3;
	s12 =	smul.u32 $0x50000, s13  }
0x6: {  	s4 =	sadd.s32 $0x6AC00, s0;
	s24 =	sadd.s32 $0xDA00, s0;
	s14 =	smul.u32 $0xFFFFD800, s13  }
0x7: {  	s28 =	sshll.u32 s13, $0x6;
	s6 =	smul.u32 $0x140000, s2;
	s5 =	sshll.u32 s2, $0x4  }
0x8: {  	_ =	strace $0x8000004A;
	[dreg:$0x4] =	wrdreg s24;
	s10 =	ssub.s32 $0x2, s2  }
0x9: {  	s2 =	smul.u32 $0xFFFD8000, s2;
	s8 =	sor.u32 s13, s5;
	s5 =	sadd.s32 $0x10C00, s0  }
0xa: {  	s25 =	sshrl.u32 s10, $0x1;
	s26 =	sshrl.u32 s12, $0x2;
	s9 =	sadd.s32 s7, s6  }
0xb: {  	s6 =	smul.u32 $0x2800, s8;
	s7 =	sadd.s32 $0x3A00, s0;
	s20 =	ssub.s32 s10, s25  }
0xc: {  	s21 =	sadd.s32 s26, s1;
	s10 =	sor.u32 $0x1C03, s28;
	s2 =	sadd.s32 s2, s14  }
0xd: {  	s9 =	sshrl.u32 s9, $0x3;
	s2 =	sadd.s32 $0x4E200, s2;
	s20 =	smax.u32 s20, $0x1  }
0xe: {  	s21 =	sshrl.u32 s21, $0x3;
	s11 =	ssub.s32 $0x4E200, s6;
	s0 =	sadd.s32 s9, s0  }
0xf: {  	s17 =	sshrl.u32 s6, $0x3;
	s2 =	sshrl.u32 s2, $0x7;
	s11 =	sshrl.u32 s11, $0x7  }
0x10: {  	s29 =	sadd.s32 s5, s17;
	s12 =	sadd.s32 s7, s17;
	s15 =	sor.u32 $0x10, s17  }
0x11: {  	s16 =	sor.u32 $0x20, s17;
	s18 =	sor.u32 $0x30, s17;
	s2 =	smin.u32 s2, $0x50  }
0x12: {  	s19 =	sadd.s32 $0xBAC00, s0;
	s0 =	simm.s32 $0x0;
	s9 =	smin.u32 s11, $0x50  }
0x13: {  	[dreg:$0x5] =	wrdreg s29;
	s13 =	sadd.s32 s5, s15;
	s14 =	sadd.s32 s7, s15  }
0x14: {  	s15 =	sadd.s32 s5, s16;
	s16 =	sadd.s32 s7, s16;
	s30 =	sshll.u32 s2, $0x10  }
0x15: {  	s17 =	sadd.s32 s5, s18;
	s18 =	sadd.s32 s7, s18;
	[dreg:$0x3] =	wrdreg s30  }
.LBB2_1:
0x16: {  	s2 =	rddreg [dreg:$0x4]  }
0x17: {  	[spmem:s21], [sflag:s10] =	dma.local [hbm:s2], $0x2800  }
0x18: {  	_ =	swait.ge [sflag:s22], $0x2800  }
0x19: {  	[sflag:s22] =	ssyncset.done $0x0  }
0x1a: {  	[sflag:s22] =	ssyncadd.s32 $0xFFFFD800  }
0x1b: {  	[bflag:$0x0] =	sbarrier.arrive $0xFFFF  }
0x1c: {  	s24 =	rddreg [dreg:$0x5]  }
0x1d: {  	[tilespmem:s3], [sflag:$0x2] =	stream.linear.gather [hbm4b:s24+s3], $0x80, $0x38;
	[tilespmem:$0x1C400] =	vst v63  }
0x1e: {  	s2 =	simm.s32 $0x200  }
0x1f: {  	[tilespmem:s2], [sflag:$0x2] =	stream.linear.gather [hbm4b:s12+s3], $0x80, $0x38;
	[tilespmem:$0x1C400] =	vst v63  }
0x20: {  	_ = 	snop  }
0x21: {  	[tilespmem:s23], [sflag:$0x2] =	stream.linear.gather [hbm4b:s13+s3], $0x80, $0x38;
	[tilespmem:$0x1C400] =	vst v63  }
0x22: {  	s8 =	simm.s32 $0x280  }
0x23: {  	[tilespmem:s8], [sflag:$0x2] =	stream.linear.gather [hbm4b:s14+s3], $0x80, $0x38;
	[tilespmem:$0x1C400] =	vst v63  }
0x24: {  	s25 =	simm.s32 $0x100  }
0x25: {  	[tilespmem:s25], [sflag:$0x2] =	stream.linear.gather [hbm4b:s15+s3], $0x80, $0x38;
	[tilespmem:$0x1C400] =	vst v63  }
0x26: {  	s26 =	simm.s32 $0x300  }
0x27: {  	[tilespmem:s26], [sflag:$0x2] =	stream.linear.gather [hbm4b:s16+s3], $0x80, $0x38;
	[tilespmem:$0x1C400] =	vst v63  }
0x28: {  	s28 =	simm.s32 $0x180  }
0x29: {  	[tilespmem:s28], [sflag:$0x2] =	stream.linear.gather [hbm4b:s17+s3], $0x80, $0x38;
	[tilespmem:$0x1C400] =	vst v63  }
0x2a: {  	s29 =	simm.s32 $0x380;
	s24 =	simm.s32 $0x2  }
0x2b: {  	[tilespmem:s29], [sflag:$0x2] =	stream.linear.gather [hbm4b:s18+s3], $0x80, $0x38;
	[tilespmem:$0x1C400] =	vst v63  }
0x2c: {  	_ =	swait.ge [sflag:s24], $0x80  }
0x2d: {  	[sflag:s24] =	ssyncset.done $0x0  }
0x2e: {  	[sflag:s24] =	ssyncadd.s32 $0xFFFFFF80  }
0x2f: {  	_ =	swait.ge [sflag:s24], $0x80  }
0x30: {  	[sflag:s24] =	ssyncset.done $0x0  }
0x31: {  	s25 =	simm.s32 $0x400;
	[sflag:s24] =	ssyncadd.s32 $0xFFFFFF80  }
0x32: {  	[tilespmem:s25], [sflag:$0x1] =	stream.indirect.gather [hbm4b:s4+s23], $0x80, s3, s23, $0xb8;
	[tilespmem:$0x1C400] =	vst v63  }
0x33: {  	_ =	swait.ge [sflag:s24], $0x80  }
0x34: {  	[sflag:s24] =	ssyncset.done $0x0  }
0x35: {  	[sflag:s24] =	ssyncadd.s32 $0xFFFFFF80  }
0x36: {  	_ =	swait.ge [sflag:s24], $0x80  }
0x37: {  	[sflag:s24] =	ssyncset.done $0x0  }
0x38: {  	s30 =	simm.s32 $0x4400;
	s26 =	simm.s32 $0x0;
	[sflag:s24] =	ssyncadd.s32 $0xFFFFFF80  }
0x39: {  	[tilespmem:s30], [sflag:$0x1] =	stream.indirect.gather [hbm4b:s4+s23], $0x80, s23, s23, $0xb8;
	[tilespmem:$0x1C400] =	vst v63  }
.LBB2_2:
0x3a: {  	s28 =	sadd.s32 $0xFFFFFC00, s25;
	s29 =	sand.u32 $0x10000, s26;
	_ =	swait.ge [sflag:s31], $0x4000  }
0x3b: {  	s11 =	sadd.s32 $0x2, s24;
	s28 =	sand.u32 $0x600, s28;
	s29 =	sshrl.u32 s29, $0x2  }
0x3c: {  	[sflag:s31] =	ssyncset.done $0x0;
	p0 =	sge.u32 s11, s9;
	s28 =	sshrl.u32 s28, $0x2  }
0x3d: {  	s29 =	sor.u32 $0x400, s29;
	[sflag:s31] =	ssyncadd.s32 $0xFFFFC000;
	s28 =	sor.u32 $0x200, s28  }
0x3e: {  	[spmem:s1] =	stream.indirect.scatter.add.f32 [tilespmem:s29], [sflag:$0x3], $0x80, s28, s23, $0xb8;
	[tilespmem:$0x1C400] =	vst v63  }
0x3f: {  	s28 =	sand.u32 @!p0 $0x7FFFFC00, s2  }
0x40: {  	s30 =	sand.u32 @!p0 $0x380, s2;
	s28 =	sadd.s32 @!p0 s6, s28  }
0x41: {  	s11 =	simm.s32 @!p0 $0x0;
	_ =	swait.ge [sflag:s22], $0x4000;
	s28 =	sor.u32 @!p0 s30, s28  }
0x42: {  	[sflag:s22] =	ssyncset.done $0x0;
	s30 =	sadd.s32 @!p0 $0xFFFFFE00, s2;
	s28 =	sshrl.u32 @!p0 s28, $0x3  }
0x43: {  	[sflag:s22] =	ssyncadd.s32 $0xFFFFC000;
	s30 =	sand.u32 @!p0 $0x180, s30;
	s8 =	sadd.s32 @!p0 s5, s28  }
0x44: {  	[tilespmem:s30], [sflag:$0x2] =	stream.linear.gather @!p0 [hbm4b:s8+s11], $0x80, $0x38;
	[tilespmem:$0x1C400] =	vst v63  }
0x45: {  	s28 =	sadd.s32 @!p0 s7, s28;
	s8 =	sor.u32 @!p0 $0x200, s30  }
0x46: {  	[tilespmem:s8], [sflag:$0x2] =	stream.linear.gather @!p0 [hbm4b:s28+s11], $0x80, $0x38;
	[tilespmem:$0x1C400] =	vst v63  }
0x47: {  	p0 =	sge.u32 s24, s9  }
0x48: {  	s8 =	simm.s32 @!p0 $0x2  }
0x49: {  	_ =	swait.ge @!p0 [sflag:s8], $0x80  }
0x4a: {  	[sflag:s8] =	ssyncset.done @!p0 $0x0  }
0x4b: {  	[sflag:s8] =	ssyncadd.s32 @!p0 $0xFFFFFF80  }
0x4c: {  	_ =	swait.ge @!p0 [sflag:s8], $0x80  }
0x4d: {  	[sflag:s8] =	ssyncset.done @!p0 $0x0  }
0x4e: {  	s26 =	sadd.s32 $0x10000, s26;
	[sflag:s8] =	ssyncadd.s32 @!p0 $0xFFFFFF80;
	s8 =	sand.u32 @!p0 $0x600, s25  }
0x4f: {  	s11 =	simm.s32 @!p0 $0x80;
	s30 =	rddreg [dreg:$0x3];
	s8 =	sshrl.u32 @!p0 s8, $0x2  }
0x50: {  	[tilespmem:s29], [sflag:$0x1] =	stream.indirect.gather @!p0 [hbm4b:s4+s11], $0x80, s8, s11, $0xb8;
	[tilespmem:$0x1C400] =	vst v63  }
0x51: {  	p0 =	sne.s32 s30, s26  }
.Ltmp0:
0x52: {  	_ = 	snop;
	(pc) =	sbr.rel @p0 .LBB2_2-.Ltmp0, $2  }
0x53: {  	_ =	sdelay $0x2  }
0x54: {  	s2 =	sadd.s32 $0x80, s2;
	s24 =	sadd.s32 $0x1, s24;
	s25 =	sadd.s32 $0x200, s25  }
0x55: {  	s0 =	sadd.s32 $0x1, s0  }
0x56: {  	p0 =	sne.s32 s0, s20  }
.Ltmp1:
0x57: {  	[bflag:$0x0] =	sbarrier.arrive $0xFFFF;
	(pc) =	sbr.rel @p0 .LBB2_1-.Ltmp1, $4  }
0x58: {  	[hbm:s19], [sflag:s10] =	dma.local [spmem:s21], $0x2800  }
0x59: {  	_ =	swait.ge [sflag:s22], $0x2800  }
0x5a: {  	[sflag:s22] =	ssyncset.done $0x0  }
0x5b: {  	[sflag:s22] =	ssyncadd.s32 $0xFFFFD800  }
0x5c: {  	_ =	sfence.sel $0x180000  }
0x5d: {  	[bflag:$0x0] =	sbarrier.arrive $0xFFFF  }
0x5e: {  	_ =	strace $0x9000004A  }
0x5f: {  	s0 =	stileid.u32;
	[bflag:$0x2] =	sbarrier.arrive $0xFFFF  }
0x60: {  	p0 =	sne.s32 s0, $0x0;
	s0 =	rddreg [dreg:$0x2]  }
0x61: {  	s0 =	sadd.s32 @!p0 $0x100000, s0  }
0x62: {  	[sflag:s0] =	ssyncadd.tile.s32 @!p0 $0x1;
	_ =	shalt  }
.Lfunc_end2:
_tile_overlayer_lowered:
.L_overlay_start_2:
0x63: {  	(tag) =	ssettag $0x2  }
0x64: {  	s0 =	rddreg [dreg:$0x0];
	s2 =	stileid.u32  }
0x65: {  	s1 =	rddreg [dreg:$0x1];
	p0 =	sne.s32 s2, $0x0  }
0x66: {  	s3 =	rddreg [dreg:$0x2];
	[bflag:$0x3] =	sbarrier.arrive $0xFFFF;
	s2 =	simm.s32 @!p0 $0x1C03  }
0x67: {  	[timem:s3], [sflag:s2] =	dma.local @!p0 [hbm:s0], s1  }
0x68: {  	s0 =	simm.s32 @!p0 $0x3  }
0x69: {  	_ =	swait.ge @!p0 [sflag:s0], s1  }
0x6a: {  	s1 =	ssub.s32 @!p0 $0x0, s1;
	[sflag:s0] =	ssyncset.done @!p0 $0x0  }
0x6b: {  	[sflag:s0] =	ssyncadd.s32 @!p0 s1  }
0x6c: {  	[bflag:$0x3] =	sbarrier.arrive $0xFFFF  }
0x6d: {  	_ =	shalt  }

// kernel: kernel.14.cloned.1.call-start
scs
__scs_entry_jumppad:
0x0: {  	(pc) =	sbr.rel $0x88, $3  }
0x1: {  	(tag) =	ssettag $0x0;
	lr =	simm.s32 $0x1  }
0x2: {  	[smem:$0x3F94] =	sst lr;
	_ =	strace $0xD0000000  }
0x3: {  	_ = 	snop  }
0x4: {  	_ = 	snop  }
0x5: {  	_ = 	snop  }
0x6: {  	_ = 	snop  }
0x7: {  	_ = 	snop  }
__scs_overlays_trampoline_lowered:
0x8: {  	[smem:$0x3FA3] =	sst s0  }
0x9: {  	[smem:$0x3FA4] =	sst s1  }
0xa: {  	[smem:$0x3FA5] =	sst s2  }
0xb: {  	[smem:$0x3FA6] =	sst s3  }
0xc: {  	[smem:$0x3FA7] =	sst s4  }
0xd: {  	[smem:$0x3FA8] =	sst s5  }
0xe: {  	[smem:$0x3FA9] =	sst s6  }
0xf: {  	[smem:$0x3FAA] =	sst s7  }
0x10: {  	[smem:$0x3FAB] =	sst s8  }
0x11: {  	[smem:$0x3FAC] =	sst s9;
	s0 =	simm.s32 @!p0 $0x0  }
0x12: {  	s1 =	sld [smem:$0x3F92];
	s0 =	simm.s32 @p0 $0x1  }
0x13: {  	[smem:$0x3FAD] =	sst s0;
	s0 =	simm.s32 @!p1 $0x0  }
0x14: {  	s2 =	sld [smem:$0x3F91];
	s0 =	simm.s32 @p1 $0x1  }
0x15: {  	[smem:$0x3FAE] =	sst s0;
	s0 =	simm.s32 @!p2 $0x0  }
0x16: {  	s3 =	sld [smem:$0x3FDB];
	s0 =	simm.s32 @p2 $0x1  }
0x17: {  	s4 =	simm.s32 $0x1BF5;
	[smem:$0x3FB0] =	sst s0  }
0x18: {  	s0 =	sld [smem:$0x3F93];
	_ =	swait.ge [sflag:s4], $0x0  }
0x19: {  	s7 =	sld [smem:$0x3F94]  }
0x1a: {  	s8 =	sadd.s32 $0xFFFFE003, lr  }
0x1b: {  	s9 =	sadd.s32 $0xFFFFFEF7, lr;
	s5 =	simm.s32 $0xFFFFFFFF;
	p2 =	slt.u32 s8, $0xFFFFF086  }
0x1c: {  	p1 =	slt.u32 s9, $0xF7A;
	s5 =	simm.s32 @!p2 $0x0  }
0x1d: {  	s5 =	simm.s32 @p1 $0x1;
	p0 =	seq.s32 s7, s2  }
0x1e: {  	s7 =	smul.u32 @!p0 $0xF7A, s2;
	p2 =	seq.s32 @!p0 s5, $0x0  }
0x1f: {  	s9 =	smul.u32 $0xF7A, s1;
	s8 =	simm.s32 @!p0 $0x1BF5;
	p2 =	por !p2, p0  }
0x20: {  	[sflag:s8] =	ssyncset.s32 @!p0 $0xFFFFF086;
	s6 =	sadd.s32 @!p0 s3, s7;
	s7 =	simm.s32 @!p0 $0x108  }
0x21: {  	s3 =	sadd.s32 s3, s9;
	s6 =	sadd.s32 @!p0 $0x88, s6;
	s7 =	simm.s32 @p2 $0x1082  }
0x22: {  	[simem:s7], [sflag:s8] =	dma.local @!p0 [hbm:s6], $0xF7A  }
0x23: {  	s9 =	sor.u32 $0xD0000000, s2;
	s6 =	simm.s32 $0x108;
	_ =	swait.ge @!p0 [sflag:s8], $0x0  }
0x24: {  	s3 =	sadd.s32 $0x88, s3;
	s6 =	simm.s32 @!p1 $0x1082;
	[sflag:s4] =	ssyncset.s32 $0xFFFFF086  }
0x25: {  	[simem:s6], [sflag:s4] =	dma.local [hbm:s3], $0xF7A  }
0x26: {  	[smem:$0x3F94] =	sst s1;
	(tag) =	ssettag s2;
	_ =	strace s9  }
0x27: {  	s1 =	sld [smem:$0x3FA4]  }
0x28: {  	s2 =	sld [smem:$0x3FA5]  }
0x29: {  	s4 =	sld [smem:$0x3FA7]  }
0x2a: {  	p0 =	seq.s32 s5, $0x0;
	s5 =	sld [smem:$0x3FA8]  }
0x2b: {  	s6 =	sld [smem:$0x3FA9]  }
0x2c: {  	s7 =	sld [smem:$0x3FAA]  }
0x2d: {  	s3 =	simm.s32 $0x108;
	s8 =	sld [smem:$0x3FAB]  }
0x2e: {  	s3 =	simm.s32 @!p0 $0x1082;
	s9 =	sld [smem:$0x3FAC]  }
0x2f: {  	lr =	sadd.s32 s0, s3;
	s0 =	sld [smem:$0x3FA3]  }
0x30: {  	s3 =	sld [smem:$0x3FA6]  }
0x31: {  	[smem:$0x3FAF] =	sst s10  }
0x32: {  	s10 =	sld [smem:$0x3FAD];
	_ =	sdelay $0x3  }
0x33: {  	p0 =	seq.s32 s10, $0x1;
	s10 =	sld [smem:$0x3FAF];
	_ =	sdelay $0x3  }
0x34: {  	[smem:$0x3FAF] =	sst s10  }
0x35: {  	s10 =	sld [smem:$0x3FAE];
	_ =	sdelay $0x3  }
0x36: {  	p1 =	seq.s32 s10, $0x1;
	s10 =	sld [smem:$0x3FAF];
	_ =	sdelay $0x3  }
0x37: {  	[smem:$0x3FAF] =	sst s10  }
0x38: {  	s10 =	sld [smem:$0x3FB0]  }
0x39: {  	_ = 	snop;
	(pc) =	sbr.ind lr, $3  }
0x3a: {  	_ = 	snop  }
0x3b: {  	_ = 	snop  }
0x3c: {  	p2 =	seq.s32 s10, $0x1;
	s10 =	sld [smem:$0x3FAF]  }
0x3d: {  	_ =	shalt  }
0x3e: {  	_ =	shalt  }
0x3f: {  	_ =	shalt  }
0x40: {  	_ =	shalt  }
0x41: {  	_ =	shalt  }
0x42: {  	_ =	shalt  }
0x43: {  	_ =	shalt  }
0x44: {  	_ =	shalt  }
0x45: {  	_ =	shalt  }
0x46: {  	_ =	shalt  }
0x47: {  	_ =	shalt  }
0x48: {  	_ =	shalt  }
0x49: {  	_ =	shalt  }
0x4a: {  	_ =	shalt  }
0x4b: {  	_ =	shalt  }
0x4c: {  	_ =	shalt  }
0x4d: {  	_ =	shalt  }
0x4e: {  	_ =	shalt  }
0x4f: {  	_ =	shalt  }
0x50: {  	_ =	shalt  }
0x51: {  	_ =	shalt  }
0x52: {  	_ =	shalt  }
0x53: {  	_ =	shalt  }
0x54: {  	_ =	shalt  }
0x55: {  	_ =	shalt  }
0x56: {  	_ =	shalt  }
0x57: {  	_ =	shalt  }
0x58: {  	_ =	shalt  }
0x59: {  	_ =	shalt  }
0x5a: {  	_ =	shalt  }
0x5b: {  	_ =	shalt  }
0x5c: {  	_ =	shalt  }
0x5d: {  	_ =	shalt  }
0x5e: {  	_ =	shalt  }
0x5f: {  	_ =	shalt  }
0x60: {  	_ =	shalt  }
0x61: {  	_ =	shalt  }
0x62: {  	_ =	shalt  }
0x63: {  	_ =	shalt  }
0x64: {  	_ =	shalt  }
0x65: {  	_ =	shalt  }
0x66: {  	_ =	shalt  }
0x67: {  	_ =	shalt  }
0x68: {  	_ =	shalt  }
0x69: {  	_ =	shalt  }
0x6a: {  	_ =	shalt  }
0x6b: {  	_ =	shalt  }
0x6c: {  	_ =	shalt  }
0x6d: {  	_ =	shalt  }
0x6e: {  	_ =	shalt  }
0x6f: {  	_ =	shalt  }
0x70: {  	_ =	shalt  }
0x71: {  	_ =	shalt  }
0x72: {  	_ =	shalt  }
0x73: {  	_ =	shalt  }
0x74: {  	_ =	shalt  }
0x75: {  	_ =	shalt  }
0x76: {  	_ =	shalt  }
0x77: {  	_ =	shalt  }
0x78: {  	_ =	shalt  }
0x79: {  	_ =	shalt  }
0x7a: {  	_ =	shalt  }
0x7b: {  	_ =	shalt  }
0x7c: {  	_ =	shalt  }
0x7d: {  	_ =	shalt  }
0x7e: {  	_ =	shalt  }
0x7f: {  	_ =	shalt  }
0x80: {  	_ =	shalt  }
0x81: {  	_ =	shalt  }
0x82: {  	_ =	shalt  }
0x83: {  	_ =	shalt  }
0x84: {  	_ =	shalt  }
0x85: {  	_ =	shalt  }
0x86: {  	_ =	shalt  }
0x87: {  	_ =	shalt  }
.Lfunc_end0:
.L_simem_size_0:
called_computation.2_lowered:
.L_overlay_start_0:
0x88: {  	s2 =	sld [smem:$0x3FD9]  }
0x89: {  	s3 =	sld [smem:$0x3FFE];
	_ =	sdelay $0x1  }
0x8a: {  	s1 =	srdreg.scid  }
0x8b: {  	s0 =	sand.u32 $0x1, s1  }
0x8c: {  	s16 =	sshll.u32 s0, $0xA;
	s2 =	sadd.s32 s3, s2  }
0x8d: {  	s2 =	sadd.s32 s2, s16  }
0x8e: {  	[smem:$0x3FBB] =	sst s2  }
0x8f: {  	_ = 	snop  }
0x90: {  	(tm) =	ssettm $0x1  }
0x91: {  	s17 =	sld [smem:$0x3FFB];
	_ =	sdelay $0x3  }
0x92: {  	_ =	strace s17  }
0x93: {  	s2 =	sld [smem:$0x3FFC];
	_ =	sdelay $0x3  }
0x94: {  	_ =	strace s2  }
0x95: {  	s2 =	sld [smem:$0x3FFD];
	_ =	sdelay $0x3  }
0x96: {  	_ =	strace s2  }
0x97: {  	_ =	strace $0x8FFFFFFF  }
0x98: {  	s18 =	sld [smem:$0x3FDB];
	_ =	sdelay $0x1  }
0x99: {  	s19 =	simm.s32 $_scs_section_size  }
0x9a: {  	s4 =	simm.s32 $_size__tile_overlayer_lowered;
	s5 =	simm.s32 $_tile_overlayer_lowered  }
0x9b: {  	s22 =	simm.s32 $0x1BFF;
	s21 =	sshll.u32 s5, $0x1;
	s2 =	sadd.s32 s19, s18  }
0x9c: {  	s6 =	simm.s32 $0x0;
	s20 =	sshll.u32 s4, $0x1;
	s4 =	sadd.s32 s21, s2  }
0x9d: {  	[timem:s6], [sflag:s22] =	dma.local [hbm:s4], s20  }
0x9e: {  	_ =	swait.ge [sflag:s22], s20  }
0x9f: {  	s3 =	ssub.s32 $0x0, s20;
	[sflag:s22] =	ssyncset.done $0x0  }
0xa0: {  	[sflag:s22] =	ssyncadd.s32 s3;
	_ =	sdelay $0x1  }
0xa1: {  	s23 =	simm.s32 $0x1B8B  }
0xa2: {  	_ =	swait.ge [sflag:s23], $0x1  }
0xa3: {  	[sflag:s23] =	ssyncset.done $0x0  }
0xa4: {  	s25 =	simm.s32 $0x1B8E;
	s24 =	sld [smem:$0x3FFE];
	[sflag:s23] =	ssyncadd.s32 $0xFFFFFFFF  }
0xa5: {  	s26 =	simm.s32 $execute0_lowered;
	[smem:$0x3FD2] =	sst s25  }
0xa6: {  	s4 =	sshll.u32 s26, $0x1;
	_ =	strace $0x8000004C;
	[dreg:$0x1] =	wrdreg $0xFFFFFFFF  }
0xa7: {  	s28 =	simm.s32 $_size_execute0_lowered;
	s2 =	sadd.s32 s2, s4;
	[dreg:$0x0] =	wrdreg $0x0  }
0xa8: {  	s4 =	sshll.u32 s28, $0x1;
	[dreg:$0x2] =	wrdreg s2  }
0xa9: {  	[dreg:$0x3] =	wrdreg s4  }
0xaa: {  	[dreg:$0x4] =	wrdreg $0xC0  }
0xab: {  	_ =	task [dreg:s6], $0x5FFFF  }
0xac: {  	[dreg:$0x1] =	wrdreg $0xFFFFFFFF  }
0xad: {  	[dreg:$0x0] =	wrdreg $0x60  }
0xae: {  	[dreg:$0x2] =	wrdreg s24  }
0xaf: {  	[dreg:$0x3] =	wrdreg $0x84000  }
0xb0: {  	[dreg:$0x4] =	wrdreg $0x9  }
0xb1: {  	_ =	task.clear_ibuf [dreg:s6], $0x5FFFF;
	_ =	strace $0x9000004C  }
0xb2: {  	s29 =	simm.s32 $0x9;
	_ =	strace $0x8000004E  }
0xb3: {  	_ =	swait.ge [sflag:s29], $0x1  }
0xb4: {  	[sflag:s29] =	ssyncadd.s32 $0xFFFFFFFF  }
0xb5: {  	_ =	strace $0x9000004E  }
0xb6: {  	_ =	sfence  }
0xb7: {  	s30 =	sld [smem:$0x0];
	_ =	sdelay $0x2  }
0xb8: {  	s31 =	sshll.u32 s1, $0xD;
	s1 =	sshrl.u32 s1, $0x2  }
0xb9: {  	s3 =	sand.u32 $0x4000, s31;
	s1 =	sadd.s32 s1, s30  }
0xba: {  	s0 =	sor.u32 s3, s0;
	s1 =	sshll.u32 s1, $0x11  }
0xbb: {  	s0 =	sor.u32 s1, s0  }
0xbc: {  	s0 =	sadd.s32 $0x8F2B, s0  }
0xbd: {  	[sflag:s0] =	ssyncadd.remote.s32 $0x1  }
0xbe: {  	_ =	sfence.sel $0xFFFF  }
0xbf: {  	[dreg:$0x0] =	wrdreg $0xFFFFFFFF;
	(pc) =	sbr.abs _section_cstart, $3  }
0xc0: {  	[dreg:$0x1] =	wrdreg $0xFFFFFFFF  }
0xc1: {  	_ =	task.clear_ibuf [dreg:s6], $0x2FFFF;
	_ =	strace $0x9FFFFFFF  }
0xc2: {  	(tm) =	ssettm $0x7FFFFFFF  }
0xc3: {  	_ =	shalt  }
tec
execute0_lowered:
.L_overlay_start_1:
0x0: {  	(tag) =	ssettag $0x1  }
0x1: {  	s0 =	rddreg [dreg:$0x0]  }
0x2: {  	s1 =	rddreg [dreg:$0x1];
	s2 =	srdreg.scid  }
0x3: {  	s3 =	simm.s32 $0x0;
	s13 =	stileid.u32;
	s22 =	simm.s32 $0x3  }
0x4: {  	s23 =	simm.s32 $0x80;
	s31 =	simm.s32 $0x1;
	s7 =	smul.u32 $0x14000, s13  }
0x5: {  	s2 =	sand.u32 $0x1, s2;
	[smem:$0x7FF] =	sst s3;
	s12 =	smul.u32 $0x50000, s13  }
0x6: {  	s4 =	sadd.s32 $0x6AC00, s0;
	s24 =	sadd.s32 $0xDA00, s0;
	s14 =	smul.u32 $0xFFFFD800, s13  }
0x7: {  	s28 =	sshll.u32 s13, $0x6;
	s6 =	smul.u32 $0x140000, s2;
	s5 =	sshll.u32 s2, $0x4  }
0x8: {  	_ =	strace $0x8000004D;
	[dreg:$0x4] =	wrdreg s24;
	s10 =	ssub.s32 $0x2, s2  }
0x9: {  	s2 =	smul.u32 $0xFFFD8000, s2;
	s8 =	sor.u32 s13, s5;
	s5 =	sadd.s32 $0x10C00, s0  }
0xa: {  	s25 =	sshrl.u32 s10, $0x1;
	s26 =	sshrl.u32 s12, $0x2;
	s9 =	sadd.s32 s7, s6  }
0xb: {  	s6 =	smul.u32 $0x2800, s8;
	s7 =	sadd.s32 $0x3A00, s0;
	s20 =	ssub.s32 s10, s25  }
0xc: {  	s21 =	sadd.s32 s26, s1;
	s10 =	sor.u32 $0x1C03, s28;
	s2 =	sadd.s32 s2, s14  }
0xd: {  	s9 =	sshrl.u32 s9, $0x3;
	s2 =	sadd.s32 $0x4E200, s2;
	s20 =	smax.u32 s20, $0x1  }
0xe: {  	s21 =	sshrl.u32 s21, $0x3;
	s11 =	ssub.s32 $0x4E200, s6;
	s0 =	sadd.s32 s9, s0  }
0xf: {  	s17 =	sshrl.u32 s6, $0x3;
	s2 =	sshrl.u32 s2, $0x7;
	s11 =	sshrl.u32 s11, $0x7  }
0x10: {  	s29 =	sadd.s32 s5, s17;
	s12 =	sadd.s32 s7, s17;
	s15 =	sor.u32 $0x10, s17  }
0x11: {  	s16 =	sor.u32 $0x20, s17;
	s18 =	sor.u32 $0x30, s17;
	s2 =	smin.u32 s2, $0x50  }
0x12: {  	s19 =	sadd.s32 $0x92C00, s0;
	s0 =	simm.s32 $0x0;
	s9 =	smin.u32 s11, $0x50  }
0x13: {  	[dreg:$0x5] =	wrdreg s29;
	s13 =	sadd.s32 s5, s15;
	s14 =	sadd.s32 s7, s15  }
0x14: {  	s15 =	sadd.s32 s5, s16;
	s16 =	sadd.s32 s7, s16;
	s30 =	sshll.u32 s2, $0x10  }
0x15: {  	s17 =	sadd.s32 s5, s18;
	s18 =	sadd.s32 s7, s18;
	[dreg:$0x3] =	wrdreg s30  }
.LBB2_1:
0x16: {  	s2 =	rddreg [dreg:$0x4]  }
0x17: {  	[spmem:s21], [sflag:s10] =	dma.local [hbm:s2], $0x2800  }
0x18: {  	_ =	swait.ge [sflag:s22], $0x2800  }
0x19: {  	[sflag:s22] =	ssyncset.done $0x0  }
0x1a: {  	[sflag:s22] =	ssyncadd.s32 $0xFFFFD800  }
0x1b: {  	[bflag:$0x0] =	sbarrier.arrive $0xFFFF  }
0x1c: {  	s24 =	rddreg [dreg:$0x5]  }
0x1d: {  	[tilespmem:s3], [sflag:$0x2] =	stream.linear.gather [hbm4b:s24+s3], $0x80, $0x38;
	[tilespmem:$0x1C400] =	vst v63  }
0x1e: {  	s2 =	simm.s32 $0x200  }
0x1f: {  	[tilespmem:s2], [sflag:$0x2] =	stream.linear.gather [hbm4b:s12+s3], $0x80, $0x38;
	[tilespmem:$0x1C400] =	vst v63  }
0x20: {  	_ = 	snop  }
0x21: {  	[tilespmem:s23], [sflag:$0x2] =	stream.linear.gather [hbm4b:s13+s3], $0x80, $0x38;
	[tilespmem:$0x1C400] =	vst v63  }
0x22: {  	s8 =	simm.s32 $0x280  }
0x23: {  	[tilespmem:s8], [sflag:$0x2] =	stream.linear.gather [hbm4b:s14+s3], $0x80, $0x38;
	[tilespmem:$0x1C400] =	vst v63  }
0x24: {  	s25 =	simm.s32 $0x100  }
0x25: {  	[tilespmem:s25], [sflag:$0x2] =	stream.linear.gather [hbm4b:s15+s3], $0x80, $0x38;
	[tilespmem:$0x1C400] =	vst v63  }
0x26: {  	s26 =	simm.s32 $0x300  }
0x27: {  	[tilespmem:s26], [sflag:$0x2] =	stream.linear.gather [hbm4b:s16+s3], $0x80, $0x38;
	[tilespmem:$0x1C400] =	vst v63  }
0x28: {  	s28 =	simm.s32 $0x180  }
0x29: {  	[tilespmem:s28], [sflag:$0x2] =	stream.linear.gather [hbm4b:s17+s3], $0x80, $0x38;
	[tilespmem:$0x1C400] =	vst v63  }
0x2a: {  	s29 =	simm.s32 $0x380;
	s24 =	simm.s32 $0x2  }
0x2b: {  	[tilespmem:s29], [sflag:$0x2] =	stream.linear.gather [hbm4b:s18+s3], $0x80, $0x38;
	[tilespmem:$0x1C400] =	vst v63  }
0x2c: {  	_ =	swait.ge [sflag:s24], $0x80  }
0x2d: {  	[sflag:s24] =	ssyncset.done $0x0  }
0x2e: {  	[sflag:s24] =	ssyncadd.s32 $0xFFFFFF80  }
0x2f: {  	_ =	swait.ge [sflag:s24], $0x80  }
0x30: {  	[sflag:s24] =	ssyncset.done $0x0  }
0x31: {  	s25 =	simm.s32 $0x400;
	[sflag:s24] =	ssyncadd.s32 $0xFFFFFF80  }
0x32: {  	[tilespmem:s25], [sflag:$0x1] =	stream.indirect.gather [hbm4b:s4+s23], $0x80, s3, s23, $0xb8;
	[tilespmem:$0x1C400] =	vst v63  }
0x33: {  	_ =	swait.ge [sflag:s24], $0x80  }
0x34: {  	[sflag:s24] =	ssyncset.done $0x0  }
0x35: {  	[sflag:s24] =	ssyncadd.s32 $0xFFFFFF80  }
0x36: {  	_ =	swait.ge [sflag:s24], $0x80  }
0x37: {  	[sflag:s24] =	ssyncset.done $0x0  }
0x38: {  	s30 =	simm.s32 $0x4400;
	s26 =	simm.s32 $0x0;
	[sflag:s24] =	ssyncadd.s32 $0xFFFFFF80  }
0x39: {  	[tilespmem:s30], [sflag:$0x1] =	stream.indirect.gather [hbm4b:s4+s23], $0x80, s23, s23, $0xb8;
	[tilespmem:$0x1C400] =	vst v63  }
.LBB2_2:
0x3a: {  	s28 =	sadd.s32 $0xFFFFFC00, s25;
	s29 =	sand.u32 $0x10000, s26;
	_ =	swait.ge [sflag:s31], $0x4000  }
0x3b: {  	s11 =	sadd.s32 $0x2, s24;
	s28 =	sand.u32 $0x600, s28;
	s29 =	sshrl.u32 s29, $0x2  }
0x3c: {  	[sflag:s31] =	ssyncset.done $0x0;
	p0 =	sge.u32 s11, s9;
	s28 =	sshrl.u32 s28, $0x2  }
0x3d: {  	s29 =	sor.u32 $0x400, s29;
	[sflag:s31] =	ssyncadd.s32 $0xFFFFC000;
	s28 =	sor.u32 $0x200, s28  }
0x3e: {  	[spmem:s1] =	stream.indirect.scatter.add.f32 [tilespmem:s29], [sflag:$0x3], $0x80, s28, s23, $0xb8;
	[tilespmem:$0x1C400] =	vst v63  }
0x3f: {  	s28 =	sand.u32 @!p0 $0x7FFFFC00, s2  }
0x40: {  	s30 =	sand.u32 @!p0 $0x380, s2;
	s28 =	sadd.s32 @!p0 s6, s28  }
0x41: {  	s11 =	simm.s32 @!p0 $0x0;
	_ =	swait.ge [sflag:s22], $0x4000;
	s28 =	sor.u32 @!p0 s30, s28  }
0x42: {  	[sflag:s22] =	ssyncset.done $0x0;
	s30 =	sadd.s32 @!p0 $0xFFFFFE00, s2;
	s28 =	sshrl.u32 @!p0 s28, $0x3  }
0x43: {  	[sflag:s22] =	ssyncadd.s32 $0xFFFFC000;
	s30 =	sand.u32 @!p0 $0x180, s30;
	s8 =	sadd.s32 @!p0 s5, s28  }
0x44: {  	[tilespmem:s30], [sflag:$0x2] =	stream.linear.gather @!p0 [hbm4b:s8+s11], $0x80, $0x38;
	[tilespmem:$0x1C400] =	vst v63  }
0x45: {  	s28 =	sadd.s32 @!p0 s7, s28;
	s8 =	sor.u32 @!p0 $0x200, s30  }
0x46: {  	[tilespmem:s8], [sflag:$0x2] =	stream.linear.gather @!p0 [hbm4b:s28+s11], $0x80, $0x38;
	[tilespmem:$0x1C400] =	vst v63  }
0x47: {  	p0 =	sge.u32 s24, s9  }
0x48: {  	s8 =	simm.s32 @!p0 $0x2  }
0x49: {  	_ =	swait.ge @!p0 [sflag:s8], $0x80  }
0x4a: {  	[sflag:s8] =	ssyncset.done @!p0 $0x0  }
0x4b: {  	[sflag:s8] =	ssyncadd.s32 @!p0 $0xFFFFFF80  }
0x4c: {  	_ =	swait.ge @!p0 [sflag:s8], $0x80  }
0x4d: {  	[sflag:s8] =	ssyncset.done @!p0 $0x0  }
0x4e: {  	s26 =	sadd.s32 $0x10000, s26;
	[sflag:s8] =	ssyncadd.s32 @!p0 $0xFFFFFF80;
	s8 =	sand.u32 @!p0 $0x600, s25  }
0x4f: {  	s11 =	simm.s32 @!p0 $0x80;
	s30 =	rddreg [dreg:$0x3];
	s8 =	sshrl.u32 @!p0 s8, $0x2  }
0x50: {  	[tilespmem:s29], [sflag:$0x1] =	stream.indirect.gather @!p0 [hbm4b:s4+s11], $0x80, s8, s11, $0xb8;
	[tilespmem:$0x1C400] =	vst v63  }
0x51: {  	p0 =	sne.s32 s30, s26  }
.Ltmp0:
0x52: {  	_ = 	snop;
	(pc) =	sbr.rel @p0 .LBB2_2-.Ltmp0, $2  }
0x53: {  	_ =	sdelay $0x2  }
0x54: {  	s2 =	sadd.s32 $0x80, s2;
	s24 =	sadd.s32 $0x1, s24;
	s25 =	sadd.s32 $0x200, s25  }
0x55: {  	s0 =	sadd.s32 $0x1, s0  }
0x56: {  	p0 =	sne.s32 s0, s20  }
.Ltmp1:
0x57: {  	[bflag:$0x0] =	sbarrier.arrive $0xFFFF;
	(pc) =	sbr.rel @p0 .LBB2_1-.Ltmp1, $4  }
0x58: {  	[hbm:s19], [sflag:s10] =	dma.local [spmem:s21], $0x2800  }
0x59: {  	_ =	swait.ge [sflag:s22], $0x2800  }
0x5a: {  	[sflag:s22] =	ssyncset.done $0x0  }
0x5b: {  	[sflag:s22] =	ssyncadd.s32 $0xFFFFD800  }
0x5c: {  	_ =	sfence.sel $0x180000  }
0x5d: {  	[bflag:$0x0] =	sbarrier.arrive $0xFFFF  }
0x5e: {  	_ =	strace $0x9000004D  }
0x5f: {  	s0 =	stileid.u32;
	[bflag:$0x2] =	sbarrier.arrive $0xFFFF  }
0x60: {  	p0 =	sne.s32 s0, $0x0;
	s0 =	rddreg [dreg:$0x2]  }
0x61: {  	s0 =	sadd.s32 @!p0 $0x100000, s0  }
0x62: {  	[sflag:s0] =	ssyncadd.tile.s32 @!p0 $0x1;
	_ =	shalt  }
.Lfunc_end2:
_tile_overlayer_lowered:
.L_overlay_start_2:
0x63: {  	(tag) =	ssettag $0x2  }
0x64: {  	s0 =	rddreg [dreg:$0x0];
	s2 =	stileid.u32  }
0x65: {  	s1 =	rddreg [dreg:$0x1];
	p0 =	sne.s32 s2, $0x0  }
0x66: {  	s3 =	rddreg [dreg:$0x2];
	[bflag:$0x3] =	sbarrier.arrive $0xFFFF;
	s2 =	simm.s32 @!p0 $0x1C03  }
0x67: {  	[timem:s3], [sflag:s2] =	dma.local @!p0 [hbm:s0], s1  }
0x68: {  	s0 =	simm.s32 @!p0 $0x3  }
0x69: {  	_ =	swait.ge @!p0 [sflag:s0], s1  }
0x6a: {  	s1 =	ssub.s32 @!p0 $0x0, s1;
	[sflag:s0] =	ssyncset.done @!p0 $0x0  }
0x6b: {  	[sflag:s0] =	ssyncadd.s32 @!p0 s1  }
0x6c: {  	[bflag:$0x3] =	sbarrier.arrive $0xFFFF  }
0x6d: {  	_ =	shalt  }

// kernel: kernel.8.cloned.1.call-start
scs
__scs_entry_jumppad:
0x0: {  	(pc) =	sbr.rel $0x88, $3  }
0x1: {  	(tag) =	ssettag $0x0;
	lr =	simm.s32 $0x1  }
0x2: {  	[smem:$0x3F94] =	sst lr;
	_ =	strace $0xD0000000  }
0x3: {  	_ = 	snop  }
0x4: {  	_ = 	snop  }
0x5: {  	_ = 	snop  }
0x6: {  	_ = 	snop  }
0x7: {  	_ = 	snop  }
__scs_overlays_trampoline_lowered:
0x8: {  	[smem:$0x3FA3] =	sst s0  }
0x9: {  	[smem:$0x3FA4] =	sst s1  }
0xa: {  	[smem:$0x3FA5] =	sst s2  }
0xb: {  	[smem:$0x3FA6] =	sst s3  }
0xc: {  	[smem:$0x3FA7] =	sst s4  }
0xd: {  	[smem:$0x3FA8] =	sst s5  }
0xe: {  	[smem:$0x3FA9] =	sst s6  }
0xf: {  	[smem:$0x3FAA] =	sst s7  }
0x10: {  	[smem:$0x3FAB] =	sst s8  }
0x11: {  	[smem:$0x3FAC] =	sst s9;
	s0 =	simm.s32 @!p0 $0x0  }
0x12: {  	s1 =	sld [smem:$0x3F92];
	s0 =	simm.s32 @p0 $0x1  }
0x13: {  	[smem:$0x3FAD] =	sst s0;
	s0 =	simm.s32 @!p1 $0x0  }
0x14: {  	s2 =	sld [smem:$0x3F91];
	s0 =	simm.s32 @p1 $0x1  }
0x15: {  	[smem:$0x3FAE] =	sst s0;
	s0 =	simm.s32 @!p2 $0x0  }
0x16: {  	s3 =	sld [smem:$0x3FDB];
	s0 =	simm.s32 @p2 $0x1  }
0x17: {  	s4 =	simm.s32 $0x1BF5;
	[smem:$0x3FB0] =	sst s0  }
0x18: {  	s0 =	sld [smem:$0x3F93];
	_ =	swait.ge [sflag:s4], $0x0  }
0x19: {  	s7 =	sld [smem:$0x3F94]  }
0x1a: {  	s8 =	sadd.s32 $0xFFFFE003, lr  }
0x1b: {  	s9 =	sadd.s32 $0xFFFFFEF7, lr;
	s5 =	simm.s32 $0xFFFFFFFF;
	p2 =	slt.u32 s8, $0xFFFFF086  }
0x1c: {  	p1 =	slt.u32 s9, $0xF7A;
	s5 =	simm.s32 @!p2 $0x0  }
0x1d: {  	s5 =	simm.s32 @p1 $0x1;
	p0 =	seq.s32 s7, s2  }
0x1e: {  	s7 =	smul.u32 @!p0 $0xF7A, s2;
	p2 =	seq.s32 @!p0 s5, $0x0  }
0x1f: {  	s9 =	smul.u32 $0xF7A, s1;
	s8 =	simm.s32 @!p0 $0x1BF5;
	p2 =	por !p2, p0  }
0x20: {  	[sflag:s8] =	ssyncset.s32 @!p0 $0xFFFFF086;
	s6 =	sadd.s32 @!p0 s3, s7;
	s7 =	simm.s32 @!p0 $0x108  }
0x21: {  	s3 =	sadd.s32 s3, s9;
	s6 =	sadd.s32 @!p0 $0x88, s6;
	s7 =	simm.s32 @p2 $0x1082  }
0x22: {  	[simem:s7], [sflag:s8] =	dma.local @!p0 [hbm:s6], $0xF7A  }
0x23: {  	s9 =	sor.u32 $0xD0000000, s2;
	s6 =	simm.s32 $0x108;
	_ =	swait.ge @!p0 [sflag:s8], $0x0  }
0x24: {  	s3 =	sadd.s32 $0x88, s3;
	s6 =	simm.s32 @!p1 $0x1082;
	[sflag:s4] =	ssyncset.s32 $0xFFFFF086  }
0x25: {  	[simem:s6], [sflag:s4] =	dma.local [hbm:s3], $0xF7A  }
0x26: {  	[smem:$0x3F94] =	sst s1;
	(tag) =	ssettag s2;
	_ =	strace s9  }
0x27: {  	s1 =	sld [smem:$0x3FA4]  }
0x28: {  	s2 =	sld [smem:$0x3FA5]  }
0x29: {  	s4 =	sld [smem:$0x3FA7]  }
0x2a: {  	p0 =	seq.s32 s5, $0x0;
	s5 =	sld [smem:$0x3FA8]  }
0x2b: {  	s6 =	sld [smem:$0x3FA9]  }
0x2c: {  	s7 =	sld [smem:$0x3FAA]  }
0x2d: {  	s3 =	simm.s32 $0x108;
	s8 =	sld [smem:$0x3FAB]  }
0x2e: {  	s3 =	simm.s32 @!p0 $0x1082;
	s9 =	sld [smem:$0x3FAC]  }
0x2f: {  	lr =	sadd.s32 s0, s3;
	s0 =	sld [smem:$0x3FA3]  }
0x30: {  	s3 =	sld [smem:$0x3FA6]  }
0x31: {  	[smem:$0x3FAF] =	sst s10  }
0x32: {  	s10 =	sld [smem:$0x3FAD];
	_ =	sdelay $0x3  }
0x33: {  	p0 =	seq.s32 s10, $0x1;
	s10 =	sld [smem:$0x3FAF];
	_ =	sdelay $0x3  }
0x34: {  	[smem:$0x3FAF] =	sst s10  }
0x35: {  	s10 =	sld [smem:$0x3FAE];
	_ =	sdelay $0x3  }
0x36: {  	p1 =	seq.s32 s10, $0x1;
	s10 =	sld [smem:$0x3FAF];
	_ =	sdelay $0x3  }
0x37: {  	[smem:$0x3FAF] =	sst s10  }
0x38: {  	s10 =	sld [smem:$0x3FB0]  }
0x39: {  	_ = 	snop;
	(pc) =	sbr.ind lr, $3  }
0x3a: {  	_ = 	snop  }
0x3b: {  	_ = 	snop  }
0x3c: {  	p2 =	seq.s32 s10, $0x1;
	s10 =	sld [smem:$0x3FAF]  }
0x3d: {  	_ =	shalt  }
0x3e: {  	_ =	shalt  }
0x3f: {  	_ =	shalt  }
0x40: {  	_ =	shalt  }
0x41: {  	_ =	shalt  }
0x42: {  	_ =	shalt  }
0x43: {  	_ =	shalt  }
0x44: {  	_ =	shalt  }
0x45: {  	_ =	shalt  }
0x46: {  	_ =	shalt  }
0x47: {  	_ =	shalt  }
0x48: {  	_ =	shalt  }
0x49: {  	_ =	shalt  }
0x4a: {  	_ =	shalt  }
0x4b: {  	_ =	shalt  }
0x4c: {  	_ =	shalt  }
0x4d: {  	_ =	shalt  }
0x4e: {  	_ =	shalt  }
0x4f: {  	_ =	shalt  }
0x50: {  	_ =	shalt  }
0x51: {  	_ =	shalt  }
0x52: {  	_ =	shalt  }
0x53: {  	_ =	shalt  }
0x54: {  	_ =	shalt  }
0x55: {  	_ =	shalt  }
0x56: {  	_ =	shalt  }
0x57: {  	_ =	shalt  }
0x58: {  	_ =	shalt  }
0x59: {  	_ =	shalt  }
0x5a: {  	_ =	shalt  }
0x5b: {  	_ =	shalt  }
0x5c: {  	_ =	shalt  }
0x5d: {  	_ =	shalt  }
0x5e: {  	_ =	shalt  }
0x5f: {  	_ =	shalt  }
0x60: {  	_ =	shalt  }
0x61: {  	_ =	shalt  }
0x62: {  	_ =	shalt  }
0x63: {  	_ =	shalt  }
0x64: {  	_ =	shalt  }
0x65: {  	_ =	shalt  }
0x66: {  	_ =	shalt  }
0x67: {  	_ =	shalt  }
0x68: {  	_ =	shalt  }
0x69: {  	_ =	shalt  }
0x6a: {  	_ =	shalt  }
0x6b: {  	_ =	shalt  }
0x6c: {  	_ =	shalt  }
0x6d: {  	_ =	shalt  }
0x6e: {  	_ =	shalt  }
0x6f: {  	_ =	shalt  }
0x70: {  	_ =	shalt  }
0x71: {  	_ =	shalt  }
0x72: {  	_ =	shalt  }
0x73: {  	_ =	shalt  }
0x74: {  	_ =	shalt  }
0x75: {  	_ =	shalt  }
0x76: {  	_ =	shalt  }
0x77: {  	_ =	shalt  }
0x78: {  	_ =	shalt  }
0x79: {  	_ =	shalt  }
0x7a: {  	_ =	shalt  }
0x7b: {  	_ =	shalt  }
0x7c: {  	_ =	shalt  }
0x7d: {  	_ =	shalt  }
0x7e: {  	_ =	shalt  }
0x7f: {  	_ =	shalt  }
0x80: {  	_ =	shalt  }
0x81: {  	_ =	shalt  }
0x82: {  	_ =	shalt  }
0x83: {  	_ =	shalt  }
0x84: {  	_ =	shalt  }
0x85: {  	_ =	shalt  }
0x86: {  	_ =	shalt  }
0x87: {  	_ =	shalt  }
.Lfunc_end0:
.L_simem_size_0:
called_computation_lowered:
.L_overlay_start_0:
0x88: {  	s2 =	sld [smem:$0x3FD9]  }
0x89: {  	s3 =	sld [smem:$0x3FFE];
	_ =	sdelay $0x1  }
0x8a: {  	s1 =	srdreg.scid  }
0x8b: {  	s0 =	sand.u32 $0x1, s1  }
0x8c: {  	s16 =	sshll.u32 s0, $0xA;
	s2 =	sadd.s32 s3, s2  }
0x8d: {  	s2 =	sadd.s32 s2, s16  }
0x8e: {  	[smem:$0x3FBB] =	sst s2  }
0x8f: {  	_ = 	snop  }
0x90: {  	(tm) =	ssettm $0x1  }
0x91: {  	s17 =	sld [smem:$0x3FFB];
	_ =	sdelay $0x3  }
0x92: {  	_ =	strace s17  }
0x93: {  	s2 =	sld [smem:$0x3FFC];
	_ =	sdelay $0x3  }
0x94: {  	_ =	strace s2  }
0x95: {  	s2 =	sld [smem:$0x3FFD];
	_ =	sdelay $0x3  }
0x96: {  	_ =	strace s2  }
0x97: {  	_ =	strace $0x8FFFFFFF  }
0x98: {  	s18 =	sld [smem:$0x3FDB];
	_ =	sdelay $0x1  }
0x99: {  	s19 =	simm.s32 $_scs_section_size  }
0x9a: {  	s4 =	simm.s32 $_size__tile_overlayer_lowered;
	s5 =	simm.s32 $_tile_overlayer_lowered  }
0x9b: {  	s22 =	simm.s32 $0x1BFF;
	s21 =	sshll.u32 s5, $0x1;
	s2 =	sadd.s32 s19, s18  }
0x9c: {  	s6 =	simm.s32 $0x0;
	s20 =	sshll.u32 s4, $0x1;
	s4 =	sadd.s32 s21, s2  }
0x9d: {  	[timem:s6], [sflag:s22] =	dma.local [hbm:s4], s20  }
0x9e: {  	_ =	swait.ge [sflag:s22], s20  }
0x9f: {  	s3 =	ssub.s32 $0x0, s20;
	[sflag:s22] =	ssyncset.done $0x0  }
0xa0: {  	[sflag:s22] =	ssyncadd.s32 s3;
	_ =	sdelay $0x1  }
0xa1: {  	s23 =	simm.s32 $0x1B8B  }
0xa2: {  	_ =	swait.ge [sflag:s23], $0x1  }
0xa3: {  	[sflag:s23] =	ssyncset.done $0x0  }
0xa4: {  	s25 =	simm.s32 $0x1B8E;
	s24 =	sld [smem:$0x3FFE];
	[sflag:s23] =	ssyncadd.s32 $0xFFFFFFFF  }
0xa5: {  	s26 =	simm.s32 $execute0_lowered;
	[smem:$0x3FD2] =	sst s25  }
0xa6: {  	s4 =	sshll.u32 s26, $0x1;
	_ =	strace $0x80000046;
	[dreg:$0x1] =	wrdreg $0xFFFFFFFF  }
0xa7: {  	s28 =	simm.s32 $_size_execute0_lowered;
	s2 =	sadd.s32 s2, s4;
	[dreg:$0x0] =	wrdreg $0x0  }
0xa8: {  	s4 =	sshll.u32 s28, $0x1;
	[dreg:$0x2] =	wrdreg s2  }
0xa9: {  	[dreg:$0x3] =	wrdreg s4  }
0xaa: {  	[dreg:$0x4] =	wrdreg $0xC0  }
0xab: {  	_ =	task [dreg:s6], $0x5FFFF  }
0xac: {  	[dreg:$0x1] =	wrdreg $0xFFFFFFFF  }
0xad: {  	[dreg:$0x0] =	wrdreg $0x60  }
0xae: {  	[dreg:$0x2] =	wrdreg s24  }
0xaf: {  	[dreg:$0x3] =	wrdreg $0x50800  }
0xb0: {  	[dreg:$0x4] =	wrdreg $0x9  }
0xb1: {  	_ =	task.clear_ibuf [dreg:s6], $0x5FFFF;
	_ =	strace $0x90000046  }
0xb2: {  	s29 =	simm.s32 $0x9;
	_ =	strace $0x80000048  }
0xb3: {  	_ =	swait.ge [sflag:s29], $0x1  }
0xb4: {  	[sflag:s29] =	ssyncadd.s32 $0xFFFFFFFF  }
0xb5: {  	_ =	strace $0x90000048  }
0xb6: {  	_ =	sfence  }
0xb7: {  	s30 =	sld [smem:$0x0];
	_ =	sdelay $0x2  }
0xb8: {  	s31 =	sshll.u32 s1, $0xD;
	s1 =	sshrl.u32 s1, $0x2  }
0xb9: {  	s3 =	sand.u32 $0x4000, s31;
	s1 =	sadd.s32 s1, s30  }
0xba: {  	s0 =	sor.u32 s3, s0;
	s1 =	sshll.u32 s1, $0x11  }
0xbb: {  	s0 =	sor.u32 s1, s0  }
0xbc: {  	s0 =	sadd.s32 $0x8F2B, s0  }
0xbd: {  	[sflag:s0] =	ssyncadd.remote.s32 $0x1  }
0xbe: {  	_ =	sfence.sel $0xFFFF  }
0xbf: {  	[dreg:$0x0] =	wrdreg $0xFFFFFFFF;
	(pc) =	sbr.abs _section_cstart, $3  }
0xc0: {  	[dreg:$0x1] =	wrdreg $0xFFFFFFFF  }
0xc1: {  	_ =	task.clear_ibuf [dreg:s6], $0x2FFFF;
	_ =	strace $0x9FFFFFFF  }
0xc2: {  	(tm) =	ssettm $0x7FFFFFFF  }
0xc3: {  	_ =	shalt  }
tec
execute0_lowered:
.L_overlay_start_1:
0x0: {  	(tag) =	ssettag $0x1  }
0x1: {  	s6 =	rddreg [dreg:$0x0]  }
0x2: {  	s0 =	srdreg.scid;
	s2 =	rddreg [dreg:$0x1]  }
0x3: {  	s3 =	simm.s32 $0x0;
	s12 =	simm.s32 $0x2800;
	s13 =	simm.s32 $0x50  }
0x4: {  	s14 =	simm.s32 $0x5000;
	s5 =	sand.u32 $0x1, s0;
	s0 =	stileid.u32  }
0x5: {  	s15 =	simm.s32 $0x0;
	[smem:$0x7FF] =	sst s3;
	s7 =	smul.u32 $0x2800, s5  }
0x6: {  	s1 =	sshll.u32 s5, $0x4;
	s8 =	sshll.u32 s0, $0xA;
	s9 =	smul.u32 $0xFFFFD800, s0  }
0x7: {  	s11 =	smul.u32 $0xFFFD8000, s5;
	s5 =	ssub.s32 $0x2, s5;
	p0 =	sgt.u32 s0, $0x9  }
0x8: {  	s4 =	sor.u32 s0, s1;
	s1 =	rddreg [dreg:$0x2];
	_ =	strace $0x80000047  }
0x9: {  	s30 =	sshrl.u32 s5, $0x1;
	s4 =	smul.u32 $0x500, s4;
	s7 =	sadd.s32 s8, s7  }
0xa: {  	s9 =	sadd.s32 s11, s9;
	s11 =	sadd.s32 s8, s2;
	s7 =	sshrl.u32 s7, $0x3  }
0xb: {  	s9 =	sadd.s32 $0x4E200, s9;
	s11 =	sshrl.u32 @!p0 s11, $0x3;
	s10 =	sadd.s32 s4, s6  }
0xc: {  	s4 =	sadd.s32 $0xDA00, s6;
	s6 =	sadd.s32 s7, s6;
	s7 =	ssub.s32 s5, s30  }
0xd: {  	v0 =	vlaneseq.u32;
	s31 =	sshrl.u32 s9, $0x7;
	s9 =	simm.s32 $0x1;
	s5 =	sadd.s32 $0x3A00, s10  }
0xe: {  	v5 =	vimm.f32 $0.0e+00;
	v6 =	vimm.f32 $1.000000000e+00;
	v1 =	vor.u32 $0x10, v0;
	s6 =	sadd.s32 $0x10200, s6;
	s8 =	smin.u32 s31, $0x50;
	s10 =	sshll.u32 @!p0 s0, $0x6  }
0xf: {  	v2 =	vor.u32 $0x20, v0;
	v3 =	vor.u32 $0x30, v0;
	v4 =	vor.u32 $0x40, v0;
	s7 =	smax.u32 s7, $0x1;
	s8 =	sshll.u32 s8, $0x9;
	s10 =	sor.u32 @!p0 $0x1C01, s10  }
.LBB2_1:
0x10: {  	[tilespmem:s3], [sflag:$0x1] =	stream.linear.gather [hbm4b:s5+s3], $0x2800, $0x38;
	[tilespmem:$0x5300] =	vst v63  }
0x11: {  	_ =	swait.ge [sflag:s9], $0x2800  }
0x12: {  	[sflag:s9] =	ssyncset.done $0x0  }
0x13: {  	s16 =	simm.s32 @!p0 $0x1;
	[sflag:s9] =	ssyncadd.s32 $0xFFFFD800  }
0x14: {  	[spmem:s11], [sflag:s10] =	dma.local @!p0 [hbm:s4], $0x80  }
0x15: {  	_ =	swait.ge @!p0 [sflag:s16], $0x80  }
0x16: {  	[sflag:s16] =	ssyncset.done @!p0 $0x0  }
0x17: {  	[sflag:s16] =	ssyncadd.s32 @!p0 $0xFFFFFF80  }
0x18: {  	[tilespmem:$0x5000] =	vst v0  }
0x19: {  	[tilespmem:$0x5010] =	vst v1  }
0x1a: {  	[tilespmem:$0x5020] =	vst v2  }
0x1b: {  	[tilespmem:$0x5030] =	vst v3  }
0x1c: {  	s17 =	simm.s32 $0x200;
	s16 =	simm.s32 $0x0;
	[tilespmem:$0x5040] =	vst v4  }
.LBB2_2:
0x1d: {  	p1 =	sne.s32 s17, $0x9E00;
	[tilespmem:s16+$0x2870] =	vst v5  }
0x1e: {  	[tilespmem:s16+$0x2800] =	vst v5  }
0x1f: {  	[tilespmem:s16+$0x2810] =	vst v5  }
.Ltmp0:
0x20: {  	[tilespmem:s16+$0x2820] =	vst v5;
	(pc) =	sbr.rel @p1 .LBB2_2-.Ltmp0, $4  }
0x21: {  	[tilespmem:s16+$0x2830] =	vst v5  }
0x22: {  	[tilespmem:s16+$0x2840] =	vst v5  }
0x23: {  	[tilespmem:s16+$0x2850] =	vst v5  }
0x24: {  	[tilespmem:s16+$0x2860] =	vst v5;
	s16 =	sshra.s32 s17, $0x2;
	s17 =	sadd.s32 $0x200, s17  }
0x25: {  	[tilespmem:s16+$0x2870] =	vst v5  }
0x26: {  	[tilespmem:s16+$0x2800] =	vst v5  }
0x27: {  	[tilespmem:s16+$0x2810] =	vst v5  }
0x28: {  	[tilespmem:s16+$0x2820] =	vst v5  }
0x29: {  	[tilespmem:s16+$0x2830] =	vst v5  }
0x2a: {  	[tilespmem:s16+$0x2840] =	vst v5  }
0x2b: {  	[tilespmem:s16+$0x2850] =	vst v5  }
0x2c: {  	[tilespmem:s16+$0x2860] =	vst v5  }
0x2d: {  	s16 =	simm.s32 $0x40;
	s17 =	smov.u32 s8;
	[bflag:$0x0] =	sbarrier.arrive $0xFFFF  }
.LBB2_4:
0x2e: {  	v7 =	vld [tilespmem:s16+$0xFFFFFFC0];
	_ =	sdelay $0x7  }
0x2f: {  	[tilespmem:v7+s12+$0x0] =	vst.idx.add.f32.msk $0xffff, v6  }
0x30: {  	v7 =	vld [tilespmem:s16+$0xFFFFFFD0];
	_ =	sdelay $0x7  }
0x31: {  	[tilespmem:v7+s12+$0x0] =	vst.idx.add.f32.msk $0xffff, v6  }
0x32: {  	v7 =	vld [tilespmem:s16+$0xFFFFFFE0];
	_ =	sdelay $0x7  }
0x33: {  	[tilespmem:v7+s12+$0x0] =	vst.idx.add.f32.msk $0xffff, v6  }
0x34: {  	v7 =	vld [tilespmem:s16+$0xFFFFFFF0];
	_ =	sdelay $0x7  }
0x35: {  	[tilespmem:v7+s12+$0x0] =	vst.idx.add.f32.msk $0xffff, v6  }
0x36: {  	v7 =	vld [tilespmem:s16+$0x0];
	_ =	sdelay $0x7  }
0x37: {  	[tilespmem:v7+s12+$0x0] =	vst.idx.add.f32.msk $0xffff, v6  }
0x38: {  	v7 =	vld [tilespmem:s16+$0x10];
	_ =	sdelay $0x7  }
0x39: {  	[tilespmem:v7+s12+$0x0] =	vst.idx.add.f32.msk $0xffff, v6  }
0x3a: {  	v7 =	vld [tilespmem:s16+$0x20];
	_ =	sdelay $0x7  }
0x3b: {  	[tilespmem:v7+s12+$0x0] =	vst.idx.add.f32.msk $0xffff, v6  }
0x3c: {  	v7 =	vld [tilespmem:s16+$0x30];
	_ =	sdelay $0x2  }
0x3d: {  	p1 =	sne.s32 s17, $0x200  }
.Ltmp1:
0x3e: {  	_ = 	snop;
	(pc) =	sbr.rel @p1 .LBB2_4-.Ltmp1, $2  }
0x3f: {  	_ =	sdelay $0x2  }
0x40: {  	s17 =	sadd.s32 $0xFFFFFE00, s17;
	s16 =	sadd.s32 $0x80, s16;
	[tilespmem:v7+s12+$0x0] =	vst.idx.add.f32.msk $0xffff, v6  }
0x41: {  	[spmem:s2] =	stream.indirect.scatter.add.f32 [tilespmem:s12], [sflag:$0x1], $0x80, s14, s13, $0xb8;
	[tilespmem:$0x5300] =	vst v63  }
0x42: {  	_ =	swait.ge [sflag:s9], $0x2800  }
0x43: {  	s15 =	sadd.s32 $0x1, s15;
	[sflag:s9] =	ssyncset.done $0x0  }
0x44: {  	p1 =	sne.s32 s15, s7;
	[sflag:s9] =	ssyncadd.s32 $0xFFFFD800  }
.Ltmp2:
0x45: {  	s16 =	simm.s32 @!p0 $0x1;
	[bflag:$0x0] =	sbarrier.arrive $0xFFFF;
	(pc) =	sbr.rel @p1 .LBB2_1-.Ltmp2, $4  }
0x46: {  	[hbm:s6], [sflag:s10] =	dma.local @!p0 [spmem:s11], $0x80  }
0x47: {  	_ =	swait.ge @!p0 [sflag:s16], $0x80  }
0x48: {  	[sflag:s16] =	ssyncset.done @!p0 $0x0  }
0x49: {  	[sflag:s16] =	ssyncadd.s32 @!p0 $0xFFFFFF80  }
0x4a: {  	_ =	sfence.sel $0x180000  }
0x4b: {  	[bflag:$0x0] =	sbarrier.arrive $0xFFFF  }
0x4c: {  	p0 =	sne.s32 s0, $0x0;
	_ =	strace $0x90000047  }
0x4d: {  	s0 =	sadd.s32 @!p0 $0x100000, s1;
	[bflag:$0x2] =	sbarrier.arrive $0xFFFF  }
0x4e: {  	[sflag:s0] =	ssyncadd.tile.s32 @!p0 $0x1;
	_ =	shalt  }
.Lfunc_end2:
_tile_overlayer_lowered:
.L_overlay_start_2:
0x4f: {  	(tag) =	ssettag $0x2  }
0x50: {  	s0 =	rddreg [dreg:$0x0];
	s2 =	stileid.u32  }
0x51: {  	s1 =	rddreg [dreg:$0x1];
	p0 =	sne.s32 s2, $0x0  }
0x52: {  	s3 =	rddreg [dreg:$0x2];
	[bflag:$0x3] =	sbarrier.arrive $0xFFFF;
	s2 =	simm.s32 @!p0 $0x1C01  }
0x53: {  	[timem:s3], [sflag:s2] =	dma.local @!p0 [hbm:s0], s1  }
0x54: {  	s0 =	simm.s32 @!p0 $0x1  }
0x55: {  	_ =	swait.ge @!p0 [sflag:s0], s1  }
0x56: {  	s1 =	ssub.s32 @!p0 $0x0, s1;
	[sflag:s0] =	ssyncset.done @!p0 $0x0  }
0x57: {  	[sflag:s0] =	ssyncadd.s32 @!p0 s1  }
0x58: {  	[bflag:$0x3] =	sbarrier.arrive $0xFFFF  }
0x59: {  	_ =	shalt  }

</sc_bundles>
